<compile_context>
chip_gen: v7x
topology: tpu7x:2x2x1
jax: 0.10.2.dev20260603
libtpu: 0.0.44.dev20260713+nightly
codegen_flags: <defaults>
</compile_context>

<pallas_src>
import functools
import jax
import jax.numpy as jnp
from jax import lax
from jax.experimental import pallas as pl
from jax.experimental.pallas import tpu as pltpu
from jax.experimental.pallas import tpu_sc as plsc

N = 10000
E = 320000
D = 128
H = 128

NC = 2
NS = 16
NW = NC * NS
L = 16

NP = 10240
EW = E // NW
CK = 128
EWP = 10112
PADW = EWP - EW
CH = 2 * EWP // CK
H2 = H // 2
RPT = NP // NS

_mesh = plsc.VectorSubcoreMesh(
    core_axis_name="c", subcore_axis_name="s", num_cores=NC, num_subcores=NS
)
_sc_params = pltpu.CompilerParams(needs_layout_passes=False)
_sc_params_sc_tiling = pltpu.CompilerParams(
    needs_layout_passes=False, use_tc_tiling_on_sc=False
)


@functools.partial(
    pl.kernel,
    out_type=(
        jax.ShapeDtypeStruct((NW, N), jnp.float32),
        jax.ShapeDtypeStruct((NW * EWP,), jnp.int32),
        jax.ShapeDtypeStruct((NW * EWP,), jnp.int32),
    ),
    mesh=_mesh,
    compiler_params=_sc_params_sc_tiling,
    scratch_types=[
        pltpu.VMEM((EW,), jnp.int32),
        pltpu.VMEM((EW,), jnp.int32),
        pltpu.VMEM((N,), jnp.float32),
        pltpu.VMEM((PADW,), jnp.int32),
        pltpu.VMEM((PADW,), jnp.int32),
    ],
)
def _deg_kernel(edge_hbm, deg_out, src_out, dst_out, s_v, d_v, acc_v, ps_v, pd_v):
    c = lax.axis_index("c")
    s = lax.axis_index("s")
    w = s * NC + c

    start = w * EW
    pltpu.sync_copy(edge_hbm.at[0, pl.ds(start, EW)], s_v)
    pltpu.sync_copy(edge_hbm.at[1, pl.ds(start, EW)], d_v)

    zeros = jnp.zeros((L,), jnp.float32)

    def zero_body(i, _):
        for j in range(5):
            acc_v[pl.ds((i * 5 + j) * L, L)] = zeros
        return 0

    lax.fori_loop(0, N // L // 5, zero_body, 0)

    ones = jnp.ones((L,), jnp.float32)

    def body(i, _):
        for j in range(5):
            idx = d_v[pl.ds((i * 5 + j) * L, L)]
            plsc.addupdate_scatter(acc_v, [idx], ones)
        return 0

    lax.fori_loop(0, EW // L // 5, body, 0)
    pltpu.sync_copy(acc_v, deg_out.at[w])

    lanes = lax.iota(jnp.int32, L)
    for j in range(PADW // L):
        ps_v[pl.ds(j * L, L)] = w * PADW + j * L + lanes
        pd_v[pl.ds(j * L, L)] = N + j * L + lanes

    pltpu.sync_copy(s_v, src_out.at[pl.ds(w * EWP, EW)])
    pltpu.sync_copy(d_v, dst_out.at[pl.ds(w * EWP, EW)])
    pltpu.sync_copy(ps_v, src_out.at[pl.ds(w * EWP + EW, PADW)])
    pltpu.sync_copy(pd_v, dst_out.at[pl.ds(w * EWP + EW, PADW)])


def _edge_pipe(p_hbm, sidx_v, didx_v, bufs, gsems, ssems, acc_sh):
    def sidx(i):
        return sidx_v.at[pl.ds(i * CK, CK)]

    def didx(i):
        return didx_v.at[pl.ds(i * CK, CK)]

    def startg(i, j):
        pltpu.async_copy(p_hbm.at[sidx(i)], bufs[j], gsems[j])

    def waitg(j):
        pltpu.make_async_copy(p_hbm.at[sidx(0)], bufs[j], gsems[j]).wait()

    def starts(i, j):
        pltpu.async_copy(bufs[j], acc_sh.at[didx(i)], ssems[j], add=True)

    def waits(j):
        pltpu.make_async_copy(bufs[j], acc_sh.at[didx(0)], ssems[j]).wait()

    startg(0, 0)
    startg(1, 1)
    waitg(0); starts(0, 0); startg(2, 2)
    waitg(1); starts(1, 1); startg(3, 3)

    def step(i, j):
        waitg(j)
        starts(i, j)
        waits((j + 2) % 4)
        startg(i + 2, (j + 2) % 4)

    step(2, 2)
    step(3, 3)

    def body(k, _):
        i = 4 + 4 * k
        step(i, 0)
        step(i + 1, 1)
        step(i + 2, 2)
        step(i + 3, 3)
        return 0

    lax.fori_loop(0, (CH - 6) // 4, body, 0)

    waitg(0); starts(CH - 2, 0)
    waitg(1); starts(CH - 1, 1)
    waits(2)
    waits(3)
    waits(0)
    waits(1)


@functools.partial(
    pl.kernel,
    out_type=(
        jax.ShapeDtypeStruct((NP, H2), jnp.float32),
        jax.ShapeDtypeStruct((NP, H2), jnp.float32),
    ),
    mesh=_mesh,
    compiler_params=_sc_params_sc_tiling,
    scratch_types=[
        pltpu.VMEM((CH * CK,), jnp.int32),
        pltpu.VMEM((CH * CK,), jnp.int32),
        pltpu.VMEM((CK, H2), jnp.float32),
        pltpu.VMEM((CK, H2), jnp.float32),
        pltpu.VMEM((CK, H2), jnp.float32),
        pltpu.VMEM((CK, H2), jnp.float32),
        pltpu.SemaphoreType.DMA,
        pltpu.SemaphoreType.DMA,
        pltpu.SemaphoreType.DMA,
        pltpu.SemaphoreType.DMA,
        pltpu.SemaphoreType.DMA,
        pltpu.SemaphoreType.DMA,
        pltpu.SemaphoreType.DMA,
        pltpu.SemaphoreType.DMA,
        pltpu.VMEM_SHARED((NP, H2), jnp.float32),
    ],
)
def _row_agg_kernel(
    src_hbm, dst_hbm, p0_hbm, p1_hbm, out0_hbm, out1_hbm,
    sidx_v, didx_v, r0, r1, r2, r3, g0, g1, g2, g3, s0, s1, s2, s3, acc_sh,
):
    c = lax.axis_index("c")
    s = lax.axis_index("s")
    bufs = (r0, r1, r2, r3)
    gsems = (g0, g1, g2, g3)
    ssems = (s0, s1, s2, s3)
    rows0 = r0

    pltpu.sync_copy(src_hbm.at[pl.ds(s * 2 * EWP, 2 * EWP)], sidx_v)
    pltpu.sync_copy(dst_hbm.at[pl.ds(s * 2 * EWP, 2 * EWP)], didx_v)

    def initp(p_hbm):
        @pl.when(s < NS - 1)
        def _():
            pltpu.sync_copy(
                p_hbm.at[pl.ds(s * RPT, RPT)], acc_sh.at[pl.ds(s * RPT, RPT)]
            )

        @pl.when(s == NS - 1)
        def _():
            last = N - (NS - 1) * RPT
            pltpu.sync_copy(
                p_hbm.at[pl.ds((NS - 1) * RPT, last)],
                acc_sh.at[pl.ds((NS - 1) * RPT, last)],
            )
            zeros = jnp.zeros((L,), jnp.float32)

            def zrow(i, _):
                r = i // (H2 // L)
                col = (i % (H2 // L)) * L
                rows0[r, pl.ds(col, L)] = zeros
                return 0

            lax.fori_loop(0, CK * (H2 // L), zrow, 0)
            pltpu.sync_copy(rows0, acc_sh.at[pl.ds(N, CK)])
            pltpu.sync_copy(
                rows0.at[pl.ds(0, NP - N - CK)], acc_sh.at[pl.ds(N + CK, NP - N - CK)]
            )

    @pl.when(c == 0)
    def _():
        initp(p0_hbm)

    @pl.when(c == 1)
    def _():
        initp(p1_hbm)

    plsc.subcore_barrier()

    @pl.when(c == 0)
    def _():
        _edge_pipe(p0_hbm, sidx_v, didx_v, bufs, gsems, ssems, acc_sh)

    @pl.when(c == 1)
    def _():
        _edge_pipe(p1_hbm, sidx_v, didx_v, bufs, gsems, ssems, acc_sh)

    plsc.subcore_barrier()

    @pl.when(c == 0)
    def _():
        pltpu.sync_copy(acc_sh.at[pl.ds(s * RPT, RPT)], out0_hbm.at[pl.ds(s * RPT, RPT)])

    @pl.when(c == 1)
    def _():
        pltpu.sync_copy(acc_sh.at[pl.ds(s * RPT, RPT)], out1_hbm.at[pl.ds(s * RPT, RPT)])


@functools.partial(
    pl.kernel,
    out_type=jax.ShapeDtypeStruct((NW, NP), jnp.float32),
    mesh=_mesh,
    compiler_params=_sc_params,
    scratch_types=[
        pltpu.VMEM((EWP,), jnp.int32),
        pltpu.VMEM((EWP,), jnp.int32),
        pltpu.VMEM((N,), jnp.float32),
        pltpu.VMEM((NP,), jnp.float32),
        pltpu.VMEM_SHARED((N,), jnp.float32),
    ],
)
def _scalar_agg_kernel(
    src_hbm, dst_hbm, q_hbm, out_hbm, sidx_v, didx_v, q_v, acc_v, q_sh
):
    c = lax.axis_index("c")
    s = lax.axis_index("s")
    w = s * NC + c

    @pl.when(s == 0)
    def _():
        pltpu.sync_copy(q_hbm, q_sh)

    pltpu.sync_copy(src_hbm.at[pl.ds(w * EWP, EWP)], sidx_v)
    pltpu.sync_copy(dst_hbm.at[pl.ds(w * EWP, EWP)], didx_v)

    zeros = jnp.zeros((L,), jnp.float32)

    def zero_body(i, _):
        for j in range(5):
            acc_v[pl.ds((i * 5 + j) * L, L)] = zeros
        return 0

    lax.fori_loop(0, NP // L // 5, zero_body, 0)
    plsc.subcore_barrier()
    pltpu.sync_copy(q_sh, q_v)

    def body(i, _):
        for j in range(4):
            sv = sidx_v[pl.ds((i * 4 + j) * L, L)]
            val = plsc.load_gather(q_v, [sv])
            dv = didx_v[pl.ds((i * 4 + j) * L, L)]
            plsc.addupdate_scatter(acc_v, [dv], val)
        return 0

    lax.fori_loop(0, EWP // L // 4, body, 0)
    pltpu.sync_copy(acc_v, out_hbm.at[w])


_RB = 2048
_ONES_DN = (((0,), (0,)), ((), ()))


def _k2_body(degp_ref, x_ref, w1_ref, p0_ref, p1_ref, dinv_ref, dinv_s):
    i = pl.program_id(0)

    @pl.when(i == 0)
    def _():
        ones = jnp.ones((NW, 1), jnp.float32)
        deg = (
            lax.dot_general(
                degp_ref[...], ones, _ONES_DN, preferred_element_type=jnp.float32
            )
            + 1.0
        )
        dinv_s[pl.ds(0, N), :] = lax.rsqrt(deg)

    dinv = dinv_s[pl.ds(i * _RB, _RB), :]
    h = jnp.dot(x_ref[...], w1_ref[...], preferred_element_type=jnp.float32)
    p = h * dinv
    p0_ref[...] = p[:, :H2]
    p1_ref[...] = p[:, H2:]
    dinv_ref[...] = dinv


def _k4_body(agg0_ref, agg1_ref, dinv_ref, b1_ref, w2_ref, qp_ref):
    dinv = dinv_ref[...]
    agg = jnp.concatenate([agg0_ref[...], agg1_ref[...]], axis=1)
    out1 = dinv * agg + b1_ref[...]
    h2 = jnp.maximum(out1, 0.0)
    q = jnp.dot(h2, w2_ref[...], preferred_element_type=jnp.float32)
    qp_ref[...] = (q * dinv)[:, 0]


def _k6_body(aggp_ref, qp_ref, dinv_ref, b2_ref, out_ref):
    ones = jnp.ones((NW, 1), jnp.float32)
    agg2 = lax.dot_general(
        aggp_ref[...], ones, _ONES_DN, preferred_element_type=jnp.float32
    )
    out_ref[...] = dinv_ref[:, 0] * (agg2[:N, 0] + qp_ref[...]) + b2_ref[0, 0]


def kernel(x, edge_index, W1, b1, W2, b2):
    edge_index = edge_index.astype(jnp.int32)

    degp, srcp, dstp = _deg_kernel(edge_index)

    grid = pl.cdiv(N, _RB)
    p0, p1, dinv = pl.pallas_call(
        _k2_body,
        grid=(grid,),
        in_specs=[
            pl.BlockSpec((NW, N), lambda i: (0, 0)),
            pl.BlockSpec((_RB, D), lambda i: (i, 0)),
            pl.BlockSpec((D, H), lambda i: (0, 0)),
        ],
        out_specs=[
            pl.BlockSpec((_RB, H2), lambda i: (i, 0)),
            pl.BlockSpec((_RB, H2), lambda i: (i, 0)),
            pl.BlockSpec((_RB, 1), lambda i: (i, 0)),
        ],
        out_shape=[
            jax.ShapeDtypeStruct((N, H2), jnp.float32),
            jax.ShapeDtypeStruct((N, H2), jnp.float32),
            jax.ShapeDtypeStruct((N, 1), jnp.float32),
        ],
        scratch_shapes=[pltpu.VMEM((NP, 1), jnp.float32)],
    )(degp, x, W1)

    aggp = _row_agg_kernel(srcp, dstp, p0, p1)

    qp = pl.pallas_call(
        _k4_body,
        grid=(grid,),
        in_specs=[
            pl.BlockSpec((_RB, H2), lambda i: (i, 0)),
            pl.BlockSpec((_RB, H2), lambda i: (i, 0)),
            pl.BlockSpec((_RB, 1), lambda i: (i, 0)),
            pl.BlockSpec((1, H), lambda i: (0, 0)),
            pl.BlockSpec((H, 1), lambda i: (0, 0)),
        ],
        out_specs=pl.BlockSpec((_RB,), lambda i: (i,)),
        out_shape=jax.ShapeDtypeStruct((N,), jnp.float32),
    )(aggp[0], aggp[1], dinv, b1.reshape(1, H), W2)

    agg2p = _scalar_agg_kernel(srcp, dstp, qp)

    out = pl.pallas_call(
        _k6_body,
        out_shape=jax.ShapeDtypeStruct((N,), jnp.float32),
    )(agg2p, qp, dinv, b2.reshape(1, 1))

    return out

# --- scband reference (transcript-rebuilt; emitter-appended) ---
"""Pipeline reference for scband-new-cgcnreg-1563368096538 (READ-ONLY COPY).

The authoritative reference and input builder live on the scoring server;
editing this copy changes nothing except your own understanding.
"""

import jax, jax.numpy as jnp
import numpy as np

N = 10000
E = 320000
D = 128
H = 128


def _gcn_conv(x, edge_index, W, b, num_nodes):
    # PyG GCNConv with add_self_loops=True, symmetric normalization
    loops = jnp.arange(num_nodes, dtype=edge_index.dtype)
    src = jnp.concatenate([edge_index[0], loops])
    dst = jnp.concatenate([edge_index[1], loops])
    deg = jax.ops.segment_sum(jnp.ones_like(src, dtype=x.dtype), dst, num_segments=num_nodes)
    dinv = jax.lax.rsqrt(jnp.clip(deg, 1.0))
    norm = dinv[src] * dinv[dst]
    h = x @ W
    msgs = h[src] * norm[:, None]
    out = jax.ops.segment_sum(msgs, dst, num_segments=num_nodes)
    return out + b


def setup_inputs(seed: int = 0) -> dict:
    key = jax.random.key(seed)
    ks = jax.random.split(key, 5)
    x = jax.random.normal(ks[0], (N, D), dtype=jnp.float32)
    edge_index = jax.random.randint(ks[1], (2, E), 0, N)
    bound1 = 1.0 / np.sqrt(D)
    W1 = jax.random.uniform(ks[2], (D, H), jnp.float32, -bound1, bound1)
    b1 = jnp.zeros((H,), jnp.float32)
    bound2 = 1.0 / np.sqrt(H)
    W2 = jax.random.uniform(ks[3], (H, 1), jnp.float32, -bound2, bound2)
    b2 = jnp.zeros((1,), jnp.float32)
    return {"x": x, "edge_index": edge_index, "W1": W1, "b1": b1, "W2": W2, "b2": b2}


def reference(x, edge_index, W1, b1, W2, b2):
    # conv1 -> relu -> dropout(p=0.0, eval: identity) -> conv2 -> view(-1)
    h = jax.nn.relu(_gcn_conv(x, edge_index, W1, b1, N))
    out = _gcn_conv(h, edge_index, W2, b2, N)
    return out.reshape(-1)

if __name__ == "__main__":
    import jax
    _d = setup_inputs()
    print(jax.jit(kernel)(*tuple(_d.values())))

</pallas_src>

<mosaic_0001>
#map = affine_map<(d0, d1) -> (0)>
#map1 = affine_map<(d0, d1) -> (0, 0)>
module attributes {stable_mosaic.version = 14 : i64} {
  func.func @_scalar_agg_kernel(%arg0: i32, %arg1: i32, %arg2: memref<323584xi32, #tpu.memory_space<hbm>>, %arg3: memref<323584xi32, #tpu.memory_space<hbm>>, %arg4: memref<10000xf32, #tpu.memory_space<hbm>>, %arg5: memref<32x10240xf32, #tpu.memory_space<hbm>>, %arg6: memref<10112xi32, #tpu.memory_space<vmem>>, %arg7: memref<10112xi32, #tpu.memory_space<vmem>>, %arg8: memref<10000xf32, #tpu.memory_space<vmem>>, %arg9: memref<10240xf32, #tpu.memory_space<vmem>>, %arg10: memref<10000xf32, #tpu.memory_space<vmem_shared>>) attributes {dimension_semantics = [#tpu.dimension_semantics<core_parallel>, #tpu.dimension_semantics<subcore_parallel>], iteration_bounds = array<i64: 2, 16>, scalar_prefetch = 0 : i64, scratch_operands = 5 : i64, tpu.core_type = #tpu.core_type<sc_vector_subcore>, window_params = [{transform_indices = #map}, {transform_indices = #map}, {transform_indices = #map}, {transform_indices = #map1}]} {
    %mul3A = arith.constant 2 : i32
    %mul3A_0 = arith.muli %arg1, %mul3A : i32
    %add3A = arith.addi %mul3A_0, %arg0 : i32
    %eq3A = arith.constant 0 : i32
    %eq3A_1 = arith.cmpi eq, %arg1, %eq3A : i32
    %convert_element_type3A = arith.extui %eq3A_1 : i1 to i32
    %cond3A = arith.constant 0 : i32
    %cond3A_2 = arith.cmpi ne, %convert_element_type3A, %cond3A : i32
    scf.if %cond3A_2 {
      "tpu.region"() ({
        %run_scoped3A = tpu.sem_alloc : memref<!tpu.dma_semaphore, #tpu.memory_space<semaphore_mem>>
        tpu.enqueue_dma source(%arg4 : memref<10000xf32, #tpu.memory_space<hbm>>) target(%arg10 : memref<10000xf32, #tpu.memory_space<vmem_shared>>) target_semaphore(%run_scoped3A : memref<!tpu.dma_semaphore, #tpu.memory_space<semaphore_mem>>)
        tpu.wait_dma2 semaphore(%run_scoped3A : memref<!tpu.dma_semaphore, #tpu.memory_space<semaphore_mem>>) src(%arg4 : memref<10000xf32, #tpu.memory_space<hbm>>) dst(%arg10 : memref<10000xf32, #tpu.memory_space<vmem_shared>>)
        tpu.yield
      }) : () -> ()
    } else {
    }
    %mul3A_3 = arith.constant 10112 : i32
    %mul3A_4 = arith.muli %add3A, %mul3A_3 : i32
    "tpu.region"() ({
      %run_scoped3A = tpu.sem_alloc : memref<!tpu.dma_semaphore, #tpu.memory_space<semaphore_mem>>
      %dma_start3A = tpu.memref_slice %arg2[%mul3A_4] : memref<323584xi32, #tpu.memory_space<hbm>> -> memref<10112xi32, #tpu.memory_space<hbm>>
      %dma_start3A_21 = tpu.memref_slice %arg2[%mul3A_4] : memref<323584xi32, #tpu.memory_space<hbm>> -> memref<10112xi32, #tpu.memory_space<hbm>>
      tpu.enqueue_dma source(%dma_start3A_21 : memref<10112xi32, #tpu.memory_space<hbm>>) target(%arg6 : memref<10112xi32, #tpu.memory_space<vmem>>) target_semaphore(%run_scoped3A : memref<!tpu.dma_semaphore, #tpu.memory_space<semaphore_mem>>)
      %dma_wait3A = tpu.memref_slice %arg2[%mul3A_4] : memref<323584xi32, #tpu.memory_space<hbm>> -> memref<10112xi32, #tpu.memory_space<hbm>>
      %dma_wait3A_22 = tpu.memref_slice %arg2[%mul3A_4] : memref<323584xi32, #tpu.memory_space<hbm>> -> memref<10112xi32, #tpu.memory_space<hbm>>
      tpu.wait_dma2 semaphore(%run_scoped3A : memref<!tpu.dma_semaphore, #tpu.memory_space<semaphore_mem>>) src(%dma_wait3A_22 : memref<10112xi32, #tpu.memory_space<hbm>>) dst(%arg6 : memref<10112xi32, #tpu.memory_space<vmem>>)
      tpu.yield
    }) : () -> ()
    %mul3A_5 = arith.constant 10112 : i32
    %mul3A_6 = arith.muli %add3A, %mul3A_5 : i32
    "tpu.region"() ({
      %run_scoped3A = tpu.sem_alloc : memref<!tpu.dma_semaphore, #tpu.memory_space<semaphore_mem>>
      %dma_start3A = tpu.memref_slice %arg3[%mul3A_6] : memref<323584xi32, #tpu.memory_space<hbm>> -> memref<10112xi32, #tpu.memory_space<hbm>>
      %dma_start3A_21 = tpu.memref_slice %arg3[%mul3A_6] : memref<323584xi32, #tpu.memory_space<hbm>> -> memref<10112xi32, #tpu.memory_space<hbm>>
      tpu.enqueue_dma source(%dma_start3A_21 : memref<10112xi32, #tpu.memory_space<hbm>>) target(%arg7 : memref<10112xi32, #tpu.memory_space<vmem>>) target_semaphore(%run_scoped3A : memref<!tpu.dma_semaphore, #tpu.memory_space<semaphore_mem>>)
      %dma_wait3A = tpu.memref_slice %arg3[%mul3A_6] : memref<323584xi32, #tpu.memory_space<hbm>> -> memref<10112xi32, #tpu.memory_space<hbm>>
      %dma_wait3A_22 = tpu.memref_slice %arg3[%mul3A_6] : memref<323584xi32, #tpu.memory_space<hbm>> -> memref<10112xi32, #tpu.memory_space<hbm>>
      tpu.wait_dma2 semaphore(%run_scoped3A : memref<!tpu.dma_semaphore, #tpu.memory_space<semaphore_mem>>) src(%dma_wait3A_22 : memref<10112xi32, #tpu.memory_space<hbm>>) dst(%arg7 : memref<10112xi32, #tpu.memory_space<vmem>>)
      tpu.yield
    }) : () -> ()
    %broadcast_in_dim3A = arith.constant 0.000000e+00 : f32
    %broadcast_in_dim3A_7 = vector.broadcast %broadcast_in_dim3A : f32 to vector<16xf32>
    %scan3A = arith.constant 0 : i32
    %scan3A_8 = arith.constant 0 : i32
    %scan3A_9 = arith.constant 128 : i32
    %scan3A_10 = arith.addi %scan3A_8, %scan3A_9 : i32
    %scan3A_11 = arith.constant 1 : i32
    %scan3A_12 = scf.for %scan3A_21 = %scan3A_8 to %scan3A_10 step %scan3A_11 iter_args(%scan3A_22 = %scan3A) -> (i32)  : i32 {
      %mul3A_23 = arith.constant 5 : i32
      %mul3A_24 = arith.muli %scan3A_21, %mul3A_23 : i32
      %add3A_25 = arith.constant 0 : i32
      %add3A_26 = arith.addi %mul3A_24, %add3A_25 : i32
      %mul3A_27 = arith.constant 16 : i32
      %mul3A_28 = arith.muli %add3A_26, %mul3A_27 : i32
      %swap3A = arith.index_cast %mul3A_28 : i32 to index
      %swap3A_29 = tpu.vector_load %arg9[%swap3A] {strides = array<i32>} : memref<10240xf32, #tpu.memory_space<vmem>>, vector<16xf32>,
      tpu.vector_store %arg9[%swap3A], %broadcast_in_dim3A_7 {strides = array<i32>} : memref<10240xf32, #tpu.memory_space<vmem>>, vector<16xf32>,
      %mul3A_30 = arith.constant 5 : i32
      %mul3A_31 = arith.muli %scan3A_21, %mul3A_30 : i32
      %add3A_32 = arith.constant 1 : i32
      %add3A_33 = arith.addi %mul3A_31, %add3A_32 : i32
      %mul3A_34 = arith.constant 16 : i32
      %mul3A_35 = arith.muli %add3A_33, %mul3A_34 : i32
      %swap3A_36 = arith.index_cast %mul3A_35 : i32 to index
      %swap3A_37 = tpu.vector_load %arg9[%swap3A_36] {strides = array<i32>} : memref<10240xf32, #tpu.memory_space<vmem>>, vector<16xf32>,
      tpu.vector_store %arg9[%swap3A_36], %broadcast_in_dim3A_7 {strides = array<i32>} : memref<10240xf32, #tpu.memory_space<vmem>>, vector<16xf32>,
      %mul3A_38 = arith.constant 5 : i32
      %mul3A_39 = arith.muli %scan3A_21, %mul3A_38 : i32
      %add3A_40 = arith.constant 2 : i32
      %add3A_41 = arith.addi %mul3A_39, %add3A_40 : i32
      %mul3A_42 = arith.constant 16 : i32
      %mul3A_43 = arith.muli %add3A_41, %mul3A_42 : i32
      %swap3A_44 = arith.index_cast %mul3A_43 : i32 to index
      %swap3A_45 = tpu.vector_load %arg9[%swap3A_44] {strides = array<i32>} : memref<10240xf32, #tpu.memory_space<vmem>>, vector<16xf32>,
      tpu.vector_store %arg9[%swap3A_44], %broadcast_in_dim3A_7 {strides = array<i32>} : memref<10240xf32, #tpu.memory_space<vmem>>, vector<16xf32>,
      %mul3A_46 = arith.constant 5 : i32
      %mul3A_47 = arith.muli %scan3A_21, %mul3A_46 : i32
      %add3A_48 = arith.constant 3 : i32
      %add3A_49 = arith.addi %mul3A_47, %add3A_48 : i32
      %mul3A_50 = arith.constant 16 : i32
      %mul3A_51 = arith.muli %add3A_49, %mul3A_50 : i32
      %swap3A_52 = arith.index_cast %mul3A_51 : i32 to index
      %swap3A_53 = tpu.vector_load %arg9[%swap3A_52] {strides = array<i32>} : memref<10240xf32, #tpu.memory_space<vmem>>, vector<16xf32>,
      tpu.vector_store %arg9[%swap3A_52], %broadcast_in_dim3A_7 {strides = array<i32>} : memref<10240xf32, #tpu.memory_space<vmem>>, vector<16xf32>,
      %mul3A_54 = arith.constant 5 : i32
      %mul3A_55 = arith.muli %scan3A_21, %mul3A_54 : i32
      %add3A_56 = arith.constant 4 : i32
      %add3A_57 = arith.addi %mul3A_55, %add3A_56 : i32
      %mul3A_58 = arith.constant 16 : i32
      %mul3A_59 = arith.muli %add3A_57, %mul3A_58 : i32
      %swap3A_60 = arith.index_cast %mul3A_59 : i32 to index
      %swap3A_61 = tpu.vector_load %arg9[%swap3A_60] {strides = array<i32>} : memref<10240xf32, #tpu.memory_space<vmem>>, vector<16xf32>,
      tpu.vector_store %arg9[%swap3A_60], %broadcast_in_dim3A_7 {strides = array<i32>} : memref<10240xf32, #tpu.memory_space<vmem>>, vector<16xf32>,
      %scan3A_62 = arith.constant 0 : i32
      scf.yield %scan3A_62 : i32
    }
    %scan3A_13 = arith.constant 128 : i32
    %barrier3A = arith.constant 0 : index
    tpu.barrier barrier_id(%barrier3A)
    "tpu.region"() ({
      %run_scoped3A = tpu.sem_alloc : memref<!tpu.dma_semaphore, #tpu.memory_space<semaphore_mem>>
      tpu.enqueue_dma source(%arg10 : memref<10000xf32, #tpu.memory_space<vmem_shared>>) target(%arg8 : memref<10000xf32, #tpu.memory_space<vmem>>) target_semaphore(%run_scoped3A : memref<!tpu.dma_semaphore, #tpu.memory_space<semaphore_mem>>)
      tpu.wait_dma2 semaphore(%run_scoped3A : memref<!tpu.dma_semaphore, #tpu.memory_space<semaphore_mem>>) src(%arg10 : memref<10000xf32, #tpu.memory_space<vmem_shared>>) dst(%arg8 : memref<10000xf32, #tpu.memory_space<vmem>>)
      tpu.yield
    }) : () -> ()
    %scan3A_14 = arith.constant 0 : i32
    %scan3A_15 = arith.constant 0 : i32
    %scan3A_16 = arith.constant 158 : i32
    %scan3A_17 = arith.addi %scan3A_15, %scan3A_16 : i32
    %scan3A_18 = arith.constant 1 : i32
    %scan3A_19 = scf.for %scan3A_21 = %scan3A_15 to %scan3A_17 step %scan3A_18 iter_args(%scan3A_22 = %scan3A_14) -> (i32)  : i32 {
      %mul3A_23 = arith.constant 4 : i32
      %mul3A_24 = arith.muli %scan3A_21, %mul3A_23 : i32
      %add3A_25 = arith.constant 0 : i32
      %add3A_26 = arith.addi %mul3A_24, %add3A_25 : i32
      %mul3A_27 = arith.constant 16 : i32
      %mul3A_28 = arith.muli %add3A_26, %mul3A_27 : i32
      %get3A = arith.index_cast %mul3A_28 : i32 to index
      %get3A_29 = tpu.vector_load %arg6[%get3A] {strides = array<i32>} : memref<10112xi32, #tpu.memory_space<vmem>>, vector<16xi32>,
      %gather3A = tpu.vector_load_idx %arg8[%get3A_29] : memref<10000xf32, #tpu.memory_space<vmem>>[vector<16xi32>], vector<16xf32>,
      %mul3A_30 = arith.constant 4 : i32
      %mul3A_31 = arith.muli %scan3A_21, %mul3A_30 : i32
      %add3A_32 = arith.constant 0 : i32
      %add3A_33 = arith.addi %mul3A_31, %add3A_32 : i32
      %mul3A_34 = arith.constant 16 : i32
      %mul3A_35 = arith.muli %add3A_33, %mul3A_34 : i32
      %get3A_36 = arith.index_cast %mul3A_35 : i32 to index
      %get3A_37 = tpu.vector_load %arg7[%get3A_36] {strides = array<i32>} : memref<10112xi32, #tpu.memory_space<vmem>>, vector<16xi32>,
      tpu.vector_store_idx %arg9[%get3A_37], %gather3A {add = true} : memref<10240xf32, #tpu.memory_space<vmem>>[vector<16xi32>], vector<16xf32>,
      %mul3A_38 = arith.constant 4 : i32
      %mul3A_39 = arith.muli %scan3A_21, %mul3A_38 : i32
      %add3A_40 = arith.constant 1 : i32
      %add3A_41 = arith.addi %mul3A_39, %add3A_40 : i32
      %mul3A_42 = arith.constant 16 : i32
      %mul3A_43 = arith.muli %add3A_41, %mul3A_42 : i32
      %get3A_44 = arith.index_cast %mul3A_43 : i32 to index
      %get3A_45 = tpu.vector_load %arg6[%get3A_44] {strides = array<i32>} : memref<10112xi32, #tpu.memory_space<vmem>>, vector<16xi32>,
      %gather3A_46 = tpu.vector_load_idx %arg8[%get3A_45] : memref<10000xf32, #tpu.memory_space<vmem>>[vector<16xi32>], vector<16xf32>,
      %mul3A_47 = arith.constant 4 : i32
      %mul3A_48 = arith.muli %scan3A_21, %mul3A_47 : i32
      %add3A_49 = arith.constant 1 : i32
      %add3A_50 = arith.addi %mul3A_48, %add3A_49 : i32
      %mul3A_51 = arith.constant 16 : i32
      %mul3A_52 = arith.muli %add3A_50, %mul3A_51 : i32
      %get3A_53 = arith.index_cast %mul3A_52 : i32 to index
      %get3A_54 = tpu.vector_load %arg7[%get3A_53] {strides = array<i32>} : memref<10112xi32, #tpu.memory_space<vmem>>, vector<16xi32>,
      tpu.vector_store_idx %arg9[%get3A_54], %gather3A_46 {add = true} : memref<10240xf32, #tpu.memory_space<vmem>>[vector<16xi32>], vector<16xf32>,
      %mul3A_55 = arith.constant 4 : i32
      %mul3A_56 = arith.muli %scan3A_21, %mul3A_55 : i32
      %add3A_57 = arith.constant 2 : i32
      %add3A_58 = arith.addi %mul3A_56, %add3A_57 : i32
      %mul3A_59 = arith.constant 16 : i32
      %mul3A_60 = arith.muli %add3A_58, %mul3A_59 : i32
      %get3A_61 = arith.index_cast %mul3A_60 : i32 to index
      %get3A_62 = tpu.vector_load %arg6[%get3A_61] {strides = array<i32>} : memref<10112xi32, #tpu.memory_space<vmem>>, vector<16xi32>,
      %gather3A_63 = tpu.vector_load_idx %arg8[%get3A_62] : memref<10000xf32, #tpu.memory_space<vmem>>[vector<16xi32>], vector<16xf32>,
      %mul3A_64 = arith.constant 4 : i32
      %mul3A_65 = arith.muli %scan3A_21, %mul3A_64 : i32
      %add3A_66 = arith.constant 2 : i32
      %add3A_67 = arith.addi %mul3A_65, %add3A_66 : i32
      %mul3A_68 = arith.constant 16 : i32
      %mul3A_69 = arith.muli %add3A_67, %mul3A_68 : i32
      %get3A_70 = arith.index_cast %mul3A_69 : i32 to index
      %get3A_71 = tpu.vector_load %arg7[%get3A_70] {strides = array<i32>} : memref<10112xi32, #tpu.memory_space<vmem>>, vector<16xi32>,
      tpu.vector_store_idx %arg9[%get3A_71], %gather3A_63 {add = true} : memref<10240xf32, #tpu.memory_space<vmem>>[vector<16xi32>], vector<16xf32>,
      %mul3A_72 = arith.constant 4 : i32
      %mul3A_73 = arith.muli %scan3A_21, %mul3A_72 : i32
      %add3A_74 = arith.constant 3 : i32
      %add3A_75 = arith.addi %mul3A_73, %add3A_74 : i32
      %mul3A_76 = arith.constant 16 : i32
      %mul3A_77 = arith.muli %add3A_75, %mul3A_76 : i32
      %get3A_78 = arith.index_cast %mul3A_77 : i32 to index
      %get3A_79 = tpu.vector_load %arg6[%get3A_78] {strides = array<i32>} : memref<10112xi32, #tpu.memory_space<vmem>>, vector<16xi32>,
      %gather3A_80 = tpu.vector_load_idx %arg8[%get3A_79] : memref<10000xf32, #tpu.memory_space<vmem>>[vector<16xi32>], vector<16xf32>,
      %mul3A_81 = arith.constant 4 : i32
      %mul3A_82 = arith.muli %scan3A_21, %mul3A_81 : i32
      %add3A_83 = arith.constant 3 : i32
      %add3A_84 = arith.addi %mul3A_82, %add3A_83 : i32
      %mul3A_85 = arith.constant 16 : i32
      %mul3A_86 = arith.muli %add3A_84, %mul3A_85 : i32
      %get3A_87 = arith.index_cast %mul3A_86 : i32 to index
      %get3A_88 = tpu.vector_load %arg7[%get3A_87] {strides = array<i32>} : memref<10112xi32, #tpu.memory_space<vmem>>, vector<16xi32>,
      tpu.vector_store_idx %arg9[%get3A_88], %gather3A_80 {add = true} : memref<10240xf32, #tpu.memory_space<vmem>>[vector<16xi32>], vector<16xf32>,
      %scan3A_89 = arith.constant 0 : i32
      scf.yield %scan3A_89 : i32
    }
    %scan3A_20 = arith.constant 158 : i32
    "tpu.region"() ({
      %run_scoped3A = tpu.sem_alloc : memref<!tpu.dma_semaphore, #tpu.memory_space<semaphore_mem>>
      %dma_start3A = arith.constant 0 : i32
      %dma_start3A_21 = tpu.memref_slice %arg5[%add3A, %dma_start3A] : memref<32x10240xf32, #tpu.memory_space<hbm>> -> memref<1x10240xf32, #tpu.memory_space<hbm>>
      %dma_start3A_22 = tpu.memref_squeeze %dma_start3A_21 : memref<1x10240xf32, #tpu.memory_space<hbm>> -> memref<10240xf32, #tpu.memory_space<hbm>>
      %dma_start3A_23 = arith.constant 0 : i32
      %dma_start3A_24 = tpu.memref_slice %arg5[%add3A, %dma_start3A_23] : memref<32x10240xf32, #tpu.memory_space<hbm>> -> memref<1x10240xf32, #tpu.memory_space<hbm>>
      %dma_start3A_25 = tpu.memref_squeeze %dma_start3A_24 : memref<1x10240xf32, #tpu.memory_space<hbm>> -> memref<10240xf32, #tpu.memory_space<hbm>>
      tpu.enqueue_dma source(%arg9 : memref<10240xf32, #tpu.memory_space<vmem>>) target(%dma_start3A_25 : memref<10240xf32, #tpu.memory_space<hbm>>) target_semaphore(%run_scoped3A : memref<!tpu.dma_semaphore, #tpu.memory_space<semaphore_mem>>)
      %dma_wait3A = arith.constant 0 : i32
      %dma_wait3A_26 = tpu.memref_slice %arg5[%add3A, %dma_wait3A] : memref<32x10240xf32, #tpu.memory_space<hbm>> -> memref<1x10240xf32, #tpu.memory_space<hbm>>
      %dma_wait3A_27 = tpu.memref_squeeze %dma_wait3A_26 : memref<1x10240xf32, #tpu.memory_space<hbm>> -> memref<10240xf32, #tpu.memory_space<hbm>>
      %dma_wait3A_28 = arith.constant 0 : i32
      %dma_wait3A_29 = tpu.memref_slice %arg5[%add3A, %dma_wait3A_28] : memref<32x10240xf32, #tpu.memory_space<hbm>> -> memref<1x10240xf32, #tpu.memory_space<hbm>>
      %dma_wait3A_30 = tpu.memref_squeeze %dma_wait3A_29 : memref<1x10240xf32, #tpu.memory_space<hbm>> -> memref<10240xf32, #tpu.memory_space<hbm>>
      tpu.wait_dma2 semaphore(%run_scoped3A : memref<!tpu.dma_semaphore, #tpu.memory_space<semaphore_mem>>) src(%arg9 : memref<10240xf32, #tpu.memory_space<vmem>>) dst(%dma_wait3A_30 : memref<10240xf32, #tpu.memory_space<hbm>>)
      tpu.yield
    }) : () -> ()
    return
  }
}

#map = affine_map<(d0, d1) -> (0, 0)>
#map1 = affine_map<(d0, d1) -> (0)>
module attributes {stable_mosaic.version = 14 : i64} {
  func.func @_deg_kernel(%arg0: i32, %arg1: i32, %arg2: memref<2x320000xi32, #tpu.memory_space<hbm>>, %arg3: memref<32x10000xf32, #tpu.memory_space<hbm>>, %arg4: memref<323584xi32, #tpu.memory_space<hbm>>, %arg5: memref<323584xi32, #tpu.memory_space<hbm>>, %arg6: memref<10000xi32, #tpu.memory_space<vmem>>, %arg7: memref<10000xi32, #tpu.memory_space<vmem>>, %arg8: memref<10000xf32, #tpu.memory_space<vmem>>, %arg9: memref<112xi32, #tpu.memory_space<vmem>>, %arg10: memref<112xi32, #tpu.memory_space<vmem>>) attributes {dimension_semantics = [#tpu.dimension_semantics<core_parallel>, #tpu.dimension_semantics<subcore_parallel>], iteration_bounds = array<i64: 2, 16>, scalar_prefetch = 0 : i64, scratch_operands = 5 : i64, tpu.core_type = #tpu.core_type<sc_vector_subcore>, window_params = [{transform_indices = #map}, {transform_indices = #map}, {transform_indices = #map1}, {transform_indices = #map1}]} {
    %mul3A = arith.constant 2 : i32
    %mul3A_0 = arith.muli %arg1, %mul3A : i32
    %add3A = arith.addi %mul3A_0, %arg0 : i32
    %mul3A_1 = arith.constant 10000 : i32
    %mul3A_2 = arith.muli %add3A, %mul3A_1 : i32
    %run_scoped3A = arith.constant 0 : i32
    "tpu.region"() ({
      %run_scoped3A_122 = tpu.sem_alloc : memref<!tpu.dma_semaphore, #tpu.memory_space<semaphore_mem>>
      %dma_start3A = tpu.memref_slice %arg2[%run_scoped3A, %mul3A_2] : memref<2x320000xi32, #tpu.memory_space<hbm>> -> memref<1x10000xi32, #tpu.memory_space<hbm>>
      %dma_start3A_123 = tpu.memref_squeeze %dma_start3A : memref<1x10000xi32, #tpu.memory_space<hbm>> -> memref<10000xi32, #tpu.memory_space<hbm>>
      %dma_start3A_124 = tpu.memref_slice %arg2[%run_scoped3A, %mul3A_2] : memref<2x320000xi32, #tpu.memory_space<hbm>> -> memref<1x10000xi32, #tpu.memory_space<hbm>>
      %dma_start3A_125 = tpu.memref_squeeze %dma_start3A_124 : memref<1x10000xi32, #tpu.memory_space<hbm>> -> memref<10000xi32, #tpu.memory_space<hbm>>
      tpu.enqueue_dma source(%dma_start3A_125 : memref<10000xi32, #tpu.memory_space<hbm>>) target(%arg6 : memref<10000xi32, #tpu.memory_space<vmem>>) target_semaphore(%run_scoped3A_122 : memref<!tpu.dma_semaphore, #tpu.memory_space<semaphore_mem>>)
      %dma_wait3A = tpu.memref_slice %arg2[%run_scoped3A, %mul3A_2] : memref<2x320000xi32, #tpu.memory_space<hbm>> -> memref<1x10000xi32, #tpu.memory_space<hbm>>
      %dma_wait3A_126 = tpu.memref_squeeze %dma_wait3A : memref<1x10000xi32, #tpu.memory_space<hbm>> -> memref<10000xi32, #tpu.memory_space<hbm>>
      %dma_wait3A_127 = tpu.memref_slice %arg2[%run_scoped3A, %mul3A_2] : memref<2x320000xi32, #tpu.memory_space<hbm>> -> memref<1x10000xi32, #tpu.memory_space<hbm>>
      %dma_wait3A_128 = tpu.memref_squeeze %dma_wait3A_127 : memref<1x10000xi32, #tpu.memory_space<hbm>> -> memref<10000xi32, #tpu.memory_space<hbm>>
      tpu.wait_dma2 semaphore(%run_scoped3A_122 : memref<!tpu.dma_semaphore, #tpu.memory_space<semaphore_mem>>) src(%dma_wait3A_128 : memref<10000xi32, #tpu.memory_space<hbm>>) dst(%arg6 : memref<10000xi32, #tpu.memory_space<vmem>>)
      tpu.yield
    }) : () -> ()
    %run_scoped3A_3 = arith.constant 1 : i32
    "tpu.region"() ({
      %run_scoped3A_122 = tpu.sem_alloc : memref<!tpu.dma_semaphore, #tpu.memory_space<semaphore_mem>>
      %dma_start3A = tpu.memref_slice %arg2[%run_scoped3A_3, %mul3A_2] : memref<2x320000xi32, #tpu.memory_space<hbm>> -> memref<1x10000xi32, #tpu.memory_space<hbm>>
      %dma_start3A_123 = tpu.memref_squeeze %dma_start3A : memref<1x10000xi32, #tpu.memory_space<hbm>> -> memref<10000xi32, #tpu.memory_space<hbm>>
      %dma_start3A_124 = tpu.memref_slice %arg2[%run_scoped3A_3, %mul3A_2] : memref<2x320000xi32, #tpu.memory_space<hbm>> -> memref<1x10000xi32, #tpu.memory_space<hbm>>
      %dma_start3A_125 = tpu.memref_squeeze %dma_start3A_124 : memref<1x10000xi32, #tpu.memory_space<hbm>> -> memref<10000xi32, #tpu.memory_space<hbm>>
      tpu.enqueue_dma source(%dma_start3A_125 : memref<10000xi32, #tpu.memory_space<hbm>>) target(%arg7 : memref<10000xi32, #tpu.memory_space<vmem>>) target_semaphore(%run_scoped3A_122 : memref<!tpu.dma_semaphore, #tpu.memory_space<semaphore_mem>>)
      %dma_wait3A = tpu.memref_slice %arg2[%run_scoped3A_3, %mul3A_2] : memref<2x320000xi32, #tpu.memory_space<hbm>> -> memref<1x10000xi32, #tpu.memory_space<hbm>>
      %dma_wait3A_126 = tpu.memref_squeeze %dma_wait3A : memref<1x10000xi32, #tpu.memory_space<hbm>> -> memref<10000xi32, #tpu.memory_space<hbm>>
      %dma_wait3A_127 = tpu.memref_slice %arg2[%run_scoped3A_3, %mul3A_2] : memref<2x320000xi32, #tpu.memory_space<hbm>> -> memref<1x10000xi32, #tpu.memory_space<hbm>>
      %dma_wait3A_128 = tpu.memref_squeeze %dma_wait3A_127 : memref<1x10000xi32, #tpu.memory_space<hbm>> -> memref<10000xi32, #tpu.memory_space<hbm>>
      tpu.wait_dma2 semaphore(%run_scoped3A_122 : memref<!tpu.dma_semaphore, #tpu.memory_space<semaphore_mem>>) src(%dma_wait3A_128 : memref<10000xi32, #tpu.memory_space<hbm>>) dst(%arg7 : memref<10000xi32, #tpu.memory_space<vmem>>)
      tpu.yield
    }) : () -> ()
    %broadcast_in_dim3A = arith.constant 0.000000e+00 : f32
    %broadcast_in_dim3A_4 = vector.broadcast %broadcast_in_dim3A : f32 to vector<16xf32>
    %scan3A = arith.constant 0 : i32
    %scan3A_5 = arith.constant 0 : i32
    %scan3A_6 = arith.constant 125 : i32
    %scan3A_7 = arith.addi %scan3A_5, %scan3A_6 : i32
    %scan3A_8 = arith.constant 1 : i32
    %scan3A_9 = scf.for %scan3A_122 = %scan3A_5 to %scan3A_7 step %scan3A_8 iter_args(%scan3A_123 = %scan3A) -> (i32)  : i32 {
      %mul3A_124 = arith.constant 5 : i32
      %mul3A_125 = arith.muli %scan3A_122, %mul3A_124 : i32
      %add3A_126 = arith.constant 0 : i32
      %add3A_127 = arith.addi %mul3A_125, %add3A_126 : i32
      %mul3A_128 = arith.constant 16 : i32
      %mul3A_129 = arith.muli %add3A_127, %mul3A_128 : i32
      %swap3A_130 = arith.index_cast %mul3A_129 : i32 to index
      %swap3A_131 = tpu.vector_load %arg8[%swap3A_130] {strides = array<i32>} : memref<10000xf32, #tpu.memory_space<vmem>>, vector<16xf32>,
      tpu.vector_store %arg8[%swap3A_130], %broadcast_in_dim3A_4 {strides = array<i32>} : memref<10000xf32, #tpu.memory_space<vmem>>, vector<16xf32>,
      %mul3A_132 = arith.constant 5 : i32
      %mul3A_133 = arith.muli %scan3A_122, %mul3A_132 : i32
      %add3A_134 = arith.constant 1 : i32
      %add3A_135 = arith.addi %mul3A_133, %add3A_134 : i32
      %mul3A_136 = arith.constant 16 : i32
      %mul3A_137 = arith.muli %add3A_135, %mul3A_136 : i32
      %swap3A_138 = arith.index_cast %mul3A_137 : i32 to index
      %swap3A_139 = tpu.vector_load %arg8[%swap3A_138] {strides = array<i32>} : memref<10000xf32, #tpu.memory_space<vmem>>, vector<16xf32>,
      tpu.vector_store %arg8[%swap3A_138], %broadcast_in_dim3A_4 {strides = array<i32>} : memref<10000xf32, #tpu.memory_space<vmem>>, vector<16xf32>,
      %mul3A_140 = arith.constant 5 : i32
      %mul3A_141 = arith.muli %scan3A_122, %mul3A_140 : i32
      %add3A_142 = arith.constant 2 : i32
      %add3A_143 = arith.addi %mul3A_141, %add3A_142 : i32
      %mul3A_144 = arith.constant 16 : i32
      %mul3A_145 = arith.muli %add3A_143, %mul3A_144 : i32
      %swap3A_146 = arith.index_cast %mul3A_145 : i32 to index
      %swap3A_147 = tpu.vector_load %arg8[%swap3A_146] {strides = array<i32>} : memref<10000xf32, #tpu.memory_space<vmem>>, vector<16xf32>,
      tpu.vector_store %arg8[%swap3A_146], %broadcast_in_dim3A_4 {strides = array<i32>} : memref<10000xf32, #tpu.memory_space<vmem>>, vector<16xf32>,
      %mul3A_148 = arith.constant 5 : i32
      %mul3A_149 = arith.muli %scan3A_122, %mul3A_148 : i32
      %add3A_150 = arith.constant 3 : i32
      %add3A_151 = arith.addi %mul3A_149, %add3A_150 : i32
      %mul3A_152 = arith.constant 16 : i32
      %mul3A_153 = arith.muli %add3A_151, %mul3A_152 : i32
      %swap3A_154 = arith.index_cast %mul3A_153 : i32 to index
      %swap3A_155 = tpu.vector_load %arg8[%swap3A_154] {strides = array<i32>} : memref<10000xf32, #tpu.memory_space<vmem>>, vector<16xf32>,
      tpu.vector_store %arg8[%swap3A_154], %broadcast_in_dim3A_4 {strides = array<i32>} : memref<10000xf32, #tpu.memory_space<vmem>>, vector<16xf32>,
      %mul3A_156 = arith.constant 5 : i32
      %mul3A_157 = arith.muli %scan3A_122, %mul3A_156 : i32
      %add3A_158 = arith.constant 4 : i32
      %add3A_159 = arith.addi %mul3A_157, %add3A_158 : i32
      %mul3A_160 = arith.constant 16 : i32
      %mul3A_161 = arith.muli %add3A_159, %mul3A_160 : i32
      %swap3A_162 = arith.index_cast %mul3A_161 : i32 to index
      %swap3A_163 = tpu.vector_load %arg8[%swap3A_162] {strides = array<i32>} : memref<10000xf32, #tpu.memory_space<vmem>>, vector<16xf32>,
      tpu.vector_store %arg8[%swap3A_162], %broadcast_in_dim3A_4 {strides = array<i32>} : memref<10000xf32, #tpu.memory_space<vmem>>, vector<16xf32>,
      %scan3A_164 = arith.constant 0 : i32
      scf.yield %scan3A_164 : i32
    }
    %scan3A_10 = arith.constant 125 : i32
    %broadcast_in_dim3A_11 = arith.constant 1.000000e+00 : f32
    %broadcast_in_dim3A_12 = vector.broadcast %broadcast_in_dim3A_11 : f32 to vector<16xf32>
    %scan3A_13 = arith.constant 0 : i32
    %scan3A_14 = arith.constant 0 : i32
    %scan3A_15 = arith.constant 125 : i32
    %scan3A_16 = arith.addi %scan3A_14, %scan3A_15 : i32
    %scan3A_17 = arith.constant 1 : i32
    %scan3A_18 = scf.for %scan3A_122 = %scan3A_14 to %scan3A_16 step %scan3A_17 iter_args(%scan3A_123 = %scan3A_13) -> (i32)  : i32 {
      %mul3A_124 = arith.constant 5 : i32
      %mul3A_125 = arith.muli %scan3A_122, %mul3A_124 : i32
      %add3A_126 = arith.constant 0 : i32
      %add3A_127 = arith.addi %mul3A_125, %add3A_126 : i32
      %mul3A_128 = arith.constant 16 : i32
      %mul3A_129 = arith.muli %add3A_127, %mul3A_128 : i32
      %get3A = arith.index_cast %mul3A_129 : i32 to index
      %get3A_130 = tpu.vector_load %arg7[%get3A] {strides = array<i32>} : memref<10000xi32, #tpu.memory_space<vmem>>, vector<16xi32>,
      tpu.vector_store_idx %arg8[%get3A_130], %broadcast_in_dim3A_12 {add = true} : memref<10000xf32, #tpu.memory_space<vmem>>[vector<16xi32>], vector<16xf32>,
      %mul3A_131 = arith.constant 5 : i32
      %mul3A_132 = arith.muli %scan3A_122, %mul3A_131 : i32
      %add3A_133 = arith.constant 1 : i32
      %add3A_134 = arith.addi %mul3A_132, %add3A_133 : i32
      %mul3A_135 = arith.constant 16 : i32
      %mul3A_136 = arith.muli %add3A_134, %mul3A_135 : i32
      %get3A_137 = arith.index_cast %mul3A_136 : i32 to index
      %get3A_138 = tpu.vector_load %arg7[%get3A_137] {strides = array<i32>} : memref<10000xi32, #tpu.memory_space<vmem>>, vector<16xi32>,
      tpu.vector_store_idx %arg8[%get3A_138], %broadcast_in_dim3A_12 {add = true} : memref<10000xf32, #tpu.memory_space<vmem>>[vector<16xi32>], vector<16xf32>,
      %mul3A_139 = arith.constant 5 : i32
      %mul3A_140 = arith.muli %scan3A_122, %mul3A_139 : i32
      %add3A_141 = arith.constant 2 : i32
      %add3A_142 = arith.addi %mul3A_140, %add3A_141 : i32
      %mul3A_143 = arith.constant 16 : i32
      %mul3A_144 = arith.muli %add3A_142, %mul3A_143 : i32
      %get3A_145 = arith.index_cast %mul3A_144 : i32 to index
      %get3A_146 = tpu.vector_load %arg7[%get3A_145] {strides = array<i32>} : memref<10000xi32, #tpu.memory_space<vmem>>, vector<16xi32>,
      tpu.vector_store_idx %arg8[%get3A_146], %broadcast_in_dim3A_12 {add = true} : memref<10000xf32, #tpu.memory_space<vmem>>[vector<16xi32>], vector<16xf32>,
      %mul3A_147 = arith.constant 5 : i32
      %mul3A_148 = arith.muli %scan3A_122, %mul3A_147 : i32
      %add3A_149 = arith.constant 3 : i32
      %add3A_150 = arith.addi %mul3A_148, %add3A_149 : i32
      %mul3A_151 = arith.constant 16 : i32
      %mul3A_152 = arith.muli %add3A_150, %mul3A_151 : i32
      %get3A_153 = arith.index_cast %mul3A_152 : i32 to index
      %get3A_154 = tpu.vector_load %arg7[%get3A_153] {strides = array<i32>} : memref<10000xi32, #tpu.memory_space<vmem>>, vector<16xi32>,
      tpu.vector_store_idx %arg8[%get3A_154], %broadcast_in_dim3A_12 {add = true} : memref<10000xf32, #tpu.memory_space<vmem>>[vector<16xi32>], vector<16xf32>,
      %mul3A_155 = arith.constant 5 : i32
      %mul3A_156 = arith.muli %scan3A_122, %mul3A_155 : i32
      %add3A_157 = arith.constant 4 : i32
      %add3A_158 = arith.addi %mul3A_156, %add3A_157 : i32
      %mul3A_159 = arith.constant 16 : i32
      %mul3A_160 = arith.muli %add3A_158, %mul3A_159 : i32
      %get3A_161 = arith.index_cast %mul3A_160 : i32 to index
      %get3A_162 = tpu.vector_load %arg7[%get3A_161] {strides = array<i32>} : memref<10000xi32, #tpu.memory_space<vmem>>, vector<16xi32>,
      tpu.vector_store_idx %arg8[%get3A_162], %broadcast_in_dim3A_12 {add = true} : memref<10000xf32, #tpu.memory_space<vmem>>[vector<16xi32>], vector<16xf32>,
      %scan3A_163 = arith.constant 0 : i32
      scf.yield %scan3A_163 : i32
    }
    %scan3A_19 = arith.constant 125 : i32
    "tpu.region"() ({
      %run_scoped3A_122 = tpu.sem_alloc : memref<!tpu.dma_semaphore, #tpu.memory_space<semaphore_mem>>
      %dma_start3A = arith.constant 0 : i32
      %dma_start3A_123 = tpu.memref_slice %arg3[%add3A, %dma_start3A] : memref<32x10000xf32, #tpu.memory_space<hbm>> -> memref<1x10000xf32, #tpu.memory_space<hbm>>
      %dma_start3A_124 = tpu.memref_squeeze %dma_start3A_123 : memref<1x10000xf32, #tpu.memory_space<hbm>> -> memref<10000xf32, #tpu.memory_space<hbm>>
      %dma_start3A_125 = arith.constant 0 : i32
      %dma_start3A_126 = tpu.memref_slice %arg3[%add3A, %dma_start3A_125] : memref<32x10000xf32, #tpu.memory_space<hbm>> -> memref<1x10000xf32, #tpu.memory_space<hbm>>
      %dma_start3A_127 = tpu.memref_squeeze %dma_start3A_126 : memref<1x10000xf32, #tpu.memory_space<hbm>> -> memref<10000xf32, #tpu.memory_space<hbm>>
      tpu.enqueue_dma source(%arg8 : memref<10000xf32, #tpu.memory_space<vmem>>) target(%dma_start3A_127 : memref<10000xf32, #tpu.memory_space<hbm>>) target_semaphore(%run_scoped3A_122 : memref<!tpu.dma_semaphore, #tpu.memory_space<semaphore_mem>>)
      %dma_wait3A = arith.constant 0 : i32
      %dma_wait3A_128 = tpu.memref_slice %arg3[%add3A, %dma_wait3A] : memref<32x10000xf32, #tpu.memory_space<hbm>> -> memref<1x10000xf32, #tpu.memory_space<hbm>>
      %dma_wait3A_129 = tpu.memref_squeeze %dma_wait3A_128 : memref<1x10000xf32, #tpu.memory_space<hbm>> -> memref<10000xf32, #tpu.memory_space<hbm>>
      %dma_wait3A_130 = arith.constant 0 : i32
      %dma_wait3A_131 = tpu.memref_slice %arg3[%add3A, %dma_wait3A_130] : memref<32x10000xf32, #tpu.memory_space<hbm>> -> memref<1x10000xf32, #tpu.memory_space<hbm>>
      %dma_wait3A_132 = tpu.memref_squeeze %dma_wait3A_131 : memref<1x10000xf32, #tpu.memory_space<hbm>> -> memref<10000xf32, #tpu.memory_space<hbm>>
      tpu.wait_dma2 semaphore(%run_scoped3A_122 : memref<!tpu.dma_semaphore, #tpu.memory_space<semaphore_mem>>) src(%arg8 : memref<10000xf32, #tpu.memory_space<vmem>>) dst(%dma_wait3A_132 : memref<10000xf32, #tpu.memory_space<hbm>>)
      tpu.yield
    }) : () -> ()
    %iota3A = tpu.iota {dimensions = array<i32: 0>} : vector<16xi32>
    %mul3A_20 = arith.constant 112 : i32
    %mul3A_21 = arith.muli %add3A, %mul3A_20 : i32
    %add3A_22 = arith.constant 0 : i32
    %add3A_23 = arith.addi %mul3A_21, %add3A_22 : i32
    %add3A_24 = vector.broadcast %add3A_23 : i32 to vector<16xi32>
    %add3A_25 = arith.addi %add3A_24, %iota3A : vector<16xi32>
    %swap3A = arith.constant 0 : index
    %swap3A_26 = tpu.vector_load %arg9[%swap3A] {strides = array<i32>} : memref<112xi32, #tpu.memory_space<vmem>>, vector<16xi32>,
    tpu.vector_store %arg9[%swap3A], %add3A_25 {strides = array<i32>} : memref<112xi32, #tpu.memory_space<vmem>>, vector<16xi32>,
    %add3A_27 = arith.constant 10000 : i32
    %add3A_28 = vector.broadcast %add3A_27 : i32 to vector<16xi32>
    %add3A_29 = arith.addi %add3A_28, %iota3A : vector<16xi32>
    %swap3A_30 = arith.constant 0 : index
    %swap3A_31 = tpu.vector_load %arg10[%swap3A_30] {strides = array<i32>} : memref<112xi32, #tpu.memory_space<vmem>>, vector<16xi32>,
    tpu.vector_store %arg10[%swap3A_30], %add3A_29 {strides = array<i32>} : memref<112xi32, #tpu.memory_space<vmem>>, vector<16xi32>,
    %mul3A_32 = arith.constant 112 : i32
    %mul3A_33 = arith.muli %add3A, %mul3A_32 : i32
    %add3A_34 = arith.constant 16 : i32
    %add3A_35 = arith.addi %mul3A_33, %add3A_34 : i32
    %add3A_36 = vector.broadcast %add3A_35 : i32 to vector<16xi32>
    %add3A_37 = arith.addi %add3A_36, %iota3A : vector<16xi32>
    %swap3A_38 = arith.constant 16 : index
    %swap3A_39 = tpu.vector_load %arg9[%swap3A_38] {strides = array<i32>} : memref<112xi32, #tpu.memory_space<vmem>>, vector<16xi32>,
    tpu.vector_store %arg9[%swap3A_38], %add3A_37 {strides = array<i32>} : memref<112xi32, #tpu.memory_space<vmem>>, vector<16xi32>,
    %add3A_40 = arith.constant 10016 : i32
    %add3A_41 = vector.broadcast %add3A_40 : i32 to vector<16xi32>
    %add3A_42 = arith.addi %add3A_41, %iota3A : vector<16xi32>
    %swap3A_43 = arith.constant 16 : index
    %swap3A_44 = tpu.vector_load %arg10[%swap3A_43] {strides = array<i32>} : memref<112xi32, #tpu.memory_space<vmem>>, vector<16xi32>,
    tpu.vector_store %arg10[%swap3A_43], %add3A_42 {strides = array<i32>} : memref<112xi32, #tpu.memory_space<vmem>>, vector<16xi32>,
    %mul3A_45 = arith.constant 112 : i32
    %mul3A_46 = arith.muli %add3A, %mul3A_45 : i32
    %add3A_47 = arith.constant 32 : i32
    %add3A_48 = arith.addi %mul3A_46, %add3A_47 : i32
    %add3A_49 = vector.broadcast %add3A_48 : i32 to vector<16xi32>
    %add3A_50 = arith.addi %add3A_49, %iota3A : vector<16xi32>
    %swap3A_51 = arith.constant 32 : index
    %swap3A_52 = tpu.vector_load %arg9[%swap3A_51] {strides = array<i32>} : memref<112xi32, #tpu.memory_space<vmem>>, vector<16xi32>,
    tpu.vector_store %arg9[%swap3A_51], %add3A_50 {strides = array<i32>} : memref<112xi32, #tpu.memory_space<vmem>>, vector<16xi32>,
    %add3A_53 = arith.constant 10032 : i32
    %add3A_54 = vector.broadcast %add3A_53 : i32 to vector<16xi32>
    %add3A_55 = arith.addi %add3A_54, %iota3A : vector<16xi32>
    %swap3A_56 = arith.constant 32 : index
    %swap3A_57 = tpu.vector_load %arg10[%swap3A_56] {strides = array<i32>} : memref<112xi32, #tpu.memory_space<vmem>>, vector<16xi32>,
    tpu.vector_store %arg10[%swap3A_56], %add3A_55 {strides = array<i32>} : memref<112xi32, #tpu.memory_space<vmem>>, vector<16xi32>,
    %mul3A_58 = arith.constant 112 : i32
    %mul3A_59 = arith.muli %add3A, %mul3A_58 : i32
    %add3A_60 = arith.constant 48 : i32
    %add3A_61 = arith.addi %mul3A_59, %add3A_60 : i32
    %add3A_62 = vector.broadcast %add3A_61 : i32 to vector<16xi32>
    %add3A_63 = arith.addi %add3A_62, %iota3A : vector<16xi32>
    %swap3A_64 = arith.constant 48 : index
    %swap3A_65 = tpu.vector_load %arg9[%swap3A_64] {strides = array<i32>} : memref<112xi32, #tpu.memory_space<vmem>>, vector<16xi32>,
    tpu.vector_store %arg9[%swap3A_64], %add3A_63 {strides = array<i32>} : memref<112xi32, #tpu.memory_space<vmem>>, vector<16xi32>,
    %add3A_66 = arith.constant 10048 : i32
    %add3A_67 = vector.broadcast %add3A_66 : i32 to vector<16xi32>
    %add3A_68 = arith.addi %add3A_67, %iota3A : vector<16xi32>
    %swap3A_69 = arith.constant 48 : index
    %swap3A_70 = tpu.vector_load %arg10[%swap3A_69] {strides = array<i32>} : memref<112xi32, #tpu.memory_space<vmem>>, vector<16xi32>,
    tpu.vector_store %arg10[%swap3A_69], %add3A_68 {strides = array<i32>} : memref<112xi32, #tpu.memory_space<vmem>>, vector<16xi32>,
    %mul3A_71 = arith.constant 112 : i32
    %mul3A_72 = arith.muli %add3A, %mul3A_71 : i32
    %add3A_73 = arith.constant 64 : i32
    %add3A_74 = arith.addi %mul3A_72, %add3A_73 : i32
    %add3A_75 = vector.broadcast %add3A_74 : i32 to vector<16xi32>
    %add3A_76 = arith.addi %add3A_75, %iota3A : vector<16xi32>
    %swap3A_77 = arith.constant 64 : index
    %swap3A_78 = tpu.vector_load %arg9[%swap3A_77] {strides = array<i32>} : memref<112xi32, #tpu.memory_space<vmem>>, vector<16xi32>,
    tpu.vector_store %arg9[%swap3A_77], %add3A_76 {strides = array<i32>} : memref<112xi32, #tpu.memory_space<vmem>>, vector<16xi32>,
    %add3A_79 = arith.constant 10064 : i32
    %add3A_80 = vector.broadcast %add3A_79 : i32 to vector<16xi32>
    %add3A_81 = arith.addi %add3A_80, %iota3A : vector<16xi32>
    %swap3A_82 = arith.constant 64 : index
    %swap3A_83 = tpu.vector_load %arg10[%swap3A_82] {strides = array<i32>} : memref<112xi32, #tpu.memory_space<vmem>>, vector<16xi32>,
    tpu.vector_store %arg10[%swap3A_82], %add3A_81 {strides = array<i32>} : memref<112xi32, #tpu.memory_space<vmem>>, vector<16xi32>,
    %mul3A_84 = arith.constant 112 : i32
    %mul3A_85 = arith.muli %add3A, %mul3A_84 : i32
    %add3A_86 = arith.constant 80 : i32
    %add3A_87 = arith.addi %mul3A_85, %add3A_86 : i32
    %add3A_88 = vector.broadcast %add3A_87 : i32 to vector<16xi32>
    %add3A_89 = arith.addi %add3A_88, %iota3A : vector<16xi32>
    %swap3A_90 = arith.constant 80 : index
    %swap3A_91 = tpu.vector_load %arg9[%swap3A_90] {strides = array<i32>} : memref<112xi32, #tpu.memory_space<vmem>>, vector<16xi32>,
    tpu.vector_store %arg9[%swap3A_90], %add3A_89 {strides = array<i32>} : memref<112xi32, #tpu.memory_space<vmem>>, vector<16xi32>,
    %add3A_92 = arith.constant 10080 : i32
    %add3A_93 = vector.broadcast %add3A_92 : i32 to vector<16xi32>
    %add3A_94 = arith.addi %add3A_93, %iota3A : vector<16xi32>
    %swap3A_95 = arith.constant 80 : index
    %swap3A_96 = tpu.vector_load %arg10[%swap3A_95] {strides = array<i32>} : memref<112xi32, #tpu.memory_space<vmem>>, vector<16xi32>,
    tpu.vector_store %arg10[%swap3A_95], %add3A_94 {strides = array<i32>} : memref<112xi32, #tpu.memory_space<vmem>>, vector<16xi32>,
    %mul3A_97 = arith.constant 112 : i32
    %mul3A_98 = arith.muli %add3A, %mul3A_97 : i32
    %add3A_99 = arith.constant 96 : i32
    %add3A_100 = arith.addi %mul3A_98, %add3A_99 : i32
    %add3A_101 = vector.broadcast %add3A_100 : i32 to vector<16xi32>
    %add3A_102 = arith.addi %add3A_101, %iota3A : vector<16xi32>
    %swap3A_103 = arith.constant 96 : index
    %swap3A_104 = tpu.vector_load %arg9[%swap3A_103] {strides = array<i32>} : memref<112xi32, #tpu.memory_space<vmem>>, vector<16xi32>,
    tpu.vector_store %arg9[%swap3A_103], %add3A_102 {strides = array<i32>} : memref<112xi32, #tpu.memory_space<vmem>>, vector<16xi32>,
    %add3A_105 = arith.constant 10096 : i32
    %add3A_106 = vector.broadcast %add3A_105 : i32 to vector<16xi32>
    %add3A_107 = arith.addi %add3A_106, %iota3A : vector<16xi32>
    %swap3A_108 = arith.constant 96 : index
    %swap3A_109 = tpu.vector_load %arg10[%swap3A_108] {strides = array<i32>} : memref<112xi32, #tpu.memory_space<vmem>>, vector<16xi32>,
    tpu.vector_store %arg10[%swap3A_108], %add3A_107 {strides = array<i32>} : memref<112xi32, #tpu.memory_space<vmem>>, vector<16xi32>,
    %mul3A_110 = arith.constant 10112 : i32
    %mul3A_111 = arith.muli %add3A, %mul3A_110 : i32
    "tpu.region"() ({
      %run_scoped3A_122 = tpu.sem_alloc : memref<!tpu.dma_semaphore, #tpu.memory_space<semaphore_mem>>
      %dma_start3A = tpu.memref_slice %arg4[%mul3A_111] : memref<323584xi32, #tpu.memory_space<hbm>> -> memref<10000xi32, #tpu.memory_space<hbm>>
      %dma_start3A_123 = tpu.memref_slice %arg4[%mul3A_111] : memref<323584xi32, #tpu.memory_space<hbm>> -> memref<10000xi32, #tpu.memory_space<hbm>>
      tpu.enqueue_dma source(%arg6 : memref<10000xi32, #tpu.memory_space<vmem>>) target(%dma_start3A_123 : memref<10000xi32, #tpu.memory_space<hbm>>) target_semaphore(%run_scoped3A_122 : memref<!tpu.dma_semaphore, #tpu.memory_space<semaphore_mem>>)
      %dma_wait3A = tpu.memref_slice %arg4[%mul3A_111] : memref<323584xi32, #tpu.memory_space<hbm>> -> memref<10000xi32, #tpu.memory_space<hbm>>
      %dma_wait3A_124 = tpu.memref_slice %arg4[%mul3A_111] : memref<323584xi32, #tpu.memory_space<hbm>> -> memref<10000xi32, #tpu.memory_space<hbm>>
      tpu.wait_dma2 semaphore(%run_scoped3A_122 : memref<!tpu.dma_semaphore, #tpu.memory_space<semaphore_mem>>) src(%arg6 : memref<10000xi32, #tpu.memory_space<vmem>>) dst(%dma_wait3A_124 : memref<10000xi32, #tpu.memory_space<hbm>>)
      tpu.yield
    }) : () -> ()
    %mul3A_112 = arith.constant 10112 : i32
    %mul3A_113 = arith.muli %add3A, %mul3A_112 : i32
    "tpu.region"() ({
      %run_scoped3A_122 = tpu.sem_alloc : memref<!tpu.dma_semaphore, #tpu.memory_space<semaphore_mem>>
      %dma_start3A = tpu.memref_slice %arg5[%mul3A_113] : memref<323584xi32, #tpu.memory_space<hbm>> -> memref<10000xi32, #tpu.memory_space<hbm>>
      %dma_start3A_123 = tpu.memref_slice %arg5[%mul3A_113] : memref<323584xi32, #tpu.memory_space<hbm>> -> memref<10000xi32, #tpu.memory_space<hbm>>
      tpu.enqueue_dma source(%arg7 : memref<10000xi32, #tpu.memory_space<vmem>>) target(%dma_start3A_123 : memref<10000xi32, #tpu.memory_space<hbm>>) target_semaphore(%run_scoped3A_122 : memref<!tpu.dma_semaphore, #tpu.memory_space<semaphore_mem>>)
      %dma_wait3A = tpu.memref_slice %arg5[%mul3A_113] : memref<323584xi32, #tpu.memory_space<hbm>> -> memref<10000xi32, #tpu.memory_space<hbm>>
      %dma_wait3A_124 = tpu.memref_slice %arg5[%mul3A_113] : memref<323584xi32, #tpu.memory_space<hbm>> -> memref<10000xi32, #tpu.memory_space<hbm>>
      tpu.wait_dma2 semaphore(%run_scoped3A_122 : memref<!tpu.dma_semaphore, #tpu.memory_space<semaphore_mem>>) src(%arg7 : memref<10000xi32, #tpu.memory_space<vmem>>) dst(%dma_wait3A_124 : memref<10000xi32, #tpu.memory_space<hbm>>)
      tpu.yield
    }) : () -> ()
    %mul3A_114 = arith.constant 10112 : i32
    %mul3A_115 = arith.muli %add3A, %mul3A_114 : i32
    %add3A_116 = arith.constant 10000 : i32
    %add3A_117 = arith.addi %mul3A_115, %add3A_116 : i32
    "tpu.region"() ({
      %run_scoped3A_122 = tpu.sem_alloc : memref<!tpu.dma_semaphore, #tpu.memory_space<semaphore_mem>>
      %dma_start3A = tpu.memref_slice %arg4[%add3A_117] : memref<323584xi32, #tpu.memory_space<hbm>> -> memref<112xi32, #tpu.memory_space<hbm>>
      %dma_start3A_123 = tpu.memref_slice %arg4[%add3A_117] : memref<323584xi32, #tpu.memory_space<hbm>> -> memref<112xi32, #tpu.memory_space<hbm>>
      tpu.enqueue_dma source(%arg9 : memref<112xi32, #tpu.memory_space<vmem>>) target(%dma_start3A_123 : memref<112xi32, #tpu.memory_space<hbm>>) target_semaphore(%run_scoped3A_122 : memref<!tpu.dma_semaphore, #tpu.memory_space<semaphore_mem>>)
      %dma_wait3A = tpu.memref_slice %arg4[%add3A_117] : memref<323584xi32, #tpu.memory_space<hbm>> -> memref<112xi32, #tpu.memory_space<hbm>>
      %dma_wait3A_124 = tpu.memref_slice %arg4[%add3A_117] : memref<323584xi32, #tpu.memory_space<hbm>> -> memref<112xi32, #tpu.memory_space<hbm>>
      tpu.wait_dma2 semaphore(%run_scoped3A_122 : memref<!tpu.dma_semaphore, #tpu.memory_space<semaphore_mem>>) src(%arg9 : memref<112xi32, #tpu.memory_space<vmem>>) dst(%dma_wait3A_124 : memref<112xi32, #tpu.memory_space<hbm>>)
      tpu.yield
    }) : () -> ()
    %mul3A_118 = arith.constant 10112 : i32
    %mul3A_119 = arith.muli %add3A, %mul3A_118 : i32
    %add3A_120 = arith.constant 10000 : i32
    %add3A_121 = arith.addi %mul3A_119, %add3A_120 : i32
    "tpu.region"() ({
      %run_scoped3A_122 = tpu.sem_alloc : memref<!tpu.dma_semaphore, #tpu.memory_space<semaphore_mem>>
      %dma_start3A = tpu.memref_slice %arg5[%add3A_121] : memref<323584xi32, #tpu.memory_space<hbm>> -> memref<112xi32, #tpu.memory_space<hbm>>
      %dma_start3A_123 = tpu.memref_slice %arg5[%add3A_121] : memref<323584xi32, #tpu.memory_space<hbm>> -> memref<112xi32, #tpu.memory_space<hbm>>
      tpu.enqueue_dma source(%arg10 : memref<112xi32, #tpu.memory_space<vmem>>) target(%dma_start3A_123 : memref<112xi32, #tpu.memory_space<hbm>>) target_semaphore(%run_scoped3A_122 : memref<!tpu.dma_semaphore, #tpu.memory_space<semaphore_mem>>)
      %dma_wait3A = tpu.memref_slice %arg5[%add3A_121] : memref<323584xi32, #tpu.memory_space<hbm>> -> memref<112xi32, #tpu.memory_space<hbm>>
      %dma_wait3A_124 = tpu.memref_slice %arg5[%add3A_121] : memref<323584xi32, #tpu.memory_space<hbm>> -> memref<112xi32, #tpu.memory_space<hbm>>
      tpu.wait_dma2 semaphore(%run_scoped3A_122 : memref<!tpu.dma_semaphore, #tpu.memory_space<semaphore_mem>>) src(%arg10 : memref<112xi32, #tpu.memory_space<vmem>>) dst(%dma_wait3A_124 : memref<112xi32, #tpu.memory_space<hbm>>)
      tpu.yield
    }) : () -> ()
    return
  }
}

#map = affine_map<(d0, d1) -> (0)>
#map1 = affine_map<(d0, d1) -> (0, 0)>
module attributes {stable_mosaic.version = 14 : i64} {
  func.func @_row_agg_kernel(%arg0: i32, %arg1: i32, %arg2: memref<323584xi32, #tpu.memory_space<hbm>>, %arg3: memref<323584xi32, #tpu.memory_space<hbm>>, %arg4: memref<10000x64xf32, #tpu.memory_space<hbm>>, %arg5: memref<10000x64xf32, #tpu.memory_space<hbm>>, %arg6: memref<10240x64xf32, #tpu.memory_space<hbm>>, %arg7: memref<10240x64xf32, #tpu.memory_space<hbm>>, %arg8: memref<20224xi32, #tpu.memory_space<vmem>>, %arg9: memref<20224xi32, #tpu.memory_space<vmem>>, %arg10: memref<128x64xf32, #tpu.memory_space<vmem>>, %arg11: memref<128x64xf32, #tpu.memory_space<vmem>>, %arg12: memref<128x64xf32, #tpu.memory_space<vmem>>, %arg13: memref<128x64xf32, #tpu.memory_space<vmem>>, %arg14: memref<!tpu.dma_semaphore, #tpu.memory_space<semaphore_mem>>, %arg15: memref<!tpu.dma_semaphore, #tpu.memory_space<semaphore_mem>>, %arg16: memref<!tpu.dma_semaphore, #tpu.memory_space<semaphore_mem>>, %arg17: memref<!tpu.dma_semaphore, #tpu.memory_space<semaphore_mem>>, %arg18: memref<!tpu.dma_semaphore, #tpu.memory_space<semaphore_mem>>, %arg19: memref<!tpu.dma_semaphore, #tpu.memory_space<semaphore_mem>>, %arg20: memref<!tpu.dma_semaphore, #tpu.memory_space<semaphore_mem>>, %arg21: memref<!tpu.dma_semaphore, #tpu.memory_space<semaphore_mem>>, %arg22: memref<10240x64xf32, #tpu.memory_space<vmem_shared>>) attributes {dimension_semantics = [#tpu.dimension_semantics<core_parallel>, #tpu.dimension_semantics<subcore_parallel>], iteration_bounds = array<i64: 2, 16>, scalar_prefetch = 0 : i64, scratch_operands = 15 : i64, tpu.core_type = #tpu.core_type<sc_vector_subcore>, window_params = [{transform_indices = #map}, {transform_indices = #map}, {transform_indices = #map1}, {transform_indices = #map1}, {transform_indices = #map1}, {transform_indices = #map1}]} {
    %mul3A = arith.constant 2 : i32
    %mul3A_0 = arith.muli %arg1, %mul3A : i32
    %mul3A_1 = arith.constant 10112 : i32
    %mul3A_2 = arith.muli %mul3A_0, %mul3A_1 : i32
    "tpu.region"() ({
      %run_scoped3A = tpu.sem_alloc : memref<!tpu.dma_semaphore, #tpu.memory_space<semaphore_mem>>
      %dma_start3A = tpu.memref_slice %arg2[%mul3A_2] : memref<323584xi32, #tpu.memory_space<hbm>> -> memref<20224xi32, #tpu.memory_space<hbm>>
      %dma_start3A_35 = tpu.memref_slice %arg2[%mul3A_2] : memref<323584xi32, #tpu.memory_space<hbm>> -> memref<20224xi32, #tpu.memory_space<hbm>>
      tpu.enqueue_dma source(%dma_start3A_35 : memref<20224xi32, #tpu.memory_space<hbm>>) target(%arg8 : memref<20224xi32, #tpu.memory_space<vmem>>) target_semaphore(%run_scoped3A : memref<!tpu.dma_semaphore, #tpu.memory_space<semaphore_mem>>)
      %dma_wait3A = tpu.memref_slice %arg2[%mul3A_2] : memref<323584xi32, #tpu.memory_space<hbm>> -> memref<20224xi32, #tpu.memory_space<hbm>>
      %dma_wait3A_36 = tpu.memref_slice %arg2[%mul3A_2] : memref<323584xi32, #tpu.memory_space<hbm>> -> memref<20224xi32, #tpu.memory_space<hbm>>
      tpu.wait_dma2 semaphore(%run_scoped3A : memref<!tpu.dma_semaphore, #tpu.memory_space<semaphore_mem>>) src(%dma_wait3A_36 : memref<20224xi32, #tpu.memory_space<hbm>>) dst(%arg8 : memref<20224xi32, #tpu.memory_space<vmem>>)
      tpu.yield
    }) : () -> ()
    %mul3A_3 = arith.constant 2 : i32
    %mul3A_4 = arith.muli %arg1, %mul3A_3 : i32
    %mul3A_5 = arith.constant 10112 : i32
    %mul3A_6 = arith.muli %mul3A_4, %mul3A_5 : i32
    "tpu.region"() ({
      %run_scoped3A = tpu.sem_alloc : memref<!tpu.dma_semaphore, #tpu.memory_space<semaphore_mem>>
      %dma_start3A = tpu.memref_slice %arg3[%mul3A_6] : memref<323584xi32, #tpu.memory_space<hbm>> -> memref<20224xi32, #tpu.memory_space<hbm>>
      %dma_start3A_35 = tpu.memref_slice %arg3[%mul3A_6] : memref<323584xi32, #tpu.memory_space<hbm>> -> memref<20224xi32, #tpu.memory_space<hbm>>
      tpu.enqueue_dma source(%dma_start3A_35 : memref<20224xi32, #tpu.memory_space<hbm>>) target(%arg9 : memref<20224xi32, #tpu.memory_space<vmem>>) target_semaphore(%run_scoped3A : memref<!tpu.dma_semaphore, #tpu.memory_space<semaphore_mem>>)
      %dma_wait3A = tpu.memref_slice %arg3[%mul3A_6] : memref<323584xi32, #tpu.memory_space<hbm>> -> memref<20224xi32, #tpu.memory_space<hbm>>
      %dma_wait3A_36 = tpu.memref_slice %arg3[%mul3A_6] : memref<323584xi32, #tpu.memory_space<hbm>> -> memref<20224xi32, #tpu.memory_space<hbm>>
      tpu.wait_dma2 semaphore(%run_scoped3A : memref<!tpu.dma_semaphore, #tpu.memory_space<semaphore_mem>>) src(%dma_wait3A_36 : memref<20224xi32, #tpu.memory_space<hbm>>) dst(%arg9 : memref<20224xi32, #tpu.memory_space<vmem>>)
      tpu.yield
    }) : () -> ()
    %eq3A = arith.constant 0 : i32
    %eq3A_7 = arith.cmpi eq, %arg0, %eq3A : i32
    %convert_element_type3A = arith.extui %eq3A_7 : i1 to i32
    %cond3A = arith.constant 0 : i32
    %cond3A_8 = arith.cmpi ne, %convert_element_type3A, %cond3A : i32
    scf.if %cond3A_8 {
      %lt3A = arith.constant 15 : i32
      %lt3A_35 = arith.cmpi slt, %arg1, %lt3A : i32
      %convert_element_type3A_36 = arith.extui %lt3A_35 : i1 to i32
      %cond3A_37 = arith.constant 0 : i32
      %cond3A_38 = arith.cmpi ne, %convert_element_type3A_36, %cond3A_37 : i32
      scf.if %cond3A_38 {
        %mul3A_44 = arith.constant 640 : i32
        %mul3A_45 = arith.muli %arg1, %mul3A_44 : i32
        %mul3A_46 = arith.constant 640 : i32
        %mul3A_47 = arith.muli %arg1, %mul3A_46 : i32
        "tpu.region"() ({
          %run_scoped3A = tpu.sem_alloc : memref<!tpu.dma_semaphore, #tpu.memory_space<semaphore_mem>>
          %dma_start3A = arith.constant 0 : i32
          %dma_start3A_48 = tpu.memref_slice %arg22[%mul3A_47, %dma_start3A] : memref<10240x64xf32, #tpu.memory_space<vmem_shared>> -> memref<640x64xf32, #tpu.memory_space<vmem_shared>>
          %dma_start3A_49 = arith.constant 0 : i32
          %dma_start3A_50 = tpu.memref_slice %arg4[%mul3A_45, %dma_start3A_49] : memref<10000x64xf32, #tpu.memory_space<hbm>> -> memref<640x64xf32, #tpu.memory_space<hbm>>
          tpu.enqueue_dma source(%dma_start3A_50 : memref<640x64xf32, #tpu.memory_space<hbm>>) target(%dma_start3A_48 : memref<640x64xf32, #tpu.memory_space<vmem_shared>>) target_semaphore(%run_scoped3A : memref<!tpu.dma_semaphore, #tpu.memory_space<semaphore_mem>>)
          %dma_wait3A = arith.constant 0 : i32
          %dma_wait3A_51 = tpu.memref_slice %arg22[%mul3A_47, %dma_wait3A] : memref<10240x64xf32, #tpu.memory_space<vmem_shared>> -> memref<640x64xf32, #tpu.memory_space<vmem_shared>>
          %dma_wait3A_52 = arith.constant 0 : i32
          %dma_wait3A_53 = tpu.memref_slice %arg4[%mul3A_45, %dma_wait3A_52] : memref<10000x64xf32, #tpu.memory_space<hbm>> -> memref<640x64xf32, #tpu.memory_space<hbm>>
          tpu.wait_dma2 semaphore(%run_scoped3A : memref<!tpu.dma_semaphore, #tpu.memory_space<semaphore_mem>>) src(%dma_wait3A_53 : memref<640x64xf32, #tpu.memory_space<hbm>>) dst(%dma_wait3A_51 : memref<640x64xf32, #tpu.memory_space<vmem_shared>>)
          tpu.yield
        }) : () -> ()
      } else {
      }
      %eq3A_39 = arith.constant 15 : i32
      %eq3A_40 = arith.cmpi eq, %arg1, %eq3A_39 : i32
      %convert_element_type3A_41 = arith.extui %eq3A_40 : i1 to i32
      %cond3A_42 = arith.constant 0 : i32
      %cond3A_43 = arith.cmpi ne, %convert_element_type3A_41, %cond3A_42 : i32
      scf.if %cond3A_43 {
        "tpu.region"() ({
          %run_scoped3A = tpu.sem_alloc : memref<!tpu.dma_semaphore, #tpu.memory_space<semaphore_mem>>
          %dma_start3A = arith.constant 9600 : i32
          %dma_start3A_51 = arith.constant 0 : i32
          %dma_start3A_52 = tpu.memref_slice %arg22[%dma_start3A, %dma_start3A_51] : memref<10240x64xf32, #tpu.memory_space<vmem_shared>> -> memref<400x64xf32, #tpu.memory_space<vmem_shared>>
          %dma_start3A_53 = arith.constant 9600 : i32
          %dma_start3A_54 = arith.constant 0 : i32
          %dma_start3A_55 = tpu.memref_slice %arg4[%dma_start3A_53, %dma_start3A_54] : memref<10000x64xf32, #tpu.memory_space<hbm>> -> memref<400x64xf32, #tpu.memory_space<hbm>>
          tpu.enqueue_dma source(%dma_start3A_55 : memref<400x64xf32, #tpu.memory_space<hbm>>) target(%dma_start3A_52 : memref<400x64xf32, #tpu.memory_space<vmem_shared>>) target_semaphore(%run_scoped3A : memref<!tpu.dma_semaphore, #tpu.memory_space<semaphore_mem>>)
          %dma_wait3A = arith.constant 9600 : i32
          %dma_wait3A_56 = arith.constant 0 : i32
          %dma_wait3A_57 = tpu.memref_slice %arg22[%dma_wait3A, %dma_wait3A_56] : memref<10240x64xf32, #tpu.memory_space<vmem_shared>> -> memref<400x64xf32, #tpu.memory_space<vmem_shared>>
          %dma_wait3A_58 = arith.constant 9600 : i32
          %dma_wait3A_59 = arith.constant 0 : i32
          %dma_wait3A_60 = tpu.memref_slice %arg4[%dma_wait3A_58, %dma_wait3A_59] : memref<10000x64xf32, #tpu.memory_space<hbm>> -> memref<400x64xf32, #tpu.memory_space<hbm>>
          tpu.wait_dma2 semaphore(%run_scoped3A : memref<!tpu.dma_semaphore, #tpu.memory_space<semaphore_mem>>) src(%dma_wait3A_60 : memref<400x64xf32, #tpu.memory_space<hbm>>) dst(%dma_wait3A_57 : memref<400x64xf32, #tpu.memory_space<vmem_shared>>)
          tpu.yield
        }) : () -> ()
        %broadcast_in_dim3A = arith.constant 0.000000e+00 : f32
        %broadcast_in_dim3A_44 = vector.broadcast %broadcast_in_dim3A : f32 to vector<16xf32>
        %scan3A = arith.constant 0 : i32
        %scan3A_45 = arith.constant 0 : i32
        %scan3A_46 = arith.constant 512 : i32
        %scan3A_47 = arith.addi %scan3A_45, %scan3A_46 : i32
        %scan3A_48 = arith.constant 1 : i32
        %scan3A_49 = scf.for %scan3A_51 = %scan3A_45 to %scan3A_47 step %scan3A_48 iter_args(%scan3A_52 = %scan3A) -> (i32)  : i32 {
          %jit3A = arith.constant 4 : i32
          %div3A = arith.divsi %scan3A_51, %jit3A : i32
          %sign3A = arith.constant 0 : i32
          %sign3A_53 = arith.cmpi sgt, %scan3A_51, %sign3A : i32
          %sign3A_54 = arith.extui %sign3A_53 : i1 to i32
          %sign3A_55 = arith.constant 0 : i32
          %sign3A_56 = arith.cmpi slt, %scan3A_51, %sign3A_55 : i32
          %sign3A_57 = arith.extui %sign3A_56 : i1 to i32
          %sign3A_58 = arith.subi %sign3A_54, %sign3A_57 : i32
          %sign3A_59 = arith.constant 0 : i32
          %sign3A_60 = arith.cmpi sgt, %jit3A, %sign3A_59 : i32
          %sign3A_61 = arith.extui %sign3A_60 : i1 to i32
          %sign3A_62 = arith.constant 0 : i32
          %sign3A_63 = arith.cmpi slt, %jit3A, %sign3A_62 : i32
          %sign3A_64 = arith.extui %sign3A_63 : i1 to i32
          %sign3A_65 = arith.subi %sign3A_61, %sign3A_64 : i32
          %ne3A = arith.cmpi ne, %sign3A_58, %sign3A_65 : i32
          %rem3A = arith.remsi %scan3A_51, %jit3A : i32
          %ne3A_66 = arith.constant 0 : i32
          %ne3A_67 = arith.cmpi ne, %rem3A, %ne3A_66 : i32
          %and3A = arith.andi %ne3A, %ne3A_67 : i1
          %sub3A = arith.constant 1 : i32
          %sub3A_68 = arith.subi %div3A, %sub3A : i32
          %select_n3A = arith.select %and3A, %sub3A_68, %div3A : i32
          %jit3A_69 = arith.constant 4 : i32
          %eq3A_70 = arith.constant 0 : i32
          %eq3A_71 = arith.cmpi eq, %jit3A_69, %eq3A_70 : i32
          %jit3A_72 = arith.constant 1 : i32
          %select_n3A_73 = arith.select %eq3A_71, %jit3A_72, %jit3A_69 : i32
          %rem3A_74 = arith.remsi %scan3A_51, %select_n3A_73 : i32
          %ne3A_75 = arith.constant 0 : i32
          %ne3A_76 = arith.cmpi ne, %rem3A_74, %ne3A_75 : i32
          %lt3A_77 = arith.constant 0 : i32
          %lt3A_78 = arith.cmpi slt, %rem3A_74, %lt3A_77 : i32
          %lt3A_79 = arith.constant 0 : i32
          %lt3A_80 = arith.cmpi slt, %select_n3A_73, %lt3A_79 : i32
          %ne3A_81 = arith.xori %lt3A_78, %lt3A_80 : i1
          %and3A_82 = arith.andi %ne3A_81, %ne3A_76 : i1
          %add3A = arith.addi %rem3A_74, %select_n3A_73 : i32
          %select_n3A_83 = arith.select %and3A_82, %add3A, %rem3A_74 : i32
          %mul3A_84 = arith.constant 16 : i32
          %mul3A_85 = arith.muli %select_n3A_83, %mul3A_84 : i32
          %swap3A = arith.index_cast %select_n3A : i32 to index
          %swap3A_86 = arith.index_cast %mul3A_85 : i32 to index
          %swap3A_87 = tpu.vector_load %arg10[%swap3A, %swap3A_86] {strides = array<i32>} : memref<128x64xf32, #tpu.memory_space<vmem>>, vector<16xf32>,
          tpu.vector_store %arg10[%swap3A, %swap3A_86], %broadcast_in_dim3A_44 {strides = array<i32>} : memref<128x64xf32, #tpu.memory_space<vmem>>, vector<16xf32>,
          %scan3A_88 = arith.constant 0 : i32
          scf.yield %scan3A_88 : i32
        }
        %scan3A_50 = arith.constant 512 : i32
        "tpu.region"() ({
          %run_scoped3A = tpu.sem_alloc : memref<!tpu.dma_semaphore, #tpu.memory_space<semaphore_mem>>
          %dma_start3A = arith.constant 10000 : i32
          %dma_start3A_51 = arith.constant 0 : i32
          %dma_start3A_52 = tpu.memref_slice %arg22[%dma_start3A, %dma_start3A_51] : memref<10240x64xf32, #tpu.memory_space<vmem_shared>> -> memref<128x64xf32, #tpu.memory_space<vmem_shared>>
          %dma_start3A_53 = arith.constant 10000 : i32
          %dma_start3A_54 = arith.constant 0 : i32
          %dma_start3A_55 = tpu.memref_slice %arg22[%dma_start3A_53, %dma_start3A_54] : memref<10240x64xf32, #tpu.memory_space<vmem_shared>> -> memref<128x64xf32, #tpu.memory_space<vmem_shared>>
          tpu.enqueue_dma source(%arg10 : memref<128x64xf32, #tpu.memory_space<vmem>>) target(%dma_start3A_55 : memref<128x64xf32, #tpu.memory_space<vmem_shared>>) target_semaphore(%run_scoped3A : memref<!tpu.dma_semaphore, #tpu.memory_space<semaphore_mem>>)
          %dma_wait3A = arith.constant 10000 : i32
          %dma_wait3A_56 = arith.constant 0 : i32
          %dma_wait3A_57 = tpu.memref_slice %arg22[%dma_wait3A, %dma_wait3A_56] : memref<10240x64xf32, #tpu.memory_space<vmem_shared>> -> memref<128x64xf32, #tpu.memory_space<vmem_shared>>
          %dma_wait3A_58 = arith.constant 10000 : i32
          %dma_wait3A_59 = arith.constant 0 : i32
          %dma_wait3A_60 = tpu.memref_slice %arg22[%dma_wait3A_58, %dma_wait3A_59] : memref<10240x64xf32, #tpu.memory_space<vmem_shared>> -> memref<128x64xf32, #tpu.memory_space<vmem_shared>>
          tpu.wait_dma2 semaphore(%run_scoped3A : memref<!tpu.dma_semaphore, #tpu.memory_space<semaphore_mem>>) src(%arg10 : memref<128x64xf32, #tpu.memory_space<vmem>>) dst(%dma_wait3A_60 : memref<128x64xf32, #tpu.memory_space<vmem_shared>>)
          tpu.yield
        }) : () -> ()
        "tpu.region"() ({
          %run_scoped3A = tpu.sem_alloc : memref<!tpu.dma_semaphore, #tpu.memory_space<semaphore_mem>>
          %dma_start3A = arith.constant 0 : i32
          %dma_start3A_51 = arith.constant 0 : i32
          %dma_start3A_52 = tpu.memref_slice %arg10[%dma_start3A, %dma_start3A_51] : memref<128x64xf32, #tpu.memory_space<vmem>> -> memref<112x64xf32, #tpu.memory_space<vmem>>
          %dma_start3A_53 = arith.constant 10128 : i32
          %dma_start3A_54 = arith.constant 0 : i32
          %dma_start3A_55 = tpu.memref_slice %arg22[%dma_start3A_53, %dma_start3A_54] : memref<10240x64xf32, #tpu.memory_space<vmem_shared>> -> memref<112x64xf32, #tpu.memory_space<vmem_shared>>
          %dma_start3A_56 = arith.constant 10128 : i32
          %dma_start3A_57 = arith.constant 0 : i32
          %dma_start3A_58 = tpu.memref_slice %arg22[%dma_start3A_56, %dma_start3A_57] : memref<10240x64xf32, #tpu.memory_space<vmem_shared>> -> memref<112x64xf32, #tpu.memory_space<vmem_shared>>
          %dma_start3A_59 = arith.constant 0 : i32
          %dma_start3A_60 = arith.constant 0 : i32
          %dma_start3A_61 = tpu.memref_slice %arg10[%dma_start3A_59, %dma_start3A_60] : memref<128x64xf32, #tpu.memory_space<vmem>> -> memref<112x64xf32, #tpu.memory_space<vmem>>
          tpu.enqueue_dma source(%dma_start3A_61 : memref<112x64xf32, #tpu.memory_space<vmem>>) target(%dma_start3A_58 : memref<112x64xf32, #tpu.memory_space<vmem_shared>>) target_semaphore(%run_scoped3A : memref<!tpu.dma_semaphore, #tpu.memory_space<semaphore_mem>>)
          %dma_wait3A = arith.constant 0 : i32
          %dma_wait3A_62 = arith.constant 0 : i32
          %dma_wait3A_63 = tpu.memref_slice %arg10[%dma_wait3A, %dma_wait3A_62] : memref<128x64xf32, #tpu.memory_space<vmem>> -> memref<112x64xf32, #tpu.memory_space<vmem>>
          %dma_wait3A_64 = arith.constant 10128 : i32
          %dma_wait3A_65 = arith.constant 0 : i32
          %dma_wait3A_66 = tpu.memref_slice %arg22[%dma_wait3A_64, %dma_wait3A_65] : memref<10240x64xf32, #tpu.memory_space<vmem_shared>> -> memref<112x64xf32, #tpu.memory_space<vmem_shared>>
          %dma_wait3A_67 = arith.constant 10128 : i32
          %dma_wait3A_68 = arith.constant 0 : i32
          %dma_wait3A_69 = tpu.memref_slice %arg22[%dma_wait3A_67, %dma_wait3A_68] : memref<10240x64xf32, #tpu.memory_space<vmem_shared>> -> memref<112x64xf32, #tpu.memory_space<vmem_shared>>
          %dma_wait3A_70 = arith.constant 0 : i32
          %dma_wait3A_71 = arith.constant 0 : i32
          %dma_wait3A_72 = tpu.memref_slice %arg10[%dma_wait3A_70, %dma_wait3A_71] : memref<128x64xf32, #tpu.memory_space<vmem>> -> memref<112x64xf32, #tpu.memory_space<vmem>>
          tpu.wait_dma2 semaphore(%run_scoped3A : memref<!tpu.dma_semaphore, #tpu.memory_space<semaphore_mem>>) src(%dma_wait3A_72 : memref<112x64xf32, #tpu.memory_space<vmem>>) dst(%dma_wait3A_69 : memref<112x64xf32, #tpu.memory_space<vmem_shared>>)
          tpu.yield
        }) : () -> ()
      } else {
      }
    } else {
    }
    %eq3A_9 = arith.constant 1 : i32
    %eq3A_10 = arith.cmpi eq, %arg0, %eq3A_9 : i32
    %convert_element_type3A_11 = arith.extui %eq3A_10 : i1 to i32
    %cond3A_12 = arith.constant 0 : i32
    %cond3A_13 = arith.cmpi ne, %convert_element_type3A_11, %cond3A_12 : i32
    scf.if %cond3A_13 {
      %lt3A = arith.constant 15 : i32
      %lt3A_35 = arith.cmpi slt, %arg1, %lt3A : i32
      %convert_element_type3A_36 = arith.extui %lt3A_35 : i1 to i32
      %cond3A_37 = arith.constant 0 : i32
      %cond3A_38 = arith.cmpi ne, %convert_element_type3A_36, %cond3A_37 : i32
      scf.if %cond3A_38 {
        %mul3A_44 = arith.constant 640 : i32
        %mul3A_45 = arith.muli %arg1, %mul3A_44 : i32
        %mul3A_46 = arith.constant 640 : i32
        %mul3A_47 = arith.muli %arg1, %mul3A_46 : i32
        "tpu.region"() ({
          %run_scoped3A = tpu.sem_alloc : memref<!tpu.dma_semaphore, #tpu.memory_space<semaphore_mem>>
          %dma_start3A = arith.constant 0 : i32
          %dma_start3A_48 = tpu.memref_slice %arg22[%mul3A_47, %dma_start3A] : memref<10240x64xf32, #tpu.memory_space<vmem_shared>> -> memref<640x64xf32, #tpu.memory_space<vmem_shared>>
          %dma_start3A_49 = arith.constant 0 : i32
          %dma_start3A_50 = tpu.memref_slice %arg5[%mul3A_45, %dma_start3A_49] : memref<10000x64xf32, #tpu.memory_space<hbm>> -> memref<640x64xf32, #tpu.memory_space<hbm>>
          tpu.enqueue_dma source(%dma_start3A_50 : memref<640x64xf32, #tpu.memory_space<hbm>>) target(%dma_start3A_48 : memref<640x64xf32, #tpu.memory_space<vmem_shared>>) target_semaphore(%run_scoped3A : memref<!tpu.dma_semaphore, #tpu.memory_space<semaphore_mem>>)
          %dma_wait3A = arith.constant 0 : i32
          %dma_wait3A_51 = tpu.memref_slice %arg22[%mul3A_47, %dma_wait3A] : memref<10240x64xf32, #tpu.memory_space<vmem_shared>> -> memref<640x64xf32, #tpu.memory_space<vmem_shared>>
          %dma_wait3A_52 = arith.constant 0 : i32
          %dma_wait3A_53 = tpu.memref_slice %arg5[%mul3A_45, %dma_wait3A_52] : memref<10000x64xf32, #tpu.memory_space<hbm>> -> memref<640x64xf32, #tpu.memory_space<hbm>>
          tpu.wait_dma2 semaphore(%run_scoped3A : memref<!tpu.dma_semaphore, #tpu.memory_space<semaphore_mem>>) src(%dma_wait3A_53 : memref<640x64xf32, #tpu.memory_space<hbm>>) dst(%dma_wait3A_51 : memref<640x64xf32, #tpu.memory_space<vmem_shared>>)
          tpu.yield
        }) : () -> ()
      } else {
      }
      %eq3A_39 = arith.constant 15 : i32
      %eq3A_40 = arith.cmpi eq, %arg1, %eq3A_39 : i32
      %convert_element_type3A_41 = arith.extui %eq3A_40 : i1 to i32
      %cond3A_42 = arith.constant 0 : i32
      %cond3A_43 = arith.cmpi ne, %convert_element_type3A_41, %cond3A_42 : i32
      scf.if %cond3A_43 {
        "tpu.region"() ({
          %run_scoped3A = tpu.sem_alloc : memref<!tpu.dma_semaphore, #tpu.memory_space<semaphore_mem>>
          %dma_start3A = arith.constant 9600 : i32
          %dma_start3A_51 = arith.constant 0 : i32
          %dma_start3A_52 = tpu.memref_slice %arg22[%dma_start3A, %dma_start3A_51] : memref<10240x64xf32, #tpu.memory_space<vmem_shared>> -> memref<400x64xf32, #tpu.memory_space<vmem_shared>>
          %dma_start3A_53 = arith.constant 9600 : i32
          %dma_start3A_54 = arith.constant 0 : i32
          %dma_start3A_55 = tpu.memref_slice %arg5[%dma_start3A_53, %dma_start3A_54] : memref<10000x64xf32, #tpu.memory_space<hbm>> -> memref<400x64xf32, #tpu.memory_space<hbm>>
          tpu.enqueue_dma source(%dma_start3A_55 : memref<400x64xf32, #tpu.memory_space<hbm>>) target(%dma_start3A_52 : memref<400x64xf32, #tpu.memory_space<vmem_shared>>) target_semaphore(%run_scoped3A : memref<!tpu.dma_semaphore, #tpu.memory_space<semaphore_mem>>)
          %dma_wait3A = arith.constant 9600 : i32
          %dma_wait3A_56 = arith.constant 0 : i32
          %dma_wait3A_57 = tpu.memref_slice %arg22[%dma_wait3A, %dma_wait3A_56] : memref<10240x64xf32, #tpu.memory_space<vmem_shared>> -> memref<400x64xf32, #tpu.memory_space<vmem_shared>>
          %dma_wait3A_58 = arith.constant 9600 : i32
          %dma_wait3A_59 = arith.constant 0 : i32
          %dma_wait3A_60 = tpu.memref_slice %arg5[%dma_wait3A_58, %dma_wait3A_59] : memref<10000x64xf32, #tpu.memory_space<hbm>> -> memref<400x64xf32, #tpu.memory_space<hbm>>
          tpu.wait_dma2 semaphore(%run_scoped3A : memref<!tpu.dma_semaphore, #tpu.memory_space<semaphore_mem>>) src(%dma_wait3A_60 : memref<400x64xf32, #tpu.memory_space<hbm>>) dst(%dma_wait3A_57 : memref<400x64xf32, #tpu.memory_space<vmem_shared>>)
          tpu.yield
        }) : () -> ()
        %broadcast_in_dim3A = arith.constant 0.000000e+00 : f32
        %broadcast_in_dim3A_44 = vector.broadcast %broadcast_in_dim3A : f32 to vector<16xf32>
        %scan3A = arith.constant 0 : i32
        %scan3A_45 = arith.constant 0 : i32
        %scan3A_46 = arith.constant 512 : i32
        %scan3A_47 = arith.addi %scan3A_45, %scan3A_46 : i32
        %scan3A_48 = arith.constant 1 : i32
        %scan3A_49 = scf.for %scan3A_51 = %scan3A_45 to %scan3A_47 step %scan3A_48 iter_args(%scan3A_52 = %scan3A) -> (i32)  : i32 {
          %jit3A = arith.constant 4 : i32
          %div3A = arith.divsi %scan3A_51, %jit3A : i32
          %sign3A = arith.constant 0 : i32
          %sign3A_53 = arith.cmpi sgt, %scan3A_51, %sign3A : i32
          %sign3A_54 = arith.extui %sign3A_53 : i1 to i32
          %sign3A_55 = arith.constant 0 : i32
          %sign3A_56 = arith.cmpi slt, %scan3A_51, %sign3A_55 : i32
          %sign3A_57 = arith.extui %sign3A_56 : i1 to i32
          %sign3A_58 = arith.subi %sign3A_54, %sign3A_57 : i32
          %sign3A_59 = arith.constant 0 : i32
          %sign3A_60 = arith.cmpi sgt, %jit3A, %sign3A_59 : i32
          %sign3A_61 = arith.extui %sign3A_60 : i1 to i32
          %sign3A_62 = arith.constant 0 : i32
          %sign3A_63 = arith.cmpi slt, %jit3A, %sign3A_62 : i32
          %sign3A_64 = arith.extui %sign3A_63 : i1 to i32
          %sign3A_65 = arith.subi %sign3A_61, %sign3A_64 : i32
          %ne3A = arith.cmpi ne, %sign3A_58, %sign3A_65 : i32
          %rem3A = arith.remsi %scan3A_51, %jit3A : i32
          %ne3A_66 = arith.constant 0 : i32
          %ne3A_67 = arith.cmpi ne, %rem3A, %ne3A_66 : i32
          %and3A = arith.andi %ne3A, %ne3A_67 : i1
          %sub3A = arith.constant 1 : i32
          %sub3A_68 = arith.subi %div3A, %sub3A : i32
          %select_n3A = arith.select %and3A, %sub3A_68, %div3A : i32
          %jit3A_69 = arith.constant 4 : i32
          %eq3A_70 = arith.constant 0 : i32
          %eq3A_71 = arith.cmpi eq, %jit3A_69, %eq3A_70 : i32
          %jit3A_72 = arith.constant 1 : i32
          %select_n3A_73 = arith.select %eq3A_71, %jit3A_72, %jit3A_69 : i32
          %rem3A_74 = arith.remsi %scan3A_51, %select_n3A_73 : i32
          %ne3A_75 = arith.constant 0 : i32
          %ne3A_76 = arith.cmpi ne, %rem3A_74, %ne3A_75 : i32
          %lt3A_77 = arith.constant 0 : i32
          %lt3A_78 = arith.cmpi slt, %rem3A_74, %lt3A_77 : i32
          %lt3A_79 = arith.constant 0 : i32
          %lt3A_80 = arith.cmpi slt, %select_n3A_73, %lt3A_79 : i32
          %ne3A_81 = arith.xori %lt3A_78, %lt3A_80 : i1
          %and3A_82 = arith.andi %ne3A_81, %ne3A_76 : i1
          %add3A = arith.addi %rem3A_74, %select_n3A_73 : i32
          %select_n3A_83 = arith.select %and3A_82, %add3A, %rem3A_74 : i32
          %mul3A_84 = arith.constant 16 : i32
          %mul3A_85 = arith.muli %select_n3A_83, %mul3A_84 : i32
          %swap3A = arith.index_cast %select_n3A : i32 to index
          %swap3A_86 = arith.index_cast %mul3A_85 : i32 to index
          %swap3A_87 = tpu.vector_load %arg10[%swap3A, %swap3A_86] {strides = array<i32>} : memref<128x64xf32, #tpu.memory_space<vmem>>, vector<16xf32>,
          tpu.vector_store %arg10[%swap3A, %swap3A_86], %broadcast_in_dim3A_44 {strides = array<i32>} : memref<128x64xf32, #tpu.memory_space<vmem>>, vector<16xf32>,
          %scan3A_88 = arith.constant 0 : i32
          scf.yield %scan3A_88 : i32
        }
        %scan3A_50 = arith.constant 512 : i32
        "tpu.region"() ({
          %run_scoped3A = tpu.sem_alloc : memref<!tpu.dma_semaphore, #tpu.memory_space<semaphore_mem>>
          %dma_start3A = arith.constant 10000 : i32
          %dma_start3A_51 = arith.constant 0 : i32
          %dma_start3A_52 = tpu.memref_slice %arg22[%dma_start3A, %dma_start3A_51] : memref<10240x64xf32, #tpu.memory_space<vmem_shared>> -> memref<128x64xf32, #tpu.memory_space<vmem_shared>>
          %dma_start3A_53 = arith.constant 10000 : i32
          %dma_start3A_54 = arith.constant 0 : i32
          %dma_start3A_55 = tpu.memref_slice %arg22[%dma_start3A_53, %dma_start3A_54] : memref<10240x64xf32, #tpu.memory_space<vmem_shared>> -> memref<128x64xf32, #tpu.memory_space<vmem_shared>>
          tpu.enqueue_dma source(%arg10 : memref<128x64xf32, #tpu.memory_space<vmem>>) target(%dma_start3A_55 : memref<128x64xf32, #tpu.memory_space<vmem_shared>>) target_semaphore(%run_scoped3A : memref<!tpu.dma_semaphore, #tpu.memory_space<semaphore_mem>>)
          %dma_wait3A = arith.constant 10000 : i32
          %dma_wait3A_56 = arith.constant 0 : i32
          %dma_wait3A_57 = tpu.memref_slice %arg22[%dma_wait3A, %dma_wait3A_56] : memref<10240x64xf32, #tpu.memory_space<vmem_shared>> -> memref<128x64xf32, #tpu.memory_space<vmem_shared>>
          %dma_wait3A_58 = arith.constant 10000 : i32
          %dma_wait3A_59 = arith.constant 0 : i32
          %dma_wait3A_60 = tpu.memref_slice %arg22[%dma_wait3A_58, %dma_wait3A_59] : memref<10240x64xf32, #tpu.memory_space<vmem_shared>> -> memref<128x64xf32, #tpu.memory_space<vmem_shared>>
          tpu.wait_dma2 semaphore(%run_scoped3A : memref<!tpu.dma_semaphore, #tpu.memory_space<semaphore_mem>>) src(%arg10 : memref<128x64xf32, #tpu.memory_space<vmem>>) dst(%dma_wait3A_60 : memref<128x64xf32, #tpu.memory_space<vmem_shared>>)
          tpu.yield
        }) : () -> ()
        "tpu.region"() ({
          %run_scoped3A = tpu.sem_alloc : memref<!tpu.dma_semaphore, #tpu.memory_space<semaphore_mem>>
          %dma_start3A = arith.constant 0 : i32
          %dma_start3A_51 = arith.constant 0 : i32
          %dma_start3A_52 = tpu.memref_slice %arg10[%dma_start3A, %dma_start3A_51] : memref<128x64xf32, #tpu.memory_space<vmem>> -> memref<112x64xf32, #tpu.memory_space<vmem>>
          %dma_start3A_53 = arith.constant 10128 : i32
          %dma_start3A_54 = arith.constant 0 : i32
          %dma_start3A_55 = tpu.memref_slice %arg22[%dma_start3A_53, %dma_start3A_54] : memref<10240x64xf32, #tpu.memory_space<vmem_shared>> -> memref<112x64xf32, #tpu.memory_space<vmem_shared>>
          %dma_start3A_56 = arith.constant 10128 : i32
          %dma_start3A_57 = arith.constant 0 : i32
          %dma_start3A_58 = tpu.memref_slice %arg22[%dma_start3A_56, %dma_start3A_57] : memref<10240x64xf32, #tpu.memory_space<vmem_shared>> -> memref<112x64xf32, #tpu.memory_space<vmem_shared>>
          %dma_start3A_59 = arith.constant 0 : i32
          %dma_start3A_60 = arith.constant 0 : i32
          %dma_start3A_61 = tpu.memref_slice %arg10[%dma_start3A_59, %dma_start3A_60] : memref<128x64xf32, #tpu.memory_space<vmem>> -> memref<112x64xf32, #tpu.memory_space<vmem>>
          tpu.enqueue_dma source(%dma_start3A_61 : memref<112x64xf32, #tpu.memory_space<vmem>>) target(%dma_start3A_58 : memref<112x64xf32, #tpu.memory_space<vmem_shared>>) target_semaphore(%run_scoped3A : memref<!tpu.dma_semaphore, #tpu.memory_space<semaphore_mem>>)
          %dma_wait3A = arith.constant 0 : i32
          %dma_wait3A_62 = arith.constant 0 : i32
          %dma_wait3A_63 = tpu.memref_slice %arg10[%dma_wait3A, %dma_wait3A_62] : memref<128x64xf32, #tpu.memory_space<vmem>> -> memref<112x64xf32, #tpu.memory_space<vmem>>
          %dma_wait3A_64 = arith.constant 10128 : i32
          %dma_wait3A_65 = arith.constant 0 : i32
          %dma_wait3A_66 = tpu.memref_slice %arg22[%dma_wait3A_64, %dma_wait3A_65] : memref<10240x64xf32, #tpu.memory_space<vmem_shared>> -> memref<112x64xf32, #tpu.memory_space<vmem_shared>>
          %dma_wait3A_67 = arith.constant 10128 : i32
          %dma_wait3A_68 = arith.constant 0 : i32
          %dma_wait3A_69 = tpu.memref_slice %arg22[%dma_wait3A_67, %dma_wait3A_68] : memref<10240x64xf32, #tpu.memory_space<vmem_shared>> -> memref<112x64xf32, #tpu.memory_space<vmem_shared>>
          %dma_wait3A_70 = arith.constant 0 : i32
          %dma_wait3A_71 = arith.constant 0 : i32
          %dma_wait3A_72 = tpu.memref_slice %arg10[%dma_wait3A_70, %dma_wait3A_71] : memref<128x64xf32, #tpu.memory_space<vmem>> -> memref<112x64xf32, #tpu.memory_space<vmem>>
          tpu.wait_dma2 semaphore(%run_scoped3A : memref<!tpu.dma_semaphore, #tpu.memory_space<semaphore_mem>>) src(%dma_wait3A_72 : memref<112x64xf32, #tpu.memory_space<vmem>>) dst(%dma_wait3A_69 : memref<112x64xf32, #tpu.memory_space<vmem_shared>>)
          tpu.yield
        }) : () -> ()
      } else {
      }
    } else {
    }
    %barrier3A = arith.constant 0 : index
    tpu.barrier barrier_id(%barrier3A)
    %eq3A_14 = arith.constant 0 : i32
    %eq3A_15 = arith.cmpi eq, %arg0, %eq3A_14 : i32
    %convert_element_type3A_16 = arith.extui %eq3A_15 : i1 to i32
    %cond3A_17 = arith.constant 0 : i32
    %cond3A_18 = arith.cmpi ne, %convert_element_type3A_16, %cond3A_17 : i32
    scf.if %cond3A_18 {
      %dma_start3A = arith.constant 0 : i32
      %dma_start3A_35 = tpu.memref_slice %arg8[%dma_start3A] : memref<20224xi32, #tpu.memory_space<vmem>> -> memref<128xi32, #tpu.memory_space<vmem>>
      %dma_start3A_36 = arith.constant 0 : i32
      %dma_start3A_37 = arith.constant 0 : i32
      %dma_start3A_38 = tpu.memref_slice %arg4[%dma_start3A_36, %dma_start3A_37] : memref<10000x64xf32, #tpu.memory_space<hbm>> -> memref<10000x64xf32, #tpu.memory_space<hbm>>
      tpu.enqueue_indirect_dma source(%dma_start3A_38 : memref<10000x64xf32, #tpu.memory_space<hbm>>) target(%arg10 : memref<128x64xf32, #tpu.memory_space<vmem>>) offsets(%dma_start3A_35 : memref<128xi32, #tpu.memory_space<vmem>>) semaphore(%arg14 : memref<!tpu.dma_semaphore, #tpu.memory_space<semaphore_mem>>)
      %dma_start3A_39 = arith.constant 128 : i32
      %dma_start3A_40 = tpu.memref_slice %arg8[%dma_start3A_39] : memref<20224xi32, #tpu.memory_space<vmem>> -> memref<128xi32, #tpu.memory_space<vmem>>
      %dma_start3A_41 = arith.constant 0 : i32
      %dma_start3A_42 = arith.constant 0 : i32
      %dma_start3A_43 = tpu.memref_slice %arg4[%dma_start3A_41, %dma_start3A_42] : memref<10000x64xf32, #tpu.memory_space<hbm>> -> memref<10000x64xf32, #tpu.memory_space<hbm>>
      tpu.enqueue_indirect_dma source(%dma_start3A_43 : memref<10000x64xf32, #tpu.memory_space<hbm>>) target(%arg11 : memref<128x64xf32, #tpu.memory_space<vmem>>) offsets(%dma_start3A_40 : memref<128xi32, #tpu.memory_space<vmem>>) semaphore(%arg15 : memref<!tpu.dma_semaphore, #tpu.memory_space<semaphore_mem>>)
      %dma_wait3A = arith.constant 0 : i32
      %dma_wait3A_44 = tpu.memref_slice %arg8[%dma_wait3A] : memref<20224xi32, #tpu.memory_space<vmem>> -> memref<128xi32, #tpu.memory_space<vmem>>
      %dma_wait3A_45 = arith.constant 0 : i32
      %dma_wait3A_46 = arith.constant 0 : i32
      %dma_wait3A_47 = tpu.memref_slice %arg4[%dma_wait3A_45, %dma_wait3A_46] : memref<10000x64xf32, #tpu.memory_space<hbm>> -> memref<10000x64xf32, #tpu.memory_space<hbm>>
      tpu.wait_indirect_dma semaphore(%arg14 : memref<!tpu.dma_semaphore, #tpu.memory_space<semaphore_mem>>) src(%dma_wait3A_47 : memref<10000x64xf32, #tpu.memory_space<hbm>>) dst(%arg10 : memref<128x64xf32, #tpu.memory_space<vmem>>)
      %dma_start3A_48 = arith.constant 0 : i32
      %dma_start3A_49 = tpu.memref_slice %arg9[%dma_start3A_48] : memref<20224xi32, #tpu.memory_space<vmem>> -> memref<128xi32, #tpu.memory_space<vmem>>
      %dma_start3A_50 = arith.constant 0 : i32
      %dma_start3A_51 = arith.constant 0 : i32
      %dma_start3A_52 = tpu.memref_slice %arg22[%dma_start3A_50, %dma_start3A_51] : memref<10240x64xf32, #tpu.memory_space<vmem_shared>> -> memref<10240x64xf32, #tpu.memory_space<vmem_shared>>
      tpu.enqueue_indirect_dma source(%arg10 : memref<128x64xf32, #tpu.memory_space<vmem>>) target(%dma_start3A_52 : memref<10240x64xf32, #tpu.memory_space<vmem_shared>>) offsets(%dma_start3A_49 : memref<128xi32, #tpu.memory_space<vmem>>) semaphore(%arg18 : memref<!tpu.dma_semaphore, #tpu.memory_space<semaphore_mem>>) {add = true}
      %dma_start3A_53 = arith.constant 256 : i32
      %dma_start3A_54 = tpu.memref_slice %arg8[%dma_start3A_53] : memref<20224xi32, #tpu.memory_space<vmem>> -> memref<128xi32, #tpu.memory_space<vmem>>
      %dma_start3A_55 = arith.constant 0 : i32
      %dma_start3A_56 = arith.constant 0 : i32
      %dma_start3A_57 = tpu.memref_slice %arg4[%dma_start3A_55, %dma_start3A_56] : memref<10000x64xf32, #tpu.memory_space<hbm>> -> memref<10000x64xf32, #tpu.memory_space<hbm>>
      tpu.enqueue_indirect_dma source(%dma_start3A_57 : memref<10000x64xf32, #tpu.memory_space<hbm>>) target(%arg12 : memref<128x64xf32, #tpu.memory_space<vmem>>) offsets(%dma_start3A_54 : memref<128xi32, #tpu.memory_space<vmem>>) semaphore(%arg16 : memref<!tpu.dma_semaphore, #tpu.memory_space<semaphore_mem>>)
      %dma_wait3A_58 = arith.constant 0 : i32
      %dma_wait3A_59 = tpu.memref_slice %arg8[%dma_wait3A_58] : memref<20224xi32, #tpu.memory_space<vmem>> -> memref<128xi32, #tpu.memory_space<vmem>>
      %dma_wait3A_60 = arith.constant 0 : i32
      %dma_wait3A_61 = arith.constant 0 : i32
      %dma_wait3A_62 = tpu.memref_slice %arg4[%dma_wait3A_60, %dma_wait3A_61] : memref<10000x64xf32, #tpu.memory_space<hbm>> -> memref<10000x64xf32, #tpu.memory_space<hbm>>
      tpu.wait_indirect_dma semaphore(%arg15 : memref<!tpu.dma_semaphore, #tpu.memory_space<semaphore_mem>>) src(%dma_wait3A_62 : memref<10000x64xf32, #tpu.memory_space<hbm>>) dst(%arg11 : memref<128x64xf32, #tpu.memory_space<vmem>>)
      %dma_start3A_63 = arith.constant 128 : i32
      %dma_start3A_64 = tpu.memref_slice %arg9[%dma_start3A_63] : memref<20224xi32, #tpu.memory_space<vmem>> -> memref<128xi32, #tpu.memory_space<vmem>>
      %dma_start3A_65 = arith.constant 0 : i32
      %dma_start3A_66 = arith.constant 0 : i32
      %dma_start3A_67 = tpu.memref_slice %arg22[%dma_start3A_65, %dma_start3A_66] : memref<10240x64xf32, #tpu.memory_space<vmem_shared>> -> memref<10240x64xf32, #tpu.memory_space<vmem_shared>>
      tpu.enqueue_indirect_dma source(%arg11 : memref<128x64xf32, #tpu.memory_space<vmem>>) target(%dma_start3A_67 : memref<10240x64xf32, #tpu.memory_space<vmem_shared>>) offsets(%dma_start3A_64 : memref<128xi32, #tpu.memory_space<vmem>>) semaphore(%arg19 : memref<!tpu.dma_semaphore, #tpu.memory_space<semaphore_mem>>) {add = true}
      %dma_start3A_68 = arith.constant 384 : i32
      %dma_start3A_69 = tpu.memref_slice %arg8[%dma_start3A_68] : memref<20224xi32, #tpu.memory_space<vmem>> -> memref<128xi32, #tpu.memory_space<vmem>>
      %dma_start3A_70 = arith.constant 0 : i32
      %dma_start3A_71 = arith.constant 0 : i32
      %dma_start3A_72 = tpu.memref_slice %arg4[%dma_start3A_70, %dma_start3A_71] : memref<10000x64xf32, #tpu.memory_space<hbm>> -> memref<10000x64xf32, #tpu.memory_space<hbm>>
      tpu.enqueue_indirect_dma source(%dma_start3A_72 : memref<10000x64xf32, #tpu.memory_space<hbm>>) target(%arg13 : memref<128x64xf32, #tpu.memory_space<vmem>>) offsets(%dma_start3A_69 : memref<128xi32, #tpu.memory_space<vmem>>) semaphore(%arg17 : memref<!tpu.dma_semaphore, #tpu.memory_space<semaphore_mem>>)
      %dma_wait3A_73 = arith.constant 0 : i32
      %dma_wait3A_74 = tpu.memref_slice %arg8[%dma_wait3A_73] : memref<20224xi32, #tpu.memory_space<vmem>> -> memref<128xi32, #tpu.memory_space<vmem>>
      %dma_wait3A_75 = arith.constant 0 : i32
      %dma_wait3A_76 = arith.constant 0 : i32
      %dma_wait3A_77 = tpu.memref_slice %arg4[%dma_wait3A_75, %dma_wait3A_76] : memref<10000x64xf32, #tpu.memory_space<hbm>> -> memref<10000x64xf32, #tpu.memory_space<hbm>>
      tpu.wait_indirect_dma semaphore(%arg16 : memref<!tpu.dma_semaphore, #tpu.memory_space<semaphore_mem>>) src(%dma_wait3A_77 : memref<10000x64xf32, #tpu.memory_space<hbm>>) dst(%arg12 : memref<128x64xf32, #tpu.memory_space<vmem>>)
      %dma_start3A_78 = arith.constant 256 : i32
      %dma_start3A_79 = tpu.memref_slice %arg9[%dma_start3A_78] : memref<20224xi32, #tpu.memory_space<vmem>> -> memref<128xi32, #tpu.memory_space<vmem>>
      %dma_start3A_80 = arith.constant 0 : i32
      %dma_start3A_81 = arith.constant 0 : i32
      %dma_start3A_82 = tpu.memref_slice %arg22[%dma_start3A_80, %dma_start3A_81] : memref<10240x64xf32, #tpu.memory_space<vmem_shared>> -> memref<10240x64xf32, #tpu.memory_space<vmem_shared>>
      tpu.enqueue_indirect_dma source(%arg12 : memref<128x64xf32, #tpu.memory_space<vmem>>) target(%dma_start3A_82 : memref<10240x64xf32, #tpu.memory_space<vmem_shared>>) offsets(%dma_start3A_79 : memref<128xi32, #tpu.memory_space<vmem>>) semaphore(%arg20 : memref<!tpu.dma_semaphore, #tpu.memory_space<semaphore_mem>>) {add = true}
      %dma_wait3A_83 = arith.constant 0 : i32
      %dma_wait3A_84 = tpu.memref_slice %arg9[%dma_wait3A_83] : memref<20224xi32, #tpu.memory_space<vmem>> -> memref<128xi32, #tpu.memory_space<vmem>>
      %dma_wait3A_85 = arith.constant 0 : i32
      %dma_wait3A_86 = arith.constant 0 : i32
      %dma_wait3A_87 = tpu.memref_slice %arg22[%dma_wait3A_85, %dma_wait3A_86] : memref<10240x64xf32, #tpu.memory_space<vmem_shared>> -> memref<10240x64xf32, #tpu.memory_space<vmem_shared>>
      tpu.wait_indirect_dma semaphore(%arg18 : memref<!tpu.dma_semaphore, #tpu.memory_space<semaphore_mem>>) src(%arg10 : memref<128x64xf32, #tpu.memory_space<vmem>>) dst(%dma_wait3A_87 : memref<10240x64xf32, #tpu.memory_space<vmem_shared>>)
      %dma_start3A_88 = arith.constant 512 : i32
      %dma_start3A_89 = tpu.memref_slice %arg8[%dma_start3A_88] : memref<20224xi32, #tpu.memory_space<vmem>> -> memref<128xi32, #tpu.memory_space<vmem>>
      %dma_start3A_90 = arith.constant 0 : i32
      %dma_start3A_91 = arith.constant 0 : i32
      %dma_start3A_92 = tpu.memref_slice %arg4[%dma_start3A_90, %dma_start3A_91] : memref<10000x64xf32, #tpu.memory_space<hbm>> -> memref<10000x64xf32, #tpu.memory_space<hbm>>
      tpu.enqueue_indirect_dma source(%dma_start3A_92 : memref<10000x64xf32, #tpu.memory_space<hbm>>) target(%arg10 : memref<128x64xf32, #tpu.memory_space<vmem>>) offsets(%dma_start3A_89 : memref<128xi32, #tpu.memory_space<vmem>>) semaphore(%arg14 : memref<!tpu.dma_semaphore, #tpu.memory_space<semaphore_mem>>)
      %dma_wait3A_93 = arith.constant 0 : i32
      %dma_wait3A_94 = tpu.memref_slice %arg8[%dma_wait3A_93] : memref<20224xi32, #tpu.memory_space<vmem>> -> memref<128xi32, #tpu.memory_space<vmem>>
      %dma_wait3A_95 = arith.constant 0 : i32
      %dma_wait3A_96 = arith.constant 0 : i32
      %dma_wait3A_97 = tpu.memref_slice %arg4[%dma_wait3A_95, %dma_wait3A_96] : memref<10000x64xf32, #tpu.memory_space<hbm>> -> memref<10000x64xf32, #tpu.memory_space<hbm>>
      tpu.wait_indirect_dma semaphore(%arg17 : memref<!tpu.dma_semaphore, #tpu.memory_space<semaphore_mem>>) src(%dma_wait3A_97 : memref<10000x64xf32, #tpu.memory_space<hbm>>) dst(%arg13 : memref<128x64xf32, #tpu.memory_space<vmem>>)
      %dma_start3A_98 = arith.constant 384 : i32
      %dma_start3A_99 = tpu.memref_slice %arg9[%dma_start3A_98] : memref<20224xi32, #tpu.memory_space<vmem>> -> memref<128xi32, #tpu.memory_space<vmem>>
      %dma_start3A_100 = arith.constant 0 : i32
      %dma_start3A_101 = arith.constant 0 : i32
      %dma_start3A_102 = tpu.memref_slice %arg22[%dma_start3A_100, %dma_start3A_101] : memref<10240x64xf32, #tpu.memory_space<vmem_shared>> -> memref<10240x64xf32, #tpu.memory_space<vmem_shared>>
      tpu.enqueue_indirect_dma source(%arg13 : memref<128x64xf32, #tpu.memory_space<vmem>>) target(%dma_start3A_102 : memref<10240x64xf32, #tpu.memory_space<vmem_shared>>) offsets(%dma_start3A_99 : memref<128xi32, #tpu.memory_space<vmem>>) semaphore(%arg21 : memref<!tpu.dma_semaphore, #tpu.memory_space<semaphore_mem>>) {add = true}
      %dma_wait3A_103 = arith.constant 0 : i32
      %dma_wait3A_104 = tpu.memref_slice %arg9[%dma_wait3A_103] : memref<20224xi32, #tpu.memory_space<vmem>> -> memref<128xi32, #tpu.memory_space<vmem>>
      %dma_wait3A_105 = arith.constant 0 : i32
      %dma_wait3A_106 = arith.constant 0 : i32
      %dma_wait3A_107 = tpu.memref_slice %arg22[%dma_wait3A_105, %dma_wait3A_106] : memref<10240x64xf32, #tpu.memory_space<vmem_shared>> -> memref<10240x64xf32, #tpu.memory_space<vmem_shared>>
      tpu.wait_indirect_dma semaphore(%arg19 : memref<!tpu.dma_semaphore, #tpu.memory_space<semaphore_mem>>) src(%arg11 : memref<128x64xf32, #tpu.memory_space<vmem>>) dst(%dma_wait3A_107 : memref<10240x64xf32, #tpu.memory_space<vmem_shared>>)
      %dma_start3A_108 = arith.constant 640 : i32
      %dma_start3A_109 = tpu.memref_slice %arg8[%dma_start3A_108] : memref<20224xi32, #tpu.memory_space<vmem>> -> memref<128xi32, #tpu.memory_space<vmem>>
      %dma_start3A_110 = arith.constant 0 : i32
      %dma_start3A_111 = arith.constant 0 : i32
      %dma_start3A_112 = tpu.memref_slice %arg4[%dma_start3A_110, %dma_start3A_111] : memref<10000x64xf32, #tpu.memory_space<hbm>> -> memref<10000x64xf32, #tpu.memory_space<hbm>>
      tpu.enqueue_indirect_dma source(%dma_start3A_112 : memref<10000x64xf32, #tpu.memory_space<hbm>>) target(%arg11 : memref<128x64xf32, #tpu.memory_space<vmem>>) offsets(%dma_start3A_109 : memref<128xi32, #tpu.memory_space<vmem>>) semaphore(%arg15 : memref<!tpu.dma_semaphore, #tpu.memory_space<semaphore_mem>>)
      %scan3A = arith.constant 0 : i32
      %scan3A_113 = arith.constant 0 : i32
      %scan3A_114 = arith.constant 38 : i32
      %scan3A_115 = arith.addi %scan3A_113, %scan3A_114 : i32
      %scan3A_116 = arith.constant 1 : i32
      %scan3A_117 = scf.for %scan3A_159 = %scan3A_113 to %scan3A_115 step %scan3A_116 iter_args(%scan3A_160 = %scan3A) -> (i32)  : i32 {
        %mul3A_161 = arith.constant 4 : i32
        %mul3A_162 = arith.muli %mul3A_161, %scan3A_159 : i32
        %add3A = arith.constant 4 : i32
        %add3A_163 = arith.addi %add3A, %mul3A_162 : i32
        %dma_wait3A_164 = arith.constant 0 : i32
        %dma_wait3A_165 = tpu.memref_slice %arg8[%dma_wait3A_164] : memref<20224xi32, #tpu.memory_space<vmem>> -> memref<128xi32, #tpu.memory_space<vmem>>
        %dma_wait3A_166 = arith.constant 0 : i32
        %dma_wait3A_167 = arith.constant 0 : i32
        %dma_wait3A_168 = tpu.memref_slice %arg4[%dma_wait3A_166, %dma_wait3A_167] : memref<10000x64xf32, #tpu.memory_space<hbm>> -> memref<10000x64xf32, #tpu.memory_space<hbm>>
        tpu.wait_indirect_dma semaphore(%arg14 : memref<!tpu.dma_semaphore, #tpu.memory_space<semaphore_mem>>) src(%dma_wait3A_168 : memref<10000x64xf32, #tpu.memory_space<hbm>>) dst(%arg10 : memref<128x64xf32, #tpu.memory_space<vmem>>)
        %mul3A_169 = arith.constant 128 : i32
        %mul3A_170 = arith.muli %add3A_163, %mul3A_169 : i32
        %dma_start3A_171 = tpu.memref_slice %arg9[%mul3A_170] : memref<20224xi32, #tpu.memory_space<vmem>> -> memref<128xi32, #tpu.memory_space<vmem>>
        %dma_start3A_172 = arith.constant 0 : i32
        %dma_start3A_173 = arith.constant 0 : i32
        %dma_start3A_174 = tpu.memref_slice %arg22[%dma_start3A_172, %dma_start3A_173] : memref<10240x64xf32, #tpu.memory_space<vmem_shared>> -> memref<10240x64xf32, #tpu.memory_space<vmem_shared>>
        tpu.enqueue_indirect_dma source(%arg10 : memref<128x64xf32, #tpu.memory_space<vmem>>) target(%dma_start3A_174 : memref<10240x64xf32, #tpu.memory_space<vmem_shared>>) offsets(%dma_start3A_171 : memref<128xi32, #tpu.memory_space<vmem>>) semaphore(%arg18 : memref<!tpu.dma_semaphore, #tpu.memory_space<semaphore_mem>>) {add = true}
        %dma_wait3A_175 = arith.constant 0 : i32
        %dma_wait3A_176 = tpu.memref_slice %arg9[%dma_wait3A_175] : memref<20224xi32, #tpu.memory_space<vmem>> -> memref<128xi32, #tpu.memory_space<vmem>>
        %dma_wait3A_177 = arith.constant 0 : i32
        %dma_wait3A_178 = arith.constant 0 : i32
        %dma_wait3A_179 = tpu.memref_slice %arg22[%dma_wait3A_177, %dma_wait3A_178] : memref<10240x64xf32, #tpu.memory_space<vmem_shared>> -> memref<10240x64xf32, #tpu.memory_space<vmem_shared>>
        tpu.wait_indirect_dma semaphore(%arg20 : memref<!tpu.dma_semaphore, #tpu.memory_space<semaphore_mem>>) src(%arg12 : memref<128x64xf32, #tpu.memory_space<vmem>>) dst(%dma_wait3A_179 : memref<10240x64xf32, #tpu.memory_space<vmem_shared>>)
        %add3A_180 = arith.constant 2 : i32
        %add3A_181 = arith.addi %add3A_163, %add3A_180 : i32
        %mul3A_182 = arith.constant 128 : i32
        %mul3A_183 = arith.muli %add3A_181, %mul3A_182 : i32
        %dma_start3A_184 = tpu.memref_slice %arg8[%mul3A_183] : memref<20224xi32, #tpu.memory_space<vmem>> -> memref<128xi32, #tpu.memory_space<vmem>>
        %dma_start3A_185 = arith.constant 0 : i32
        %dma_start3A_186 = arith.constant 0 : i32
        %dma_start3A_187 = tpu.memref_slice %arg4[%dma_start3A_185, %dma_start3A_186] : memref<10000x64xf32, #tpu.memory_space<hbm>> -> memref<10000x64xf32, #tpu.memory_space<hbm>>
        tpu.enqueue_indirect_dma source(%dma_start3A_187 : memref<10000x64xf32, #tpu.memory_space<hbm>>) target(%arg12 : memref<128x64xf32, #tpu.memory_space<vmem>>) offsets(%dma_start3A_184 : memref<128xi32, #tpu.memory_space<vmem>>) semaphore(%arg16 : memref<!tpu.dma_semaphore, #tpu.memory_space<semaphore_mem>>)
        %add3A_188 = arith.constant 1 : i32
        %add3A_189 = arith.addi %add3A_163, %add3A_188 : i32
        %dma_wait3A_190 = arith.constant 0 : i32
        %dma_wait3A_191 = tpu.memref_slice %arg8[%dma_wait3A_190] : memref<20224xi32, #tpu.memory_space<vmem>> -> memref<128xi32, #tpu.memory_space<vmem>>
        %dma_wait3A_192 = arith.constant 0 : i32
        %dma_wait3A_193 = arith.constant 0 : i32
        %dma_wait3A_194 = tpu.memref_slice %arg4[%dma_wait3A_192, %dma_wait3A_193] : memref<10000x64xf32, #tpu.memory_space<hbm>> -> memref<10000x64xf32, #tpu.memory_space<hbm>>
        tpu.wait_indirect_dma semaphore(%arg15 : memref<!tpu.dma_semaphore, #tpu.memory_space<semaphore_mem>>) src(%dma_wait3A_194 : memref<10000x64xf32, #tpu.memory_space<hbm>>) dst(%arg11 : memref<128x64xf32, #tpu.memory_space<vmem>>)
        %mul3A_195 = arith.constant 128 : i32
        %mul3A_196 = arith.muli %add3A_189, %mul3A_195 : i32
        %dma_start3A_197 = tpu.memref_slice %arg9[%mul3A_196] : memref<20224xi32, #tpu.memory_space<vmem>> -> memref<128xi32, #tpu.memory_space<vmem>>
        %dma_start3A_198 = arith.constant 0 : i32
        %dma_start3A_199 = arith.constant 0 : i32
        %dma_start3A_200 = tpu.memref_slice %arg22[%dma_start3A_198, %dma_start3A_199] : memref<10240x64xf32, #tpu.memory_space<vmem_shared>> -> memref<10240x64xf32, #tpu.memory_space<vmem_shared>>
        tpu.enqueue_indirect_dma source(%arg11 : memref<128x64xf32, #tpu.memory_space<vmem>>) target(%dma_start3A_200 : memref<10240x64xf32, #tpu.memory_space<vmem_shared>>) offsets(%dma_start3A_197 : memref<128xi32, #tpu.memory_space<vmem>>) semaphore(%arg19 : memref<!tpu.dma_semaphore, #tpu.memory_space<semaphore_mem>>) {add = true}
        %dma_wait3A_201 = arith.constant 0 : i32
        %dma_wait3A_202 = tpu.memref_slice %arg9[%dma_wait3A_201] : memref<20224xi32, #tpu.memory_space<vmem>> -> memref<128xi32, #tpu.memory_space<vmem>>
        %dma_wait3A_203 = arith.constant 0 : i32
        %dma_wait3A_204 = arith.constant 0 : i32
        %dma_wait3A_205 = tpu.memref_slice %arg22[%dma_wait3A_203, %dma_wait3A_204] : memref<10240x64xf32, #tpu.memory_space<vmem_shared>> -> memref<10240x64xf32, #tpu.memory_space<vmem_shared>>
        tpu.wait_indirect_dma semaphore(%arg21 : memref<!tpu.dma_semaphore, #tpu.memory_space<semaphore_mem>>) src(%arg13 : memref<128x64xf32, #tpu.memory_space<vmem>>) dst(%dma_wait3A_205 : memref<10240x64xf32, #tpu.memory_space<vmem_shared>>)
        %add3A_206 = arith.constant 2 : i32
        %add3A_207 = arith.addi %add3A_189, %add3A_206 : i32
        %mul3A_208 = arith.constant 128 : i32
        %mul3A_209 = arith.muli %add3A_207, %mul3A_208 : i32
        %dma_start3A_210 = tpu.memref_slice %arg8[%mul3A_209] : memref<20224xi32, #tpu.memory_space<vmem>> -> memref<128xi32, #tpu.memory_space<vmem>>
        %dma_start3A_211 = arith.constant 0 : i32
        %dma_start3A_212 = arith.constant 0 : i32
        %dma_start3A_213 = tpu.memref_slice %arg4[%dma_start3A_211, %dma_start3A_212] : memref<10000x64xf32, #tpu.memory_space<hbm>> -> memref<10000x64xf32, #tpu.memory_space<hbm>>
        tpu.enqueue_indirect_dma source(%dma_start3A_213 : memref<10000x64xf32, #tpu.memory_space<hbm>>) target(%arg13 : memref<128x64xf32, #tpu.memory_space<vmem>>) offsets(%dma_start3A_210 : memref<128xi32, #tpu.memory_space<vmem>>) semaphore(%arg17 : memref<!tpu.dma_semaphore, #tpu.memory_space<semaphore_mem>>)
        %add3A_214 = arith.constant 2 : i32
        %add3A_215 = arith.addi %add3A_163, %add3A_214 : i32
        %dma_wait3A_216 = arith.constant 0 : i32
        %dma_wait3A_217 = tpu.memref_slice %arg8[%dma_wait3A_216] : memref<20224xi32, #tpu.memory_space<vmem>> -> memref<128xi32, #tpu.memory_space<vmem>>
        %dma_wait3A_218 = arith.constant 0 : i32
        %dma_wait3A_219 = arith.constant 0 : i32
        %dma_wait3A_220 = tpu.memref_slice %arg4[%dma_wait3A_218, %dma_wait3A_219] : memref<10000x64xf32, #tpu.memory_space<hbm>> -> memref<10000x64xf32, #tpu.memory_space<hbm>>
        tpu.wait_indirect_dma semaphore(%arg16 : memref<!tpu.dma_semaphore, #tpu.memory_space<semaphore_mem>>) src(%dma_wait3A_220 : memref<10000x64xf32, #tpu.memory_space<hbm>>) dst(%arg12 : memref<128x64xf32, #tpu.memory_space<vmem>>)
        %mul3A_221 = arith.constant 128 : i32
        %mul3A_222 = arith.muli %add3A_215, %mul3A_221 : i32
        %dma_start3A_223 = tpu.memref_slice %arg9[%mul3A_222] : memref<20224xi32, #tpu.memory_space<vmem>> -> memref<128xi32, #tpu.memory_space<vmem>>
        %dma_start3A_224 = arith.constant 0 : i32
        %dma_start3A_225 = arith.constant 0 : i32
        %dma_start3A_226 = tpu.memref_slice %arg22[%dma_start3A_224, %dma_start3A_225] : memref<10240x64xf32, #tpu.memory_space<vmem_shared>> -> memref<10240x64xf32, #tpu.memory_space<vmem_shared>>
        tpu.enqueue_indirect_dma source(%arg12 : memref<128x64xf32, #tpu.memory_space<vmem>>) target(%dma_start3A_226 : memref<10240x64xf32, #tpu.memory_space<vmem_shared>>) offsets(%dma_start3A_223 : memref<128xi32, #tpu.memory_space<vmem>>) semaphore(%arg20 : memref<!tpu.dma_semaphore, #tpu.memory_space<semaphore_mem>>) {add = true}
        %dma_wait3A_227 = arith.constant 0 : i32
        %dma_wait3A_228 = tpu.memref_slice %arg9[%dma_wait3A_227] : memref<20224xi32, #tpu.memory_space<vmem>> -> memref<128xi32, #tpu.memory_space<vmem>>
        %dma_wait3A_229 = arith.constant 0 : i32
        %dma_wait3A_230 = arith.constant 0 : i32
        %dma_wait3A_231 = tpu.memref_slice %arg22[%dma_wait3A_229, %dma_wait3A_230] : memref<10240x64xf32, #tpu.memory_space<vmem_shared>> -> memref<10240x64xf32, #tpu.memory_space<vmem_shared>>
        tpu.wait_indirect_dma semaphore(%arg18 : memref<!tpu.dma_semaphore, #tpu.memory_space<semaphore_mem>>) src(%arg10 : memref<128x64xf32, #tpu.memory_space<vmem>>) dst(%dma_wait3A_231 : memref<10240x64xf32, #tpu.memory_space<vmem_shared>>)
        %add3A_232 = arith.constant 2 : i32
        %add3A_233 = arith.addi %add3A_215, %add3A_232 : i32
        %mul3A_234 = arith.constant 128 : i32
        %mul3A_235 = arith.muli %add3A_233, %mul3A_234 : i32
        %dma_start3A_236 = tpu.memref_slice %arg8[%mul3A_235] : memref<20224xi32, #tpu.memory_space<vmem>> -> memref<128xi32, #tpu.memory_space<vmem>>
        %dma_start3A_237 = arith.constant 0 : i32
        %dma_start3A_238 = arith.constant 0 : i32
        %dma_start3A_239 = tpu.memref_slice %arg4[%dma_start3A_237, %dma_start3A_238] : memref<10000x64xf32, #tpu.memory_space<hbm>> -> memref<10000x64xf32, #tpu.memory_space<hbm>>
        tpu.enqueue_indirect_dma source(%dma_start3A_239 : memref<10000x64xf32, #tpu.memory_space<hbm>>) target(%arg10 : memref<128x64xf32, #tpu.memory_space<vmem>>) offsets(%dma_start3A_236 : memref<128xi32, #tpu.memory_space<vmem>>) semaphore(%arg14 : memref<!tpu.dma_semaphore, #tpu.memory_space<semaphore_mem>>)
        %add3A_240 = arith.constant 3 : i32
        %add3A_241 = arith.addi %add3A_163, %add3A_240 : i32
        %dma_wait3A_242 = arith.constant 0 : i32
        %dma_wait3A_243 = tpu.memref_slice %arg8[%dma_wait3A_242] : memref<20224xi32, #tpu.memory_space<vmem>> -> memref<128xi32, #tpu.memory_space<vmem>>
        %dma_wait3A_244 = arith.constant 0 : i32
        %dma_wait3A_245 = arith.constant 0 : i32
        %dma_wait3A_246 = tpu.memref_slice %arg4[%dma_wait3A_244, %dma_wait3A_245] : memref<10000x64xf32, #tpu.memory_space<hbm>> -> memref<10000x64xf32, #tpu.memory_space<hbm>>
        tpu.wait_indirect_dma semaphore(%arg17 : memref<!tpu.dma_semaphore, #tpu.memory_space<semaphore_mem>>) src(%dma_wait3A_246 : memref<10000x64xf32, #tpu.memory_space<hbm>>) dst(%arg13 : memref<128x64xf32, #tpu.memory_space<vmem>>)
        %mul3A_247 = arith.constant 128 : i32
        %mul3A_248 = arith.muli %add3A_241, %mul3A_247 : i32
        %dma_start3A_249 = tpu.memref_slice %arg9[%mul3A_248] : memref<20224xi32, #tpu.memory_space<vmem>> -> memref<128xi32, #tpu.memory_space<vmem>>
        %dma_start3A_250 = arith.constant 0 : i32
        %dma_start3A_251 = arith.constant 0 : i32
        %dma_start3A_252 = tpu.memref_slice %arg22[%dma_start3A_250, %dma_start3A_251] : memref<10240x64xf32, #tpu.memory_space<vmem_shared>> -> memref<10240x64xf32, #tpu.memory_space<vmem_shared>>
        tpu.enqueue_indirect_dma source(%arg13 : memref<128x64xf32, #tpu.memory_space<vmem>>) target(%dma_start3A_252 : memref<10240x64xf32, #tpu.memory_space<vmem_shared>>) offsets(%dma_start3A_249 : memref<128xi32, #tpu.memory_space<vmem>>) semaphore(%arg21 : memref<!tpu.dma_semaphore, #tpu.memory_space<semaphore_mem>>) {add = true}
        %dma_wait3A_253 = arith.constant 0 : i32
        %dma_wait3A_254 = tpu.memref_slice %arg9[%dma_wait3A_253] : memref<20224xi32, #tpu.memory_space<vmem>> -> memref<128xi32, #tpu.memory_space<vmem>>
        %dma_wait3A_255 = arith.constant 0 : i32
        %dma_wait3A_256 = arith.constant 0 : i32
        %dma_wait3A_257 = tpu.memref_slice %arg22[%dma_wait3A_255, %dma_wait3A_256] : memref<10240x64xf32, #tpu.memory_space<vmem_shared>> -> memref<10240x64xf32, #tpu.memory_space<vmem_shared>>
        tpu.wait_indirect_dma semaphore(%arg19 : memref<!tpu.dma_semaphore, #tpu.memory_space<semaphore_mem>>) src(%arg11 : memref<128x64xf32, #tpu.memory_space<vmem>>) dst(%dma_wait3A_257 : memref<10240x64xf32, #tpu.memory_space<vmem_shared>>)
        %add3A_258 = arith.constant 2 : i32
        %add3A_259 = arith.addi %add3A_241, %add3A_258 : i32
        %mul3A_260 = arith.constant 128 : i32
        %mul3A_261 = arith.muli %add3A_259, %mul3A_260 : i32
        %dma_start3A_262 = tpu.memref_slice %arg8[%mul3A_261] : memref<20224xi32, #tpu.memory_space<vmem>> -> memref<128xi32, #tpu.memory_space<vmem>>
        %dma_start3A_263 = arith.constant 0 : i32
        %dma_start3A_264 = arith.constant 0 : i32
        %dma_start3A_265 = tpu.memref_slice %arg4[%dma_start3A_263, %dma_start3A_264] : memref<10000x64xf32, #tpu.memory_space<hbm>> -> memref<10000x64xf32, #tpu.memory_space<hbm>>
        tpu.enqueue_indirect_dma source(%dma_start3A_265 : memref<10000x64xf32, #tpu.memory_space<hbm>>) target(%arg11 : memref<128x64xf32, #tpu.memory_space<vmem>>) offsets(%dma_start3A_262 : memref<128xi32, #tpu.memory_space<vmem>>) semaphore(%arg15 : memref<!tpu.dma_semaphore, #tpu.memory_space<semaphore_mem>>)
        %scan3A_266 = arith.constant 0 : i32
        scf.yield %scan3A_266 : i32
      }
      %scan3A_118 = arith.constant 38 : i32
      %dma_wait3A_119 = arith.constant 0 : i32
      %dma_wait3A_120 = tpu.memref_slice %arg8[%dma_wait3A_119] : memref<20224xi32, #tpu.memory_space<vmem>> -> memref<128xi32, #tpu.memory_space<vmem>>
      %dma_wait3A_121 = arith.constant 0 : i32
      %dma_wait3A_122 = arith.constant 0 : i32
      %dma_wait3A_123 = tpu.memref_slice %arg4[%dma_wait3A_121, %dma_wait3A_122] : memref<10000x64xf32, #tpu.memory_space<hbm>> -> memref<10000x64xf32, #tpu.memory_space<hbm>>
      tpu.wait_indirect_dma semaphore(%arg14 : memref<!tpu.dma_semaphore, #tpu.memory_space<semaphore_mem>>) src(%dma_wait3A_123 : memref<10000x64xf32, #tpu.memory_space<hbm>>) dst(%arg10 : memref<128x64xf32, #tpu.memory_space<vmem>>)
      %dma_start3A_124 = arith.constant 19968 : i32
      %dma_start3A_125 = tpu.memref_slice %arg9[%dma_start3A_124] : memref<20224xi32, #tpu.memory_space<vmem>> -> memref<128xi32, #tpu.memory_space<vmem>>
      %dma_start3A_126 = arith.constant 0 : i32
      %dma_start3A_127 = arith.constant 0 : i32
      %dma_start3A_128 = tpu.memref_slice %arg22[%dma_start3A_126, %dma_start3A_127] : memref<10240x64xf32, #tpu.memory_space<vmem_shared>> -> memref<10240x64xf32, #tpu.memory_space<vmem_shared>>
      tpu.enqueue_indirect_dma source(%arg10 : memref<128x64xf32, #tpu.memory_space<vmem>>) target(%dma_start3A_128 : memref<10240x64xf32, #tpu.memory_space<vmem_shared>>) offsets(%dma_start3A_125 : memref<128xi32, #tpu.memory_space<vmem>>) semaphore(%arg18 : memref<!tpu.dma_semaphore, #tpu.memory_space<semaphore_mem>>) {add = true}
      %dma_wait3A_129 = arith.constant 0 : i32
      %dma_wait3A_130 = tpu.memref_slice %arg8[%dma_wait3A_129] : memref<20224xi32, #tpu.memory_space<vmem>> -> memref<128xi32, #tpu.memory_space<vmem>>
      %dma_wait3A_131 = arith.constant 0 : i32
      %dma_wait3A_132 = arith.constant 0 : i32
      %dma_wait3A_133 = tpu.memref_slice %arg4[%dma_wait3A_131, %dma_wait3A_132] : memref<10000x64xf32, #tpu.memory_space<hbm>> -> memref<10000x64xf32, #tpu.memory_space<hbm>>
      tpu.wait_indirect_dma semaphore(%arg15 : memref<!tpu.dma_semaphore, #tpu.memory_space<semaphore_mem>>) src(%dma_wait3A_133 : memref<10000x64xf32, #tpu.memory_space<hbm>>) dst(%arg11 : memref<128x64xf32, #tpu.memory_space<vmem>>)
      %dma_start3A_134 = arith.constant 20096 : i32
      %dma_start3A_135 = tpu.memref_slice %arg9[%dma_start3A_134] : memref<20224xi32, #tpu.memory_space<vmem>> -> memref<128xi32, #tpu.memory_space<vmem>>
      %dma_start3A_136 = arith.constant 0 : i32
      %dma_start3A_137 = arith.constant 0 : i32
      %dma_start3A_138 = tpu.memref_slice %arg22[%dma_start3A_136, %dma_start3A_137] : memref<10240x64xf32, #tpu.memory_space<vmem_shared>> -> memref<10240x64xf32, #tpu.memory_space<vmem_shared>>
      tpu.enqueue_indirect_dma source(%arg11 : memref<128x64xf32, #tpu.memory_space<vmem>>) target(%dma_start3A_138 : memref<10240x64xf32, #tpu.memory_space<vmem_shared>>) offsets(%dma_start3A_135 : memref<128xi32, #tpu.memory_space<vmem>>) semaphore(%arg19 : memref<!tpu.dma_semaphore, #tpu.memory_space<semaphore_mem>>) {add = true}
      %dma_wait3A_139 = arith.constant 0 : i32
      %dma_wait3A_140 = tpu.memref_slice %arg9[%dma_wait3A_139] : memref<20224xi32, #tpu.memory_space<vmem>> -> memref<128xi32, #tpu.memory_space<vmem>>
      %dma_wait3A_141 = arith.constant 0 : i32
      %dma_wait3A_142 = arith.constant 0 : i32
      %dma_wait3A_143 = tpu.memref_slice %arg22[%dma_wait3A_141, %dma_wait3A_142] : memref<10240x64xf32, #tpu.memory_space<vmem_shared>> -> memref<10240x64xf32, #tpu.memory_space<vmem_shared>>
      tpu.wait_indirect_dma semaphore(%arg20 : memref<!tpu.dma_semaphore, #tpu.memory_space<semaphore_mem>>) src(%arg12 : memref<128x64xf32, #tpu.memory_space<vmem>>) dst(%dma_wait3A_143 : memref<10240x64xf32, #tpu.memory_space<vmem_shared>>)
      %dma_wait3A_144 = arith.constant 0 : i32
      %dma_wait3A_145 = tpu.memref_slice %arg9[%dma_wait3A_144] : memref<20224xi32, #tpu.memory_space<vmem>> -> memref<128xi32, #tpu.memory_space<vmem>>
      %dma_wait3A_146 = arith.constant 0 : i32
      %dma_wait3A_147 = arith.constant 0 : i32
      %dma_wait3A_148 = tpu.memref_slice %arg22[%dma_wait3A_146, %dma_wait3A_147] : memref<10240x64xf32, #tpu.memory_space<vmem_shared>> -> memref<10240x64xf32, #tpu.memory_space<vmem_shared>>
      tpu.wait_indirect_dma semaphore(%arg21 : memref<!tpu.dma_semaphore, #tpu.memory_space<semaphore_mem>>) src(%arg13 : memref<128x64xf32, #tpu.memory_space<vmem>>) dst(%dma_wait3A_148 : memref<10240x64xf32, #tpu.memory_space<vmem_shared>>)
      %dma_wait3A_149 = arith.constant 0 : i32
      %dma_wait3A_150 = tpu.memref_slice %arg9[%dma_wait3A_149] : memref<20224xi32, #tpu.memory_space<vmem>> -> memref<128xi32, #tpu.memory_space<vmem>>
      %dma_wait3A_151 = arith.constant 0 : i32
      %dma_wait3A_152 = arith.constant 0 : i32
      %dma_wait3A_153 = tpu.memref_slice %arg22[%dma_wait3A_151, %dma_wait3A_152] : memref<10240x64xf32, #tpu.memory_space<vmem_shared>> -> memref<10240x64xf32, #tpu.memory_space<vmem_shared>>
      tpu.wait_indirect_dma semaphore(%arg18 : memref<!tpu.dma_semaphore, #tpu.memory_space<semaphore_mem>>) src(%arg10 : memref<128x64xf32, #tpu.memory_space<vmem>>) dst(%dma_wait3A_153 : memref<10240x64xf32, #tpu.memory_space<vmem_shared>>)
      %dma_wait3A_154 = arith.constant 0 : i32
      %dma_wait3A_155 = tpu.memref_slice %arg9[%dma_wait3A_154] : memref<20224xi32, #tpu.memory_space<vmem>> -> memref<128xi32, #tpu.memory_space<vmem>>
      %dma_wait3A_156 = arith.constant 0 : i32
      %dma_wait3A_157 = arith.constant 0 : i32
      %dma_wait3A_158 = tpu.memref_slice %arg22[%dma_wait3A_156, %dma_wait3A_157] : memref<10240x64xf32, #tpu.memory_space<vmem_shared>> -> memref<10240x64xf32, #tpu.memory_space<vmem_shared>>
      tpu.wait_indirect_dma semaphore(%arg19 : memref<!tpu.dma_semaphore, #tpu.memory_space<semaphore_mem>>) src(%arg11 : memref<128x64xf32, #tpu.memory_space<vmem>>) dst(%dma_wait3A_158 : memref<10240x64xf32, #tpu.memory_space<vmem_shared>>)
    } else {
    }
    %eq3A_19 = arith.constant 1 : i32
    %eq3A_20 = arith.cmpi eq, %arg0, %eq3A_19 : i32
    %convert_element_type3A_21 = arith.extui %eq3A_20 : i1 to i32
    %cond3A_22 = arith.constant 0 : i32
    %cond3A_23 = arith.cmpi ne, %convert_element_type3A_21, %cond3A_22 : i32
    scf.if %cond3A_23 {
      %dma_start3A = arith.constant 0 : i32
      %dma_start3A_35 = tpu.memref_slice %arg8[%dma_start3A] : memref<20224xi32, #tpu.memory_space<vmem>> -> memref<128xi32, #tpu.memory_space<vmem>>
      %dma_start3A_36 = arith.constant 0 : i32
      %dma_start3A_37 = arith.constant 0 : i32
      %dma_start3A_38 = tpu.memref_slice %arg5[%dma_start3A_36, %dma_start3A_37] : memref<10000x64xf32, #tpu.memory_space<hbm>> -> memref<10000x64xf32, #tpu.memory_space<hbm>>
      tpu.enqueue_indirect_dma source(%dma_start3A_38 : memref<10000x64xf32, #tpu.memory_space<hbm>>) target(%arg10 : memref<128x64xf32, #tpu.memory_space<vmem>>) offsets(%dma_start3A_35 : memref<128xi32, #tpu.memory_space<vmem>>) semaphore(%arg14 : memref<!tpu.dma_semaphore, #tpu.memory_space<semaphore_mem>>)
      %dma_start3A_39 = arith.constant 128 : i32
      %dma_start3A_40 = tpu.memref_slice %arg8[%dma_start3A_39] : memref<20224xi32, #tpu.memory_space<vmem>> -> memref<128xi32, #tpu.memory_space<vmem>>
      %dma_start3A_41 = arith.constant 0 : i32
      %dma_start3A_42 = arith.constant 0 : i32
      %dma_start3A_43 = tpu.memref_slice %arg5[%dma_start3A_41, %dma_start3A_42] : memref<10000x64xf32, #tpu.memory_space<hbm>> -> memref<10000x64xf32, #tpu.memory_space<hbm>>
      tpu.enqueue_indirect_dma source(%dma_start3A_43 : memref<10000x64xf32, #tpu.memory_space<hbm>>) target(%arg11 : memref<128x64xf32, #tpu.memory_space<vmem>>) offsets(%dma_start3A_40 : memref<128xi32, #tpu.memory_space<vmem>>) semaphore(%arg15 : memref<!tpu.dma_semaphore, #tpu.memory_space<semaphore_mem>>)
      %dma_wait3A = arith.constant 0 : i32
      %dma_wait3A_44 = tpu.memref_slice %arg8[%dma_wait3A] : memref<20224xi32, #tpu.memory_space<vmem>> -> memref<128xi32, #tpu.memory_space<vmem>>
      %dma_wait3A_45 = arith.constant 0 : i32
      %dma_wait3A_46 = arith.constant 0 : i32
      %dma_wait3A_47 = tpu.memref_slice %arg5[%dma_wait3A_45, %dma_wait3A_46] : memref<10000x64xf32, #tpu.memory_space<hbm>> -> memref<10000x64xf32, #tpu.memory_space<hbm>>
      tpu.wait_indirect_dma semaphore(%arg14 : memref<!tpu.dma_semaphore, #tpu.memory_space<semaphore_mem>>) src(%dma_wait3A_47 : memref<10000x64xf32, #tpu.memory_space<hbm>>) dst(%arg10 : memref<128x64xf32, #tpu.memory_space<vmem>>)
      %dma_start3A_48 = arith.constant 0 : i32
      %dma_start3A_49 = tpu.memref_slice %arg9[%dma_start3A_48] : memref<20224xi32, #tpu.memory_space<vmem>> -> memref<128xi32, #tpu.memory_space<vmem>>
      %dma_start3A_50 = arith.constant 0 : i32
      %dma_start3A_51 = arith.constant 0 : i32
      %dma_start3A_52 = tpu.memref_slice %arg22[%dma_start3A_50, %dma_start3A_51] : memref<10240x64xf32, #tpu.memory_space<vmem_shared>> -> memref<10240x64xf32, #tpu.memory_space<vmem_shared>>
      tpu.enqueue_indirect_dma source(%arg10 : memref<128x64xf32, #tpu.memory_space<vmem>>) target(%dma_start3A_52 : memref<10240x64xf32, #tpu.memory_space<vmem_shared>>) offsets(%dma_start3A_49 : memref<128xi32, #tpu.memory_space<vmem>>) semaphore(%arg18 : memref<!tpu.dma_semaphore, #tpu.memory_space<semaphore_mem>>) {add = true}
      %dma_start3A_53 = arith.constant 256 : i32
      %dma_start3A_54 = tpu.memref_slice %arg8[%dma_start3A_53] : memref<20224xi32, #tpu.memory_space<vmem>> -> memref<128xi32, #tpu.memory_space<vmem>>
      %dma_start3A_55 = arith.constant 0 : i32
      %dma_start3A_56 = arith.constant 0 : i32
      %dma_start3A_57 = tpu.memref_slice %arg5[%dma_start3A_55, %dma_start3A_56] : memref<10000x64xf32, #tpu.memory_space<hbm>> -> memref<10000x64xf32, #tpu.memory_space<hbm>>
      tpu.enqueue_indirect_dma source(%dma_start3A_57 : memref<10000x64xf32, #tpu.memory_space<hbm>>) target(%arg12 : memref<128x64xf32, #tpu.memory_space<vmem>>) offsets(%dma_start3A_54 : memref<128xi32, #tpu.memory_space<vmem>>) semaphore(%arg16 : memref<!tpu.dma_semaphore, #tpu.memory_space<semaphore_mem>>)
      %dma_wait3A_58 = arith.constant 0 : i32
      %dma_wait3A_59 = tpu.memref_slice %arg8[%dma_wait3A_58] : memref<20224xi32, #tpu.memory_space<vmem>> -> memref<128xi32, #tpu.memory_space<vmem>>
      %dma_wait3A_60 = arith.constant 0 : i32
      %dma_wait3A_61 = arith.constant 0 : i32
      %dma_wait3A_62 = tpu.memref_slice %arg5[%dma_wait3A_60, %dma_wait3A_61] : memref<10000x64xf32, #tpu.memory_space<hbm>> -> memref<10000x64xf32, #tpu.memory_space<hbm>>
      tpu.wait_indirect_dma semaphore(%arg15 : memref<!tpu.dma_semaphore, #tpu.memory_space<semaphore_mem>>) src(%dma_wait3A_62 : memref<10000x64xf32, #tpu.memory_space<hbm>>) dst(%arg11 : memref<128x64xf32, #tpu.memory_space<vmem>>)
      %dma_start3A_63 = arith.constant 128 : i32
      %dma_start3A_64 = tpu.memref_slice %arg9[%dma_start3A_63] : memref<20224xi32, #tpu.memory_space<vmem>> -> memref<128xi32, #tpu.memory_space<vmem>>
      %dma_start3A_65 = arith.constant 0 : i32
      %dma_start3A_66 = arith.constant 0 : i32
      %dma_start3A_67 = tpu.memref_slice %arg22[%dma_start3A_65, %dma_start3A_66] : memref<10240x64xf32, #tpu.memory_space<vmem_shared>> -> memref<10240x64xf32, #tpu.memory_space<vmem_shared>>
      tpu.enqueue_indirect_dma source(%arg11 : memref<128x64xf32, #tpu.memory_space<vmem>>) target(%dma_start3A_67 : memref<10240x64xf32, #tpu.memory_space<vmem_shared>>) offsets(%dma_start3A_64 : memref<128xi32, #tpu.memory_space<vmem>>) semaphore(%arg19 : memref<!tpu.dma_semaphore, #tpu.memory_space<semaphore_mem>>) {add = true}
      %dma_start3A_68 = arith.constant 384 : i32
      %dma_start3A_69 = tpu.memref_slice %arg8[%dma_start3A_68] : memref<20224xi32, #tpu.memory_space<vmem>> -> memref<128xi32, #tpu.memory_space<vmem>>
      %dma_start3A_70 = arith.constant 0 : i32
      %dma_start3A_71 = arith.constant 0 : i32
      %dma_start3A_72 = tpu.memref_slice %arg5[%dma_start3A_70, %dma_start3A_71] : memref<10000x64xf32, #tpu.memory_space<hbm>> -> memref<10000x64xf32, #tpu.memory_space<hbm>>
      tpu.enqueue_indirect_dma source(%dma_start3A_72 : memref<10000x64xf32, #tpu.memory_space<hbm>>) target(%arg13 : memref<128x64xf32, #tpu.memory_space<vmem>>) offsets(%dma_start3A_69 : memref<128xi32, #tpu.memory_space<vmem>>) semaphore(%arg17 : memref<!tpu.dma_semaphore, #tpu.memory_space<semaphore_mem>>)
      %dma_wait3A_73 = arith.constant 0 : i32
      %dma_wait3A_74 = tpu.memref_slice %arg8[%dma_wait3A_73] : memref<20224xi32, #tpu.memory_space<vmem>> -> memref<128xi32, #tpu.memory_space<vmem>>
      %dma_wait3A_75 = arith.constant 0 : i32
      %dma_wait3A_76 = arith.constant 0 : i32
      %dma_wait3A_77 = tpu.memref_slice %arg5[%dma_wait3A_75, %dma_wait3A_76] : memref<10000x64xf32, #tpu.memory_space<hbm>> -> memref<10000x64xf32, #tpu.memory_space<hbm>>
      tpu.wait_indirect_dma semaphore(%arg16 : memref<!tpu.dma_semaphore, #tpu.memory_space<semaphore_mem>>) src(%dma_wait3A_77 : memref<10000x64xf32, #tpu.memory_space<hbm>>) dst(%arg12 : memref<128x64xf32, #tpu.memory_space<vmem>>)
      %dma_start3A_78 = arith.constant 256 : i32
      %dma_start3A_79 = tpu.memref_slice %arg9[%dma_start3A_78] : memref<20224xi32, #tpu.memory_space<vmem>> -> memref<128xi32, #tpu.memory_space<vmem>>
      %dma_start3A_80 = arith.constant 0 : i32
      %dma_start3A_81 = arith.constant 0 : i32
      %dma_start3A_82 = tpu.memref_slice %arg22[%dma_start3A_80, %dma_start3A_81] : memref<10240x64xf32, #tpu.memory_space<vmem_shared>> -> memref<10240x64xf32, #tpu.memory_space<vmem_shared>>
      tpu.enqueue_indirect_dma source(%arg12 : memref<128x64xf32, #tpu.memory_space<vmem>>) target(%dma_start3A_82 : memref<10240x64xf32, #tpu.memory_space<vmem_shared>>) offsets(%dma_start3A_79 : memref<128xi32, #tpu.memory_space<vmem>>) semaphore(%arg20 : memref<!tpu.dma_semaphore, #tpu.memory_space<semaphore_mem>>) {add = true}
      %dma_wait3A_83 = arith.constant 0 : i32
      %dma_wait3A_84 = tpu.memref_slice %arg9[%dma_wait3A_83] : memref<20224xi32, #tpu.memory_space<vmem>> -> memref<128xi32, #tpu.memory_space<vmem>>
      %dma_wait3A_85 = arith.constant 0 : i32
      %dma_wait3A_86 = arith.constant 0 : i32
      %dma_wait3A_87 = tpu.memref_slice %arg22[%dma_wait3A_85, %dma_wait3A_86] : memref<10240x64xf32, #tpu.memory_space<vmem_shared>> -> memref<10240x64xf32, #tpu.memory_space<vmem_shared>>
      tpu.wait_indirect_dma semaphore(%arg18 : memref<!tpu.dma_semaphore, #tpu.memory_space<semaphore_mem>>) src(%arg10 : memref<128x64xf32, #tpu.memory_space<vmem>>) dst(%dma_wait3A_87 : memref<10240x64xf32, #tpu.memory_space<vmem_shared>>)
      %dma_start3A_88 = arith.constant 512 : i32
      %dma_start3A_89 = tpu.memref_slice %arg8[%dma_start3A_88] : memref<20224xi32, #tpu.memory_space<vmem>> -> memref<128xi32, #tpu.memory_space<vmem>>
      %dma_start3A_90 = arith.constant 0 : i32
      %dma_start3A_91 = arith.constant 0 : i32
      %dma_start3A_92 = tpu.memref_slice %arg5[%dma_start3A_90, %dma_start3A_91] : memref<10000x64xf32, #tpu.memory_space<hbm>> -> memref<10000x64xf32, #tpu.memory_space<hbm>>
      tpu.enqueue_indirect_dma source(%dma_start3A_92 : memref<10000x64xf32, #tpu.memory_space<hbm>>) target(%arg10 : memref<128x64xf32, #tpu.memory_space<vmem>>) offsets(%dma_start3A_89 : memref<128xi32, #tpu.memory_space<vmem>>) semaphore(%arg14 : memref<!tpu.dma_semaphore, #tpu.memory_space<semaphore_mem>>)
      %dma_wait3A_93 = arith.constant 0 : i32
      %dma_wait3A_94 = tpu.memref_slice %arg8[%dma_wait3A_93] : memref<20224xi32, #tpu.memory_space<vmem>> -> memref<128xi32, #tpu.memory_space<vmem>>
      %dma_wait3A_95 = arith.constant 0 : i32
      %dma_wait3A_96 = arith.constant 0 : i32
      %dma_wait3A_97 = tpu.memref_slice %arg5[%dma_wait3A_95, %dma_wait3A_96] : memref<10000x64xf32, #tpu.memory_space<hbm>> -> memref<10000x64xf32, #tpu.memory_space<hbm>>
      tpu.wait_indirect_dma semaphore(%arg17 : memref<!tpu.dma_semaphore, #tpu.memory_space<semaphore_mem>>) src(%dma_wait3A_97 : memref<10000x64xf32, #tpu.memory_space<hbm>>) dst(%arg13 : memref<128x64xf32, #tpu.memory_space<vmem>>)
      %dma_start3A_98 = arith.constant 384 : i32
      %dma_start3A_99 = tpu.memref_slice %arg9[%dma_start3A_98] : memref<20224xi32, #tpu.memory_space<vmem>> -> memref<128xi32, #tpu.memory_space<vmem>>
      %dma_start3A_100 = arith.constant 0 : i32
      %dma_start3A_101 = arith.constant 0 : i32
      %dma_start3A_102 = tpu.memref_slice %arg22[%dma_start3A_100, %dma_start3A_101] : memref<10240x64xf32, #tpu.memory_space<vmem_shared>> -> memref<10240x64xf32, #tpu.memory_space<vmem_shared>>
      tpu.enqueue_indirect_dma source(%arg13 : memref<128x64xf32, #tpu.memory_space<vmem>>) target(%dma_start3A_102 : memref<10240x64xf32, #tpu.memory_space<vmem_shared>>) offsets(%dma_start3A_99 : memref<128xi32, #tpu.memory_space<vmem>>) semaphore(%arg21 : memref<!tpu.dma_semaphore, #tpu.memory_space<semaphore_mem>>) {add = true}
      %dma_wait3A_103 = arith.constant 0 : i32
      %dma_wait3A_104 = tpu.memref_slice %arg9[%dma_wait3A_103] : memref<20224xi32, #tpu.memory_space<vmem>> -> memref<128xi32, #tpu.memory_space<vmem>>
      %dma_wait3A_105 = arith.constant 0 : i32
      %dma_wait3A_106 = arith.constant 0 : i32
      %dma_wait3A_107 = tpu.memref_slice %arg22[%dma_wait3A_105, %dma_wait3A_106] : memref<10240x64xf32, #tpu.memory_space<vmem_shared>> -> memref<10240x64xf32, #tpu.memory_space<vmem_shared>>
      tpu.wait_indirect_dma semaphore(%arg19 : memref<!tpu.dma_semaphore, #tpu.memory_space<semaphore_mem>>) src(%arg11 : memref<128x64xf32, #tpu.memory_space<vmem>>) dst(%dma_wait3A_107 : memref<10240x64xf32, #tpu.memory_space<vmem_shared>>)
      %dma_start3A_108 = arith.constant 640 : i32
      %dma_start3A_109 = tpu.memref_slice %arg8[%dma_start3A_108] : memref<20224xi32, #tpu.memory_space<vmem>> -> memref<128xi32, #tpu.memory_space<vmem>>
      %dma_start3A_110 = arith.constant 0 : i32
      %dma_start3A_111 = arith.constant 0 : i32
      %dma_start3A_112 = tpu.memref_slice %arg5[%dma_start3A_110, %dma_start3A_111] : memref<10000x64xf32, #tpu.memory_space<hbm>> -> memref<10000x64xf32, #tpu.memory_space<hbm>>
      tpu.enqueue_indirect_dma source(%dma_start3A_112 : memref<10000x64xf32, #tpu.memory_space<hbm>>) target(%arg11 : memref<128x64xf32, #tpu.memory_space<vmem>>) offsets(%dma_start3A_109 : memref<128xi32, #tpu.memory_space<vmem>>) semaphore(%arg15 : memref<!tpu.dma_semaphore, #tpu.memory_space<semaphore_mem>>)
      %scan3A = arith.constant 0 : i32
      %scan3A_113 = arith.constant 0 : i32
      %scan3A_114 = arith.constant 38 : i32
      %scan3A_115 = arith.addi %scan3A_113, %scan3A_114 : i32
      %scan3A_116 = arith.constant 1 : i32
      %scan3A_117 = scf.for %scan3A_159 = %scan3A_113 to %scan3A_115 step %scan3A_116 iter_args(%scan3A_160 = %scan3A) -> (i32)  : i32 {
        %mul3A_161 = arith.constant 4 : i32
        %mul3A_162 = arith.muli %mul3A_161, %scan3A_159 : i32
        %add3A = arith.constant 4 : i32
        %add3A_163 = arith.addi %add3A, %mul3A_162 : i32
        %dma_wait3A_164 = arith.constant 0 : i32
        %dma_wait3A_165 = tpu.memref_slice %arg8[%dma_wait3A_164] : memref<20224xi32, #tpu.memory_space<vmem>> -> memref<128xi32, #tpu.memory_space<vmem>>
        %dma_wait3A_166 = arith.constant 0 : i32
        %dma_wait3A_167 = arith.constant 0 : i32
        %dma_wait3A_168 = tpu.memref_slice %arg5[%dma_wait3A_166, %dma_wait3A_167] : memref<10000x64xf32, #tpu.memory_space<hbm>> -> memref<10000x64xf32, #tpu.memory_space<hbm>>
        tpu.wait_indirect_dma semaphore(%arg14 : memref<!tpu.dma_semaphore, #tpu.memory_space<semaphore_mem>>) src(%dma_wait3A_168 : memref<10000x64xf32, #tpu.memory_space<hbm>>) dst(%arg10 : memref<128x64xf32, #tpu.memory_space<vmem>>)
        %mul3A_169 = arith.constant 128 : i32
        %mul3A_170 = arith.muli %add3A_163, %mul3A_169 : i32
        %dma_start3A_171 = tpu.memref_slice %arg9[%mul3A_170] : memref<20224xi32, #tpu.memory_space<vmem>> -> memref<128xi32, #tpu.memory_space<vmem>>
        %dma_start3A_172 = arith.constant 0 : i32
        %dma_start3A_173 = arith.constant 0 : i32
        %dma_start3A_174 = tpu.memref_slice %arg22[%dma_start3A_172, %dma_start3A_173] : memref<10240x64xf32, #tpu.memory_space<vmem_shared>> -> memref<10240x64xf32, #tpu.memory_space<vmem_shared>>
        tpu.enqueue_indirect_dma source(%arg10 : memref<128x64xf32, #tpu.memory_space<vmem>>) target(%dma_start3A_174 : memref<10240x64xf32, #tpu.memory_space<vmem_shared>>) offsets(%dma_start3A_171 : memref<128xi32, #tpu.memory_space<vmem>>) semaphore(%arg18 : memref<!tpu.dma_semaphore, #tpu.memory_space<semaphore_mem>>) {add = true}
        %dma_wait3A_175 = arith.constant 0 : i32
        %dma_wait3A_176 = tpu.memref_slice %arg9[%dma_wait3A_175] : memref<20224xi32, #tpu.memory_space<vmem>> -> memref<128xi32, #tpu.memory_space<vmem>>
        %dma_wait3A_177 = arith.constant 0 : i32
        %dma_wait3A_178 = arith.constant 0 : i32
        %dma_wait3A_179 = tpu.memref_slice %arg22[%dma_wait3A_177, %dma_wait3A_178] : memref<10240x64xf32, #tpu.memory_space<vmem_shared>> -> memref<10240x64xf32, #tpu.memory_space<vmem_shared>>
        tpu.wait_indirect_dma semaphore(%arg20 : memref<!tpu.dma_semaphore, #tpu.memory_space<semaphore_mem>>) src(%arg12 : memref<128x64xf32, #tpu.memory_space<vmem>>) dst(%dma_wait3A_179 : memref<10240x64xf32, #tpu.memory_space<vmem_shared>>)
        %add3A_180 = arith.constant 2 : i32
        %add3A_181 = arith.addi %add3A_163, %add3A_180 : i32
        %mul3A_182 = arith.constant 128 : i32
        %mul3A_183 = arith.muli %add3A_181, %mul3A_182 : i32
        %dma_start3A_184 = tpu.memref_slice %arg8[%mul3A_183] : memref<20224xi32, #tpu.memory_space<vmem>> -> memref<128xi32, #tpu.memory_space<vmem>>
        %dma_start3A_185 = arith.constant 0 : i32
        %dma_start3A_186 = arith.constant 0 : i32
        %dma_start3A_187 = tpu.memref_slice %arg5[%dma_start3A_185, %dma_start3A_186] : memref<10000x64xf32, #tpu.memory_space<hbm>> -> memref<10000x64xf32, #tpu.memory_space<hbm>>
        tpu.enqueue_indirect_dma source(%dma_start3A_187 : memref<10000x64xf32, #tpu.memory_space<hbm>>) target(%arg12 : memref<128x64xf32, #tpu.memory_space<vmem>>) offsets(%dma_start3A_184 : memref<128xi32, #tpu.memory_space<vmem>>) semaphore(%arg16 : memref<!tpu.dma_semaphore, #tpu.memory_space<semaphore_mem>>)
        %add3A_188 = arith.constant 1 : i32
        %add3A_189 = arith.addi %add3A_163, %add3A_188 : i32
        %dma_wait3A_190 = arith.constant 0 : i32
        %dma_wait3A_191 = tpu.memref_slice %arg8[%dma_wait3A_190] : memref<20224xi32, #tpu.memory_space<vmem>> -> memref<128xi32, #tpu.memory_space<vmem>>
        %dma_wait3A_192 = arith.constant 0 : i32
        %dma_wait3A_193 = arith.constant 0 : i32
        %dma_wait3A_194 = tpu.memref_slice %arg5[%dma_wait3A_192, %dma_wait3A_193] : memref<10000x64xf32, #tpu.memory_space<hbm>> -> memref<10000x64xf32, #tpu.memory_space<hbm>>
        tpu.wait_indirect_dma semaphore(%arg15 : memref<!tpu.dma_semaphore, #tpu.memory_space<semaphore_mem>>) src(%dma_wait3A_194 : memref<10000x64xf32, #tpu.memory_space<hbm>>) dst(%arg11 : memref<128x64xf32, #tpu.memory_space<vmem>>)
        %mul3A_195 = arith.constant 128 : i32
        %mul3A_196 = arith.muli %add3A_189, %mul3A_195 : i32
        %dma_start3A_197 = tpu.memref_slice %arg9[%mul3A_196] : memref<20224xi32, #tpu.memory_space<vmem>> -> memref<128xi32, #tpu.memory_space<vmem>>
        %dma_start3A_198 = arith.constant 0 : i32
        %dma_start3A_199 = arith.constant 0 : i32
        %dma_start3A_200 = tpu.memref_slice %arg22[%dma_start3A_198, %dma_start3A_199] : memref<10240x64xf32, #tpu.memory_space<vmem_shared>> -> memref<10240x64xf32, #tpu.memory_space<vmem_shared>>
        tpu.enqueue_indirect_dma source(%arg11 : memref<128x64xf32, #tpu.memory_space<vmem>>) target(%dma_start3A_200 : memref<10240x64xf32, #tpu.memory_space<vmem_shared>>) offsets(%dma_start3A_197 : memref<128xi32, #tpu.memory_space<vmem>>) semaphore(%arg19 : memref<!tpu.dma_semaphore, #tpu.memory_space<semaphore_mem>>) {add = true}
        %dma_wait3A_201 = arith.constant 0 : i32
        %dma_wait3A_202 = tpu.memref_slice %arg9[%dma_wait3A_201] : memref<20224xi32, #tpu.memory_space<vmem>> -> memref<128xi32, #tpu.memory_space<vmem>>
        %dma_wait3A_203 = arith.constant 0 : i32
        %dma_wait3A_204 = arith.constant 0 : i32
        %dma_wait3A_205 = tpu.memref_slice %arg22[%dma_wait3A_203, %dma_wait3A_204] : memref<10240x64xf32, #tpu.memory_space<vmem_shared>> -> memref<10240x64xf32, #tpu.memory_space<vmem_shared>>
        tpu.wait_indirect_dma semaphore(%arg21 : memref<!tpu.dma_semaphore, #tpu.memory_space<semaphore_mem>>) src(%arg13 : memref<128x64xf32, #tpu.memory_space<vmem>>) dst(%dma_wait3A_205 : memref<10240x64xf32, #tpu.memory_space<vmem_shared>>)
        %add3A_206 = arith.constant 2 : i32
        %add3A_207 = arith.addi %add3A_189, %add3A_206 : i32
        %mul3A_208 = arith.constant 128 : i32
        %mul3A_209 = arith.muli %add3A_207, %mul3A_208 : i32
        %dma_start3A_210 = tpu.memref_slice %arg8[%mul3A_209] : memref<20224xi32, #tpu.memory_space<vmem>> -> memref<128xi32, #tpu.memory_space<vmem>>
        %dma_start3A_211 = arith.constant 0 : i32
        %dma_start3A_212 = arith.constant 0 : i32
        %dma_start3A_213 = tpu.memref_slice %arg5[%dma_start3A_211, %dma_start3A_212] : memref<10000x64xf32, #tpu.memory_space<hbm>> -> memref<10000x64xf32, #tpu.memory_space<hbm>>
        tpu.enqueue_indirect_dma source(%dma_start3A_213 : memref<10000x64xf32, #tpu.memory_space<hbm>>) target(%arg13 : memref<128x64xf32, #tpu.memory_space<vmem>>) offsets(%dma_start3A_210 : memref<128xi32, #tpu.memory_space<vmem>>) semaphore(%arg17 : memref<!tpu.dma_semaphore, #tpu.memory_space<semaphore_mem>>)
        %add3A_214 = arith.constant 2 : i32
        %add3A_215 = arith.addi %add3A_163, %add3A_214 : i32
        %dma_wait3A_216 = arith.constant 0 : i32
        %dma_wait3A_217 = tpu.memref_slice %arg8[%dma_wait3A_216] : memref<20224xi32, #tpu.memory_space<vmem>> -> memref<128xi32, #tpu.memory_space<vmem>>
        %dma_wait3A_218 = arith.constant 0 : i32
        %dma_wait3A_219 = arith.constant 0 : i32
        %dma_wait3A_220 = tpu.memref_slice %arg5[%dma_wait3A_218, %dma_wait3A_219] : memref<10000x64xf32, #tpu.memory_space<hbm>> -> memref<10000x64xf32, #tpu.memory_space<hbm>>
        tpu.wait_indirect_dma semaphore(%arg16 : memref<!tpu.dma_semaphore, #tpu.memory_space<semaphore_mem>>) src(%dma_wait3A_220 : memref<10000x64xf32, #tpu.memory_space<hbm>>) dst(%arg12 : memref<128x64xf32, #tpu.memory_space<vmem>>)
        %mul3A_221 = arith.constant 128 : i32
        %mul3A_222 = arith.muli %add3A_215, %mul3A_221 : i32
        %dma_start3A_223 = tpu.memref_slice %arg9[%mul3A_222] : memref<20224xi32, #tpu.memory_space<vmem>> -> memref<128xi32, #tpu.memory_space<vmem>>
        %dma_start3A_224 = arith.constant 0 : i32
        %dma_start3A_225 = arith.constant 0 : i32
        %dma_start3A_226 = tpu.memref_slice %arg22[%dma_start3A_224, %dma_start3A_225] : memref<10240x64xf32, #tpu.memory_space<vmem_shared>> -> memref<10240x64xf32, #tpu.memory_space<vmem_shared>>
        tpu.enqueue_indirect_dma source(%arg12 : memref<128x64xf32, #tpu.memory_space<vmem>>) target(%dma_start3A_226 : memref<10240x64xf32, #tpu.memory_space<vmem_shared>>) offsets(%dma_start3A_223 : memref<128xi32, #tpu.memory_space<vmem>>) semaphore(%arg20 : memref<!tpu.dma_semaphore, #tpu.memory_space<semaphore_mem>>) {add = true}
        %dma_wait3A_227 = arith.constant 0 : i32
        %dma_wait3A_228 = tpu.memref_slice %arg9[%dma_wait3A_227] : memref<20224xi32, #tpu.memory_space<vmem>> -> memref<128xi32, #tpu.memory_space<vmem>>
        %dma_wait3A_229 = arith.constant 0 : i32
        %dma_wait3A_230 = arith.constant 0 : i32
        %dma_wait3A_231 = tpu.memref_slice %arg22[%dma_wait3A_229, %dma_wait3A_230] : memref<10240x64xf32, #tpu.memory_space<vmem_shared>> -> memref<10240x64xf32, #tpu.memory_space<vmem_shared>>
        tpu.wait_indirect_dma semaphore(%arg18 : memref<!tpu.dma_semaphore, #tpu.memory_space<semaphore_mem>>) src(%arg10 : memref<128x64xf32, #tpu.memory_space<vmem>>) dst(%dma_wait3A_231 : memref<10240x64xf32, #tpu.memory_space<vmem_shared>>)
        %add3A_232 = arith.constant 2 : i32
        %add3A_233 = arith.addi %add3A_215, %add3A_232 : i32
        %mul3A_234 = arith.constant 128 : i32
        %mul3A_235 = arith.muli %add3A_233, %mul3A_234 : i32
        %dma_start3A_236 = tpu.memref_slice %arg8[%mul3A_235] : memref<20224xi32, #tpu.memory_space<vmem>> -> memref<128xi32, #tpu.memory_space<vmem>>
        %dma_start3A_237 = arith.constant 0 : i32
        %dma_start3A_238 = arith.constant 0 : i32
        %dma_start3A_239 = tpu.memref_slice %arg5[%dma_start3A_237, %dma_start3A_238] : memref<10000x64xf32, #tpu.memory_space<hbm>> -> memref<10000x64xf32, #tpu.memory_space<hbm>>
        tpu.enqueue_indirect_dma source(%dma_start3A_239 : memref<10000x64xf32, #tpu.memory_space<hbm>>) target(%arg10 : memref<128x64xf32, #tpu.memory_space<vmem>>) offsets(%dma_start3A_236 : memref<128xi32, #tpu.memory_space<vmem>>) semaphore(%arg14 : memref<!tpu.dma_semaphore, #tpu.memory_space<semaphore_mem>>)
        %add3A_240 = arith.constant 3 : i32
        %add3A_241 = arith.addi %add3A_163, %add3A_240 : i32
        %dma_wait3A_242 = arith.constant 0 : i32
        %dma_wait3A_243 = tpu.memref_slice %arg8[%dma_wait3A_242] : memref<20224xi32, #tpu.memory_space<vmem>> -> memref<128xi32, #tpu.memory_space<vmem>>
        %dma_wait3A_244 = arith.constant 0 : i32
        %dma_wait3A_245 = arith.constant 0 : i32
        %dma_wait3A_246 = tpu.memref_slice %arg5[%dma_wait3A_244, %dma_wait3A_245] : memref<10000x64xf32, #tpu.memory_space<hbm>> -> memref<10000x64xf32, #tpu.memory_space<hbm>>
        tpu.wait_indirect_dma semaphore(%arg17 : memref<!tpu.dma_semaphore, #tpu.memory_space<semaphore_mem>>) src(%dma_wait3A_246 : memref<10000x64xf32, #tpu.memory_space<hbm>>) dst(%arg13 : memref<128x64xf32, #tpu.memory_space<vmem>>)
        %mul3A_247 = arith.constant 128 : i32
        %mul3A_248 = arith.muli %add3A_241, %mul3A_247 : i32
        %dma_start3A_249 = tpu.memref_slice %arg9[%mul3A_248] : memref<20224xi32, #tpu.memory_space<vmem>> -> memref<128xi32, #tpu.memory_space<vmem>>
        %dma_start3A_250 = arith.constant 0 : i32
        %dma_start3A_251 = arith.constant 0 : i32
        %dma_start3A_252 = tpu.memref_slice %arg22[%dma_start3A_250, %dma_start3A_251] : memref<10240x64xf32, #tpu.memory_space<vmem_shared>> -> memref<10240x64xf32, #tpu.memory_space<vmem_shared>>
        tpu.enqueue_indirect_dma source(%arg13 : memref<128x64xf32, #tpu.memory_space<vmem>>) target(%dma_start3A_252 : memref<10240x64xf32, #tpu.memory_space<vmem_shared>>) offsets(%dma_start3A_249 : memref<128xi32, #tpu.memory_space<vmem>>) semaphore(%arg21 : memref<!tpu.dma_semaphore, #tpu.memory_space<semaphore_mem>>) {add = true}
        %dma_wait3A_253 = arith.constant 0 : i32
        %dma_wait3A_254 = tpu.memref_slice %arg9[%dma_wait3A_253] : memref<20224xi32, #tpu.memory_space<vmem>> -> memref<128xi32, #tpu.memory_space<vmem>>
        %dma_wait3A_255 = arith.constant 0 : i32
        %dma_wait3A_256 = arith.constant 0 : i32
        %dma_wait3A_257 = tpu.memref_slice %arg22[%dma_wait3A_255, %dma_wait3A_256] : memref<10240x64xf32, #tpu.memory_space<vmem_shared>> -> memref<10240x64xf32, #tpu.memory_space<vmem_shared>>
        tpu.wait_indirect_dma semaphore(%arg19 : memref<!tpu.dma_semaphore, #tpu.memory_space<semaphore_mem>>) src(%arg11 : memref<128x64xf32, #tpu.memory_space<vmem>>) dst(%dma_wait3A_257 : memref<10240x64xf32, #tpu.memory_space<vmem_shared>>)
        %add3A_258 = arith.constant 2 : i32
        %add3A_259 = arith.addi %add3A_241, %add3A_258 : i32
        %mul3A_260 = arith.constant 128 : i32
        %mul3A_261 = arith.muli %add3A_259, %mul3A_260 : i32
        %dma_start3A_262 = tpu.memref_slice %arg8[%mul3A_261] : memref<20224xi32, #tpu.memory_space<vmem>> -> memref<128xi32, #tpu.memory_space<vmem>>
        %dma_start3A_263 = arith.constant 0 : i32
        %dma_start3A_264 = arith.constant 0 : i32
        %dma_start3A_265 = tpu.memref_slice %arg5[%dma_start3A_263, %dma_start3A_264] : memref<10000x64xf32, #tpu.memory_space<hbm>> -> memref<10000x64xf32, #tpu.memory_space<hbm>>
        tpu.enqueue_indirect_dma source(%dma_start3A_265 : memref<10000x64xf32, #tpu.memory_space<hbm>>) target(%arg11 : memref<128x64xf32, #tpu.memory_space<vmem>>) offsets(%dma_start3A_262 : memref<128xi32, #tpu.memory_space<vmem>>) semaphore(%arg15 : memref<!tpu.dma_semaphore, #tpu.memory_space<semaphore_mem>>)
        %scan3A_266 = arith.constant 0 : i32
        scf.yield %scan3A_266 : i32
      }
      %scan3A_118 = arith.constant 38 : i32
      %dma_wait3A_119 = arith.constant 0 : i32
      %dma_wait3A_120 = tpu.memref_slice %arg8[%dma_wait3A_119] : memref<20224xi32, #tpu.memory_space<vmem>> -> memref<128xi32, #tpu.memory_space<vmem>>
      %dma_wait3A_121 = arith.constant 0 : i32
      %dma_wait3A_122 = arith.constant 0 : i32
      %dma_wait3A_123 = tpu.memref_slice %arg5[%dma_wait3A_121, %dma_wait3A_122] : memref<10000x64xf32, #tpu.memory_space<hbm>> -> memref<10000x64xf32, #tpu.memory_space<hbm>>
      tpu.wait_indirect_dma semaphore(%arg14 : memref<!tpu.dma_semaphore, #tpu.memory_space<semaphore_mem>>) src(%dma_wait3A_123 : memref<10000x64xf32, #tpu.memory_space<hbm>>) dst(%arg10 : memref<128x64xf32, #tpu.memory_space<vmem>>)
      %dma_start3A_124 = arith.constant 19968 : i32
      %dma_start3A_125 = tpu.memref_slice %arg9[%dma_start3A_124] : memref<20224xi32, #tpu.memory_space<vmem>> -> memref<128xi32, #tpu.memory_space<vmem>>
      %dma_start3A_126 = arith.constant 0 : i32
      %dma_start3A_127 = arith.constant 0 : i32
      %dma_start3A_128 = tpu.memref_slice %arg22[%dma_start3A_126, %dma_start3A_127] : memref<10240x64xf32, #tpu.memory_space<vmem_shared>> -> memref<10240x64xf32, #tpu.memory_space<vmem_shared>>
      tpu.enqueue_indirect_dma source(%arg10 : memref<128x64xf32, #tpu.memory_space<vmem>>) target(%dma_start3A_128 : memref<10240x64xf32, #tpu.memory_space<vmem_shared>>) offsets(%dma_start3A_125 : memref<128xi32, #tpu.memory_space<vmem>>) semaphore(%arg18 : memref<!tpu.dma_semaphore, #tpu.memory_space<semaphore_mem>>) {add = true}
      %dma_wait3A_129 = arith.constant 0 : i32
      %dma_wait3A_130 = tpu.memref_slice %arg8[%dma_wait3A_129] : memref<20224xi32, #tpu.memory_space<vmem>> -> memref<128xi32, #tpu.memory_space<vmem>>
      %dma_wait3A_131 = arith.constant 0 : i32
      %dma_wait3A_132 = arith.constant 0 : i32
      %dma_wait3A_133 = tpu.memref_slice %arg5[%dma_wait3A_131, %dma_wait3A_132] : memref<10000x64xf32, #tpu.memory_space<hbm>> -> memref<10000x64xf32, #tpu.memory_space<hbm>>
      tpu.wait_indirect_dma semaphore(%arg15 : memref<!tpu.dma_semaphore, #tpu.memory_space<semaphore_mem>>) src(%dma_wait3A_133 : memref<10000x64xf32, #tpu.memory_space<hbm>>) dst(%arg11 : memref<128x64xf32, #tpu.memory_space<vmem>>)
      %dma_start3A_134 = arith.constant 20096 : i32
      %dma_start3A_135 = tpu.memref_slice %arg9[%dma_start3A_134] : memref<20224xi32, #tpu.memory_space<vmem>> -> memref<128xi32, #tpu.memory_space<vmem>>
      %dma_start3A_136 = arith.constant 0 : i32
      %dma_start3A_137 = arith.constant 0 : i32
      %dma_start3A_138 = tpu.memref_slice %arg22[%dma_start3A_136, %dma_start3A_137] : memref<10240x64xf32, #tpu.memory_space<vmem_shared>> -> memref<10240x64xf32, #tpu.memory_space<vmem_shared>>
      tpu.enqueue_indirect_dma source(%arg11 : memref<128x64xf32, #tpu.memory_space<vmem>>) target(%dma_start3A_138 : memref<10240x64xf32, #tpu.memory_space<vmem_shared>>) offsets(%dma_start3A_135 : memref<128xi32, #tpu.memory_space<vmem>>) semaphore(%arg19 : memref<!tpu.dma_semaphore, #tpu.memory_space<semaphore_mem>>) {add = true}
      %dma_wait3A_139 = arith.constant 0 : i32
      %dma_wait3A_140 = tpu.memref_slice %arg9[%dma_wait3A_139] : memref<20224xi32, #tpu.memory_space<vmem>> -> memref<128xi32, #tpu.memory_space<vmem>>
      %dma_wait3A_141 = arith.constant 0 : i32
      %dma_wait3A_142 = arith.constant 0 : i32
      %dma_wait3A_143 = tpu.memref_slice %arg22[%dma_wait3A_141, %dma_wait3A_142] : memref<10240x64xf32, #tpu.memory_space<vmem_shared>> -> memref<10240x64xf32, #tpu.memory_space<vmem_shared>>
      tpu.wait_indirect_dma semaphore(%arg20 : memref<!tpu.dma_semaphore, #tpu.memory_space<semaphore_mem>>) src(%arg12 : memref<128x64xf32, #tpu.memory_space<vmem>>) dst(%dma_wait3A_143 : memref<10240x64xf32, #tpu.memory_space<vmem_shared>>)
      %dma_wait3A_144 = arith.constant 0 : i32
      %dma_wait3A_145 = tpu.memref_slice %arg9[%dma_wait3A_144] : memref<20224xi32, #tpu.memory_space<vmem>> -> memref<128xi32, #tpu.memory_space<vmem>>
      %dma_wait3A_146 = arith.constant 0 : i32
      %dma_wait3A_147 = arith.constant 0 : i32
      %dma_wait3A_148 = tpu.memref_slice %arg22[%dma_wait3A_146, %dma_wait3A_147] : memref<10240x64xf32, #tpu.memory_space<vmem_shared>> -> memref<10240x64xf32, #tpu.memory_space<vmem_shared>>
      tpu.wait_indirect_dma semaphore(%arg21 : memref<!tpu.dma_semaphore, #tpu.memory_space<semaphore_mem>>) src(%arg13 : memref<128x64xf32, #tpu.memory_space<vmem>>) dst(%dma_wait3A_148 : memref<10240x64xf32, #tpu.memory_space<vmem_shared>>)
      %dma_wait3A_149 = arith.constant 0 : i32
      %dma_wait3A_150 = tpu.memref_slice %arg9[%dma_wait3A_149] : memref<20224xi32, #tpu.memory_space<vmem>> -> memref<128xi32, #tpu.memory_space<vmem>>
      %dma_wait3A_151 = arith.constant 0 : i32
      %dma_wait3A_152 = arith.constant 0 : i32
      %dma_wait3A_153 = tpu.memref_slice %arg22[%dma_wait3A_151, %dma_wait3A_152] : memref<10240x64xf32, #tpu.memory_space<vmem_shared>> -> memref<10240x64xf32, #tpu.memory_space<vmem_shared>>
      tpu.wait_indirect_dma semaphore(%arg18 : memref<!tpu.dma_semaphore, #tpu.memory_space<semaphore_mem>>) src(%arg10 : memref<128x64xf32, #tpu.memory_space<vmem>>) dst(%dma_wait3A_153 : memref<10240x64xf32, #tpu.memory_space<vmem_shared>>)
      %dma_wait3A_154 = arith.constant 0 : i32
      %dma_wait3A_155 = tpu.memref_slice %arg9[%dma_wait3A_154] : memref<20224xi32, #tpu.memory_space<vmem>> -> memref<128xi32, #tpu.memory_space<vmem>>
      %dma_wait3A_156 = arith.constant 0 : i32
      %dma_wait3A_157 = arith.constant 0 : i32
      %dma_wait3A_158 = tpu.memref_slice %arg22[%dma_wait3A_156, %dma_wait3A_157] : memref<10240x64xf32, #tpu.memory_space<vmem_shared>> -> memref<10240x64xf32, #tpu.memory_space<vmem_shared>>
      tpu.wait_indirect_dma semaphore(%arg19 : memref<!tpu.dma_semaphore, #tpu.memory_space<semaphore_mem>>) src(%arg11 : memref<128x64xf32, #tpu.memory_space<vmem>>) dst(%dma_wait3A_158 : memref<10240x64xf32, #tpu.memory_space<vmem_shared>>)
    } else {
    }
    %barrier3A_24 = arith.constant 0 : index
    tpu.barrier barrier_id(%barrier3A_24)
    %eq3A_25 = arith.constant 0 : i32
    %eq3A_26 = arith.cmpi eq, %arg0, %eq3A_25 : i32
    %convert_element_type3A_27 = arith.extui %eq3A_26 : i1 to i32
    %cond3A_28 = arith.constant 0 : i32
    %cond3A_29 = arith.cmpi ne, %convert_element_type3A_27, %cond3A_28 : i32
    scf.if %cond3A_29 {
      %mul3A_35 = arith.constant 640 : i32
      %mul3A_36 = arith.muli %arg1, %mul3A_35 : i32
      %mul3A_37 = arith.constant 640 : i32
      %mul3A_38 = arith.muli %arg1, %mul3A_37 : i32
      "tpu.region"() ({
        %run_scoped3A = tpu.sem_alloc : memref<!tpu.dma_semaphore, #tpu.memory_space<semaphore_mem>>
        %dma_start3A = arith.constant 0 : i32
        %dma_start3A_39 = tpu.memref_slice %arg6[%mul3A_38, %dma_start3A] : memref<10240x64xf32, #tpu.memory_space<hbm>> -> memref<640x64xf32, #tpu.memory_space<hbm>>
        %dma_start3A_40 = arith.constant 0 : i32
        %dma_start3A_41 = tpu.memref_slice %arg22[%mul3A_36, %dma_start3A_40] : memref<10240x64xf32, #tpu.memory_space<vmem_shared>> -> memref<640x64xf32, #tpu.memory_space<vmem_shared>>
        tpu.enqueue_dma source(%dma_start3A_41 : memref<640x64xf32, #tpu.memory_space<vmem_shared>>) target(%dma_start3A_39 : memref<640x64xf32, #tpu.memory_space<hbm>>) target_semaphore(%run_scoped3A : memref<!tpu.dma_semaphore, #tpu.memory_space<semaphore_mem>>)
        %dma_wait3A = arith.constant 0 : i32
        %dma_wait3A_42 = tpu.memref_slice %arg6[%mul3A_38, %dma_wait3A] : memref<10240x64xf32, #tpu.memory_space<hbm>> -> memref<640x64xf32, #tpu.memory_space<hbm>>
        %dma_wait3A_43 = arith.constant 0 : i32
        %dma_wait3A_44 = tpu.memref_slice %arg22[%mul3A_36, %dma_wait3A_43] : memref<10240x64xf32, #tpu.memory_space<vmem_shared>> -> memref<640x64xf32, #tpu.memory_space<vmem_shared>>
        tpu.wait_dma2 semaphore(%run_scoped3A : memref<!tpu.dma_semaphore, #tpu.memory_space<semaphore_mem>>) src(%dma_wait3A_44 : memref<640x64xf32, #tpu.memory_space<vmem_shared>>) dst(%dma_wait3A_42 : memref<640x64xf32, #tpu.memory_space<hbm>>)
        tpu.yield
      }) : () -> ()
    } else {
    }
    %eq3A_30 = arith.constant 1 : i32
    %eq3A_31 = arith.cmpi eq, %arg0, %eq3A_30 : i32
    %convert_element_type3A_32 = arith.extui %eq3A_31 : i1 to i32
    %cond3A_33 = arith.constant 0 : i32
    %cond3A_34 = arith.cmpi ne, %convert_element_type3A_32, %cond3A_33 : i32
    scf.if %cond3A_34 {
      %mul3A_35 = arith.constant 640 : i32
      %mul3A_36 = arith.muli %arg1, %mul3A_35 : i32
      %mul3A_37 = arith.constant 640 : i32
      %mul3A_38 = arith.muli %arg1, %mul3A_37 : i32
      "tpu.region"() ({
        %run_scoped3A = tpu.sem_alloc : memref<!tpu.dma_semaphore, #tpu.memory_space<semaphore_mem>>
        %dma_start3A = arith.constant 0 : i32
        %dma_start3A_39 = tpu.memref_slice %arg7[%mul3A_38, %dma_start3A] : memref<10240x64xf32, #tpu.memory_space<hbm>> -> memref<640x64xf32, #tpu.memory_space<hbm>>
        %dma_start3A_40 = arith.constant 0 : i32
        %dma_start3A_41 = tpu.memref_slice %arg22[%mul3A_36, %dma_start3A_40] : memref<10240x64xf32, #tpu.memory_space<vmem_shared>> -> memref<640x64xf32, #tpu.memory_space<vmem_shared>>
        tpu.enqueue_dma source(%dma_start3A_41 : memref<640x64xf32, #tpu.memory_space<vmem_shared>>) target(%dma_start3A_39 : memref<640x64xf32, #tpu.memory_space<hbm>>) target_semaphore(%run_scoped3A : memref<!tpu.dma_semaphore, #tpu.memory_space<semaphore_mem>>)
        %dma_wait3A = arith.constant 0 : i32
        %dma_wait3A_42 = tpu.memref_slice %arg7[%mul3A_38, %dma_wait3A] : memref<10240x64xf32, #tpu.memory_space<hbm>> -> memref<640x64xf32, #tpu.memory_space<hbm>>
        %dma_wait3A_43 = arith.constant 0 : i32
        %dma_wait3A_44 = tpu.memref_slice %arg22[%mul3A_36, %dma_wait3A_43] : memref<10240x64xf32, #tpu.memory_space<vmem_shared>> -> memref<640x64xf32, #tpu.memory_space<vmem_shared>>
        tpu.wait_dma2 semaphore(%run_scoped3A : memref<!tpu.dma_semaphore, #tpu.memory_space<semaphore_mem>>) src(%dma_wait3A_44 : memref<640x64xf32, #tpu.memory_space<vmem_shared>>) dst(%dma_wait3A_42 : memref<640x64xf32, #tpu.memory_space<hbm>>)
        tpu.yield
      }) : () -> ()
    } else {
    }
    return
  }
}

module attributes {stable_mosaic.version = 14 : i64} {
  func.func @_k2_body(%arg0: i32, %arg1: memref<32x10000xf32, #tpu.memory_space<vmem>>, %arg2: memref<2048x128xf32, #tpu.memory_space<vmem>>, %arg3: memref<128x128xf32, #tpu.memory_space<vmem>>, %arg4: memref<2048x64xf32, #tpu.memory_space<vmem>>, %arg5: memref<2048x64xf32, #tpu.memory_space<vmem>>, %arg6: memref<2048x1xf32, #tpu.memory_space<vmem>>, %arg7: memref<10240x1xf32, #tpu.memory_space<vmem>>) attributes {dimension_semantics = [#tpu.dimension_semantics<arbitrary>], iteration_bounds = array<i64: 5>, scalar_prefetch = 0 : i64, scratch_operands = 1 : i64, tpu.core_type = #tpu.core_type<tc>, window_params = [{pipeline_mode = #tpu.pipeline_mode<synchronous>, transform_indices = @transform_0, window_bounds = array<i64: 32, 10000>}, {transform_indices = @transform_1, window_bounds = array<i64: 2048, 128>}, {pipeline_mode = #tpu.pipeline_mode<synchronous>, transform_indices = @transform_2, window_bounds = array<i64: 128, 128>}, {transform_indices = @transform_3, window_bounds = array<i64: 2048, 64>}, {transform_indices = @transform_4, window_bounds = array<i64: 2048, 64>}, {transform_indices = @transform_5, window_bounds = array<i64: 2048, 1>}]} {
    %eq3A = arith.constant 0 : i32
    %eq3A_0 = arith.cmpi eq, %arg0, %eq3A : i32
    %convert_element_type3A = arith.extui %eq3A_0 : i1 to i32
    %cond3A = arith.constant 0 : i32
    %cond3A_1 = arith.cmpi ne, %convert_element_type3A, %cond3A : i32
    scf.if %cond3A_1 {
      %broadcast_in_dim3A = arith.constant 1.000000e+00 : f32
      %broadcast_in_dim3A_23 = vector.broadcast %broadcast_in_dim3A : f32 to vector<32x1xf32>
      %get3A_24 = arith.constant 0 : index
      %get3A_25 = arith.constant 0 : index
      %get3A_26 = vector.load %arg1[%get3A_24, %get3A_25] : memref<32x10000xf32, #tpu.memory_space<vmem>>, vector<32x10000xf32>
      %dot_general3A_27 = arith.constant dense<0.000000e+00> : vector<10000x1xf32>
      %dot_general3A_28 = tpu.matmul %get3A_26, %broadcast_in_dim3A_23, %dot_general3A_27 {dimension_numbers = #tpu.dot_dimension_numbers<[0], [0], [1], [1], [0, 1, 1, 1], [], []>, transpose_lhs_hint = false} : vector<32x10000xf32>, vector<32x1xf32>, vector<10000x1xf32> -> vector<10000x1xf32>
      %add3A = arith.constant 1.000000e+00 : f32
      %add3A_29 = vector.broadcast %add3A : f32 to vector<10000x1xf32>
      %add3A_30 = arith.addf %dot_general3A_28, %add3A_29 : vector<10000x1xf32>
      %rsqrt3A = math.rsqrt %add3A_30 : vector<10000x1xf32>
      %swap3A_31 = arith.constant 0 : index
      %swap3A_32 = arith.constant 0 : index
      %swap3A_33 = vector.load %arg7[%swap3A_31, %swap3A_32] : memref<10240x1xf32, #tpu.memory_space<vmem>>, vector<10000x1xf32>
      tpu.vector_store %arg7[%swap3A_31, %swap3A_32], %rsqrt3A {strides = array<i32>} : memref<10240x1xf32, #tpu.memory_space<vmem>>, vector<10000x1xf32>,
    } else {
    }
    %mul3A = arith.constant 2048 : i32
    %mul3A_2 = arith.muli %arg0, %mul3A : i32
    %get3A = arith.index_cast %mul3A_2 : i32 to index
    %get3A_3 = arith.constant 0 : index
    %get3A_4 = vector.load %arg7[%get3A, %get3A_3] : memref<10240x1xf32, #tpu.memory_space<vmem>>, vector<2048x1xf32>
    %get3A_5 = arith.constant 0 : index
    %get3A_6 = arith.constant 0 : index
    %get3A_7 = vector.load %arg2[%get3A_5, %get3A_6] : memref<2048x128xf32, #tpu.memory_space<vmem>>, vector<2048x128xf32>
    %get3A_8 = arith.constant 0 : index
    %get3A_9 = arith.constant 0 : index
    %get3A_10 = vector.load %arg3[%get3A_8, %get3A_9] : memref<128x128xf32, #tpu.memory_space<vmem>>, vector<128x128xf32>
    %dot_general3A = arith.constant dense<0.000000e+00> : vector<2048x128xf32>
    %dot_general3A_11 = tpu.matmul %get3A_7, %get3A_10, %dot_general3A {dimension_numbers = #tpu.dot_dimension_numbers<[1], [0], [0], [1], [0, 0, 1, 1], [], []>, transpose_lhs_hint = false} : vector<2048x128xf32>, vector<128x128xf32>, vector<2048x128xf32> -> vector<2048x128xf32>
    %mul3A_12 = vector.broadcast %get3A_4 : vector<2048x1xf32> to vector<2048x128xf32>
    %mul3A_13 = arith.mulf %dot_general3A_11, %mul3A_12 : vector<2048x128xf32>
    %slice3A = vector.extract_strided_slice %mul3A_13 {offsets = [0, 0], sizes = [2048, 64], strides = [1, 1]} : vector<2048x128xf32> to vector<2048x64xf32>
    %swap3A = arith.constant 0 : index
    %swap3A_14 = arith.constant 0 : index
    %swap3A_15 = vector.load %arg4[%swap3A, %swap3A_14] : memref<2048x64xf32, #tpu.memory_space<vmem>>, vector<2048x64xf32>
    tpu.vector_store %arg4[%swap3A, %swap3A_14], %slice3A {strides = array<i32>} : memref<2048x64xf32, #tpu.memory_space<vmem>>, vector<2048x64xf32>,
    %slice3A_16 = vector.extract_strided_slice %mul3A_13 {offsets = [0, 64], sizes = [2048, 64], strides = [1, 1]} : vector<2048x128xf32> to vector<2048x64xf32>
    %swap3A_17 = arith.constant 0 : index
    %swap3A_18 = arith.constant 0 : index
    %swap3A_19 = vector.load %arg5[%swap3A_17, %swap3A_18] : memref<2048x64xf32, #tpu.memory_space<vmem>>, vector<2048x64xf32>
    tpu.vector_store %arg5[%swap3A_17, %swap3A_18], %slice3A_16 {strides = array<i32>} : memref<2048x64xf32, #tpu.memory_space<vmem>>, vector<2048x64xf32>,
    %swap3A_20 = arith.constant 0 : index
    %swap3A_21 = arith.constant 0 : index
    %swap3A_22 = vector.load %arg6[%swap3A_20, %swap3A_21] : memref<2048x1xf32, #tpu.memory_space<vmem>>, vector<2048x1xf32>
    tpu.vector_store %arg6[%swap3A_20, %swap3A_21], %get3A_4 {strides = array<i32>} : memref<2048x1xf32, #tpu.memory_space<vmem>>, vector<2048x1xf32>,
    return
  }
  func.func @transform_0(%arg0: i32) -> (i32, i32) {
    %c0_i32 = arith.constant 0 : i32
    %c0_i32_0 = arith.constant 0 : i32
    %c0_i32_1 = arith.constant 0 : i32
    return %c0_i32, %c0_i32_0 : i32, i32
  }
  func.func @transform_1(%arg0: i32) -> (i32, i32) {
    %c0_i32 = arith.constant 0 : i32
    %c0_i32_0 = arith.constant 0 : i32
    return %arg0, %c0_i32 : i32, i32
  }
  func.func @transform_2(%arg0: i32) -> (i32, i32) {
    %c0_i32 = arith.constant 0 : i32
    %c0_i32_0 = arith.constant 0 : i32
    %c0_i32_1 = arith.constant 0 : i32
    return %c0_i32, %c0_i32_0 : i32, i32
  }
  func.func @transform_3(%arg0: i32) -> (i32, i32) {
    %c0_i32 = arith.constant 0 : i32
    %c0_i32_0 = arith.constant 0 : i32
    return %arg0, %c0_i32 : i32, i32
  }
  func.func @transform_4(%arg0: i32) -> (i32, i32) {
    %c0_i32 = arith.constant 0 : i32
    %c0_i32_0 = arith.constant 0 : i32
    return %arg0, %c0_i32 : i32, i32
  }
  func.func @transform_5(%arg0: i32) -> (i32, i32) {
    %c0_i32 = arith.constant 0 : i32
    %c0_i32_0 = arith.constant 0 : i32
    return %arg0, %c0_i32 : i32, i32
  }
}

module attributes {stable_mosaic.version = 14 : i64} {
  func.func @_k4_body(%arg0: i32, %arg1: memref<2048x64xf32, #tpu.memory_space<vmem>>, %arg2: memref<2048x64xf32, #tpu.memory_space<vmem>>, %arg3: memref<2048x1xf32, #tpu.memory_space<vmem>>, %arg4: memref<1x128xf32, #tpu.memory_space<vmem>>, %arg5: memref<128x1xf32, #tpu.memory_space<vmem>>, %arg6: memref<2048xf32, #tpu.memory_space<vmem>>) attributes {dimension_semantics = [#tpu.dimension_semantics<arbitrary>], iteration_bounds = array<i64: 5>, scalar_prefetch = 0 : i64, scratch_operands = 0 : i64, tpu.core_type = #tpu.core_type<tc>, window_params = [{transform_indices = @transform_0, window_bounds = array<i64: 2048, 64>}, {transform_indices = @transform_1, window_bounds = array<i64: 2048, 64>}, {transform_indices = @transform_2, window_bounds = array<i64: 2048, 1>}, {pipeline_mode = #tpu.pipeline_mode<synchronous>, transform_indices = @transform_3, window_bounds = array<i64: 1, 128>}, {pipeline_mode = #tpu.pipeline_mode<synchronous>, transform_indices = @transform_4, window_bounds = array<i64: 128, 1>}, {transform_indices = @transform_5, window_bounds = array<i64: 2048>}]} {
    %get3A = arith.constant 0 : index
    %get3A_0 = arith.constant 0 : index
    %get3A_1 = vector.load %arg3[%get3A, %get3A_0] : memref<2048x1xf32, #tpu.memory_space<vmem>>, vector<2048x1xf32>
    %get3A_2 = arith.constant 0 : index
    %get3A_3 = arith.constant 0 : index
    %get3A_4 = vector.load %arg1[%get3A_2, %get3A_3] : memref<2048x64xf32, #tpu.memory_space<vmem>>, vector<2048x64xf32>
    %get3A_5 = arith.constant 0 : index
    %get3A_6 = arith.constant 0 : index
    %get3A_7 = vector.load %arg2[%get3A_5, %get3A_6] : memref<2048x64xf32, #tpu.memory_space<vmem>>, vector<2048x64xf32>
    %concatenate3A = tpu.concatenate %get3A_4, %get3A_7 in 1 : vector<2048x64xf32>, vector<2048x64xf32> -> vector<2048x128xf32>
    %mul3A = vector.broadcast %get3A_1 : vector<2048x1xf32> to vector<2048x128xf32>
    %mul3A_8 = arith.mulf %mul3A, %concatenate3A : vector<2048x128xf32>
    %get3A_9 = arith.constant 0 : index
    %get3A_10 = arith.constant 0 : index
    %get3A_11 = vector.load %arg4[%get3A_9, %get3A_10] : memref<1x128xf32, #tpu.memory_space<vmem>>, vector<1x128xf32>
    %add3A = vector.broadcast %get3A_11 : vector<1x128xf32> to vector<2048x128xf32>
    %add3A_12 = arith.addf %mul3A_8, %add3A : vector<2048x128xf32>
    %max3A = arith.constant 0.000000e+00 : f32
    %max3A_13 = vector.broadcast %max3A : f32 to vector<2048x128xf32>
    %max3A_14 = arith.maximumf %add3A_12, %max3A_13 : vector<2048x128xf32>
    %get3A_15 = arith.constant 0 : index
    %get3A_16 = arith.constant 0 : index
    %get3A_17 = vector.load %arg5[%get3A_15, %get3A_16] : memref<128x1xf32, #tpu.memory_space<vmem>>, vector<128x1xf32>
    %dot_general3A = arith.constant dense<0.000000e+00> : vector<2048x1xf32>
    %dot_general3A_18 = tpu.matmul %max3A_14, %get3A_17, %dot_general3A {dimension_numbers = #tpu.dot_dimension_numbers<[1], [0], [0], [1], [0, 0, 1, 1], [], []>, transpose_lhs_hint = false} : vector<2048x128xf32>, vector<128x1xf32>, vector<2048x1xf32> -> vector<2048x1xf32>
    %mul3A_19 = arith.mulf %dot_general3A_18, %get3A_1 : vector<2048x1xf32>
    %squeeze3A = vector.shape_cast %mul3A_19 : vector<2048x1xf32> to vector<2048xf32>
    %swap3A = arith.constant 0 : index
    %swap3A_20 = vector.load %arg6[%swap3A] : memref<2048xf32, #tpu.memory_space<vmem>>, vector<2048xf32>
    tpu.vector_store %arg6[%swap3A], %squeeze3A {strides = array<i32>} : memref<2048xf32, #tpu.memory_space<vmem>>, vector<2048xf32>,
    return
  }
  func.func @transform_0(%arg0: i32) -> (i32, i32) {
    %c0_i32 = arith.constant 0 : i32
    %c0_i32_0 = arith.constant 0 : i32
    return %arg0, %c0_i32 : i32, i32
  }
  func.func @transform_1(%arg0: i32) -> (i32, i32) {
    %c0_i32 = arith.constant 0 : i32
    %c0_i32_0 = arith.constant 0 : i32
    return %arg0, %c0_i32 : i32, i32
  }
  func.func @transform_2(%arg0: i32) -> (i32, i32) {
    %c0_i32 = arith.constant 0 : i32
    %c0_i32_0 = arith.constant 0 : i32
    return %arg0, %c0_i32 : i32, i32
  }
  func.func @transform_3(%arg0: i32) -> (i32, i32) {
    %c0_i32 = arith.constant 0 : i32
    %c0_i32_0 = arith.constant 0 : i32
    %c0_i32_1 = arith.constant 0 : i32
    return %c0_i32, %c0_i32_0 : i32, i32
  }
  func.func @transform_4(%arg0: i32) -> (i32, i32) {
    %c0_i32 = arith.constant 0 : i32
    %c0_i32_0 = arith.constant 0 : i32
    %c0_i32_1 = arith.constant 0 : i32
    return %c0_i32, %c0_i32_0 : i32, i32
  }
  func.func @transform_5(%arg0: i32) -> i32 {
    %c0_i32 = arith.constant 0 : i32
    return %arg0 : i32
  }
}

module attributes {stable_mosaic.version = 14 : i64} {
  func.func @_k6_body(%arg0: memref<32x10240xf32, #tpu.memory_space<vmem>>, %arg1: memref<10000xf32, #tpu.memory_space<vmem>>, %arg2: memref<10000x1xf32, #tpu.memory_space<vmem>>, %arg3: memref<1x1xf32, #tpu.memory_space<vmem>>, %arg4: memref<10000xf32, #tpu.memory_space<vmem>>) attributes {dimension_semantics = [], scalar_prefetch = 0 : i64, scratch_operands = 0 : i64, tpu.core_type = #tpu.core_type<tc>} {
    %broadcast_in_dim3A = arith.constant 1.000000e+00 : f32
    %broadcast_in_dim3A_0 = vector.broadcast %broadcast_in_dim3A : f32 to vector<32x1xf32>
    %get3A = arith.constant 0 : index
    %get3A_1 = arith.constant 0 : index
    %get3A_2 = vector.load %arg0[%get3A, %get3A_1] : memref<32x10240xf32, #tpu.memory_space<vmem>>, vector<32x10240xf32>
    %dot_general3A = arith.constant dense<0.000000e+00> : vector<10240x1xf32>
    %dot_general3A_3 = tpu.matmul %get3A_2, %broadcast_in_dim3A_0, %dot_general3A {dimension_numbers = #tpu.dot_dimension_numbers<[0], [0], [1], [1], [0, 1, 1, 1], [], []>, transpose_lhs_hint = false} : vector<32x10240xf32>, vector<32x1xf32>, vector<10240x1xf32> -> vector<10240x1xf32>
    %get3A_4 = arith.constant 0 : index
    %get3A_5 = arith.constant 0 : index
    %get3A_6 = vector.load %arg2[%get3A_4, %get3A_5] : memref<10000x1xf32, #tpu.memory_space<vmem>>, vector<10000x1xf32>
    %get3A_7 = vector.shape_cast %get3A_6 : vector<10000x1xf32> to vector<10000xf32>
    %slice3A = vector.extract_strided_slice %dot_general3A_3 {offsets = [0, 0], sizes = [10000, 1], strides = [1, 1]} : vector<10240x1xf32> to vector<10000x1xf32>
    %squeeze3A = vector.shape_cast %slice3A : vector<10000x1xf32> to vector<10000xf32>
    %get3A_8 = arith.constant 0 : index
    %get3A_9 = vector.load %arg1[%get3A_8] : memref<10000xf32, #tpu.memory_space<vmem>>, vector<10000xf32>
    %add3A = arith.addf %squeeze3A, %get3A_9 : vector<10000xf32>
    %mul3A = arith.mulf %get3A_7, %add3A : vector<10000xf32>
    %get3A_10 = arith.constant 0 : index
    %get3A_11 = arith.constant 0 : index
    %get3A_12 = vector.load %arg3[%get3A_10, %get3A_11] : memref<1x1xf32, #tpu.memory_space<vmem>>, vector<1x1xf32>
    %get3A_13 = vector.extract %get3A_12[0, 0] : f32 from vector<1x1xf32>
    %add3A_14 = vector.broadcast %get3A_13 : f32 to vector<10000xf32>
    %add3A_15 = arith.addf %mul3A, %add3A_14 : vector<10000xf32>
    %swap3A = arith.constant 0 : index
    %swap3A_16 = vector.load %arg4[%swap3A] : memref<10000xf32, #tpu.memory_space<vmem>>, vector<10000xf32>
    tpu.vector_store %arg4[%swap3A], %add3A_15 {strides = array<i32>} : memref<10000xf32, #tpu.memory_space<vmem>>, vector<10000xf32>,
    return
  }
}

</mosaic_0001>

<sc_bundles>
// kernel: kernel.11.cloned.1.call-start
scs
__scs_entry_jumppad:
0x0: {  	(pc) =	sbr.rel $0x88, $3  }
0x1: {  	(tag) =	ssettag $0x0;
	lr =	simm.s32 $0x1  }
0x2: {  	[smem:$0x3F9B] =	sst lr;
	_ =	strace $0xD0000000  }
0x3: {  	_ = 	snop  }
0x4: {  	_ = 	snop  }
0x5: {  	_ = 	snop  }
0x6: {  	_ = 	snop  }
0x7: {  	_ = 	snop  }
__scs_overlays_trampoline_lowered:
0x8: {  	[smem:$0x3FAA] =	sst s0  }
0x9: {  	[smem:$0x3FAB] =	sst s1  }
0xa: {  	[smem:$0x3FAC] =	sst s2  }
0xb: {  	[smem:$0x3FAD] =	sst s3  }
0xc: {  	[smem:$0x3FAE] =	sst s4  }
0xd: {  	[smem:$0x3FAF] =	sst s5  }
0xe: {  	[smem:$0x3FB0] =	sst s6  }
0xf: {  	[smem:$0x3FB1] =	sst s7  }
0x10: {  	[smem:$0x3FB2] =	sst s8  }
0x11: {  	[smem:$0x3FB3] =	sst s9;
	s0 =	simm.s32 @!p0 $0x0  }
0x12: {  	s1 =	sld [smem:$0x3F99];
	s0 =	simm.s32 @p0 $0x1  }
0x13: {  	[smem:$0x3FB4] =	sst s0;
	s0 =	simm.s32 @!p1 $0x0  }
0x14: {  	s2 =	sld [smem:$0x3F98];
	s0 =	simm.s32 @p1 $0x1  }
0x15: {  	[smem:$0x3FB5] =	sst s0;
	s0 =	simm.s32 @!p2 $0x0  }
0x16: {  	s3 =	sld [smem:$0x3FDB];
	s0 =	simm.s32 @p2 $0x1  }
0x17: {  	s4 =	simm.s32 $0x1BF5;
	[smem:$0x3FB7] =	sst s0  }
0x18: {  	s0 =	sld [smem:$0x3F9A];
	_ =	swait.ge [sflag:s4], $0x0  }
0x19: {  	s7 =	sld [smem:$0x3F9B]  }
0x1a: {  	s8 =	sadd.s32 $0xFFFFE003, lr  }
0x1b: {  	s9 =	sadd.s32 $0xFFFFFEF7, lr;
	s5 =	simm.s32 $0xFFFFFFFF;
	p2 =	slt.u32 s8, $0xFFFFF086  }
0x1c: {  	p1 =	slt.u32 s9, $0xF7A;
	s5 =	simm.s32 @!p2 $0x0  }
0x1d: {  	s5 =	simm.s32 @p1 $0x1;
	p0 =	seq.s32 s7, s2  }
0x1e: {  	s7 =	smul.u32 @!p0 $0xF7A, s2;
	p2 =	seq.s32 @!p0 s5, $0x0  }
0x1f: {  	s9 =	smul.u32 $0xF7A, s1;
	s8 =	simm.s32 @!p0 $0x1BF5;
	p2 =	por !p2, p0  }
0x20: {  	[sflag:s8] =	ssyncset.s32 @!p0 $0xFFFFF086;
	s6 =	sadd.s32 @!p0 s3, s7;
	s7 =	simm.s32 @!p0 $0x108  }
0x21: {  	s3 =	sadd.s32 s3, s9;
	s6 =	sadd.s32 @!p0 $0x88, s6;
	s7 =	simm.s32 @p2 $0x1082  }
0x22: {  	[simem:s7], [sflag:s8] =	dma.local @!p0 [hbm:s6], $0xF7A  }
0x23: {  	s9 =	sor.u32 $0xD0000000, s2;
	s6 =	simm.s32 $0x108;
	_ =	swait.ge @!p0 [sflag:s8], $0x0  }
0x24: {  	s3 =	sadd.s32 $0x88, s3;
	s6 =	simm.s32 @!p1 $0x1082;
	[sflag:s4] =	ssyncset.s32 $0xFFFFF086  }
0x25: {  	[simem:s6], [sflag:s4] =	dma.local [hbm:s3], $0xF7A  }
0x26: {  	[smem:$0x3F9B] =	sst s1;
	(tag) =	ssettag s2;
	_ =	strace s9  }
0x27: {  	s1 =	sld [smem:$0x3FAB]  }
0x28: {  	s2 =	sld [smem:$0x3FAC]  }
0x29: {  	s4 =	sld [smem:$0x3FAE]  }
0x2a: {  	p0 =	seq.s32 s5, $0x0;
	s5 =	sld [smem:$0x3FAF]  }
0x2b: {  	s6 =	sld [smem:$0x3FB0]  }
0x2c: {  	s7 =	sld [smem:$0x3FB1]  }
0x2d: {  	s3 =	simm.s32 $0x108;
	s8 =	sld [smem:$0x3FB2]  }
0x2e: {  	s3 =	simm.s32 @!p0 $0x1082;
	s9 =	sld [smem:$0x3FB3]  }
0x2f: {  	lr =	sadd.s32 s0, s3;
	s0 =	sld [smem:$0x3FAA]  }
0x30: {  	s3 =	sld [smem:$0x3FAD]  }
0x31: {  	[smem:$0x3FB6] =	sst s10  }
0x32: {  	s10 =	sld [smem:$0x3FB4];
	_ =	sdelay $0x3  }
0x33: {  	p0 =	seq.s32 s10, $0x1;
	s10 =	sld [smem:$0x3FB6];
	_ =	sdelay $0x3  }
0x34: {  	[smem:$0x3FB6] =	sst s10  }
0x35: {  	s10 =	sld [smem:$0x3FB5];
	_ =	sdelay $0x3  }
0x36: {  	p1 =	seq.s32 s10, $0x1;
	s10 =	sld [smem:$0x3FB6];
	_ =	sdelay $0x3  }
0x37: {  	[smem:$0x3FB6] =	sst s10  }
0x38: {  	s10 =	sld [smem:$0x3FB7]  }
0x39: {  	_ = 	snop;
	(pc) =	sbr.ind lr, $3  }
0x3a: {  	_ = 	snop  }
0x3b: {  	_ = 	snop  }
0x3c: {  	p2 =	seq.s32 s10, $0x1;
	s10 =	sld [smem:$0x3FB6]  }
0x3d: {  	_ =	shalt  }
0x3e: {  	_ =	shalt  }
0x3f: {  	_ =	shalt  }
0x40: {  	_ =	shalt  }
0x41: {  	_ =	shalt  }
0x42: {  	_ =	shalt  }
0x43: {  	_ =	shalt  }
0x44: {  	_ =	shalt  }
0x45: {  	_ =	shalt  }
0x46: {  	_ =	shalt  }
0x47: {  	_ =	shalt  }
0x48: {  	_ =	shalt  }
0x49: {  	_ =	shalt  }
0x4a: {  	_ =	shalt  }
0x4b: {  	_ =	shalt  }
0x4c: {  	_ =	shalt  }
0x4d: {  	_ =	shalt  }
0x4e: {  	_ =	shalt  }
0x4f: {  	_ =	shalt  }
0x50: {  	_ =	shalt  }
0x51: {  	_ =	shalt  }
0x52: {  	_ =	shalt  }
0x53: {  	_ =	shalt  }
0x54: {  	_ =	shalt  }
0x55: {  	_ =	shalt  }
0x56: {  	_ =	shalt  }
0x57: {  	_ =	shalt  }
0x58: {  	_ =	shalt  }
0x59: {  	_ =	shalt  }
0x5a: {  	_ =	shalt  }
0x5b: {  	_ =	shalt  }
0x5c: {  	_ =	shalt  }
0x5d: {  	_ =	shalt  }
0x5e: {  	_ =	shalt  }
0x5f: {  	_ =	shalt  }
0x60: {  	_ =	shalt  }
0x61: {  	_ =	shalt  }
0x62: {  	_ =	shalt  }
0x63: {  	_ =	shalt  }
0x64: {  	_ =	shalt  }
0x65: {  	_ =	shalt  }
0x66: {  	_ =	shalt  }
0x67: {  	_ =	shalt  }
0x68: {  	_ =	shalt  }
0x69: {  	_ =	shalt  }
0x6a: {  	_ =	shalt  }
0x6b: {  	_ =	shalt  }
0x6c: {  	_ =	shalt  }
0x6d: {  	_ =	shalt  }
0x6e: {  	_ =	shalt  }
0x6f: {  	_ =	shalt  }
0x70: {  	_ =	shalt  }
0x71: {  	_ =	shalt  }
0x72: {  	_ =	shalt  }
0x73: {  	_ =	shalt  }
0x74: {  	_ =	shalt  }
0x75: {  	_ =	shalt  }
0x76: {  	_ =	shalt  }
0x77: {  	_ =	shalt  }
0x78: {  	_ =	shalt  }
0x79: {  	_ =	shalt  }
0x7a: {  	_ =	shalt  }
0x7b: {  	_ =	shalt  }
0x7c: {  	_ =	shalt  }
0x7d: {  	_ =	shalt  }
0x7e: {  	_ =	shalt  }
0x7f: {  	_ =	shalt  }
0x80: {  	_ =	shalt  }
0x81: {  	_ =	shalt  }
0x82: {  	_ =	shalt  }
0x83: {  	_ =	shalt  }
0x84: {  	_ =	shalt  }
0x85: {  	_ =	shalt  }
0x86: {  	_ =	shalt  }
0x87: {  	_ =	shalt  }
.Lfunc_end0:
.L_simem_size_0:
called_computation.1_lowered:
.L_overlay_start_0:
0x88: {  	s2 =	sld [smem:$0x3FD9]  }
0x89: {  	s3 =	sld [smem:$0x3FFE];
	_ =	sdelay $0x1  }
0x8a: {  	s1 =	srdreg.scid  }
0x8b: {  	s0 =	sand.u32 $0x1, s1  }
0x8c: {  	s16 =	sshll.u32 s0, $0xA;
	s2 =	sadd.s32 s3, s2  }
0x8d: {  	s2 =	sadd.s32 s2, s16  }
0x8e: {  	[smem:$0x3FC2] =	sst s2  }
0x8f: {  	_ = 	snop  }
0x90: {  	(tm) =	ssettm $0x1  }
0x91: {  	s17 =	sld [smem:$0x3FFB];
	_ =	sdelay $0x3  }
0x92: {  	_ =	strace s17  }
0x93: {  	s2 =	sld [smem:$0x3FFC];
	_ =	sdelay $0x3  }
0x94: {  	_ =	strace s2  }
0x95: {  	s2 =	sld [smem:$0x3FFD];
	_ =	sdelay $0x3  }
0x96: {  	_ =	strace s2  }
0x97: {  	_ =	strace $0x8FFFFFFF  }
0x98: {  	s18 =	sld [smem:$0x3FDB];
	_ =	sdelay $0x1  }
0x99: {  	s19 =	simm.s32 $_scs_section_size  }
0x9a: {  	s4 =	simm.s32 $_size__tile_overlayer_lowered;
	s5 =	simm.s32 $_tile_overlayer_lowered  }
0x9b: {  	s22 =	simm.s32 $0x1BFF;
	s21 =	sshll.u32 s5, $0x1;
	s2 =	sadd.s32 s19, s18  }
0x9c: {  	s6 =	simm.s32 $0x0;
	s20 =	sshll.u32 s4, $0x1;
	s4 =	sadd.s32 s21, s2  }
0x9d: {  	[timem:s6], [sflag:s22] =	dma.local [hbm:s4], s20  }
0x9e: {  	_ =	swait.ge [sflag:s22], s20  }
0x9f: {  	s3 =	ssub.s32 $0x0, s20;
	[sflag:s22] =	ssyncset.done $0x0  }
0xa0: {  	[sflag:s22] =	ssyncadd.s32 s3;
	_ =	sdelay $0x1  }
0xa1: {  	s23 =	simm.s32 $0x1B8B  }
0xa2: {  	_ =	swait.ge [sflag:s23], $0x1  }
0xa3: {  	[sflag:s23] =	ssyncset.done $0x0  }
0xa4: {  	s25 =	simm.s32 $0x1B8E;
	s24 =	sld [smem:$0x3FFE];
	[sflag:s23] =	ssyncadd.s32 $0xFFFFFFFF  }
0xa5: {  	s26 =	simm.s32 $execute0_lowered;
	[smem:$0x3FD2] =	sst s25  }
0xa6: {  	s4 =	sshll.u32 s26, $0x1;
	_ =	strace $0x80000049;
	[dreg:$0x1] =	wrdreg $0xFFFFFFFF  }
0xa7: {  	s28 =	simm.s32 $_size_execute0_lowered;
	s2 =	sadd.s32 s2, s4;
	[dreg:$0x0] =	wrdreg $0x0  }
0xa8: {  	s4 =	sshll.u32 s28, $0x1;
	[dreg:$0x2] =	wrdreg s2  }
0xa9: {  	[dreg:$0x3] =	wrdreg s4  }
0xaa: {  	[dreg:$0x4] =	wrdreg $0xC0  }
0xab: {  	_ =	task [dreg:s6], $0x5FFFF  }
0xac: {  	[dreg:$0x1] =	wrdreg $0xFFFFFFFF  }
0xad: {  	[dreg:$0x0] =	wrdreg $0x60  }
0xae: {  	[dreg:$0x2] =	wrdreg s24  }
0xaf: {  	[dreg:$0x3] =	wrdreg $0x11E000  }
0xb0: {  	[dreg:$0x4] =	wrdreg $0x9  }
0xb1: {  	_ =	task.clear_ibuf [dreg:s6], $0x5FFFF;
	_ =	strace $0x90000049  }
0xb2: {  	s29 =	simm.s32 $0x9;
	_ =	strace $0x8000004B  }
0xb3: {  	_ =	swait.ge [sflag:s29], $0x1  }
0xb4: {  	[sflag:s29] =	ssyncadd.s32 $0xFFFFFFFF  }
0xb5: {  	_ =	strace $0x9000004B  }
0xb6: {  	_ =	sfence  }
0xb7: {  	s30 =	sld [smem:$0x0];
	_ =	sdelay $0x2  }
0xb8: {  	s31 =	sshll.u32 s1, $0xD;
	s1 =	sshrl.u32 s1, $0x2  }
0xb9: {  	s3 =	sand.u32 $0x4000, s31;
	s1 =	sadd.s32 s1, s30  }
0xba: {  	s0 =	sor.u32 s3, s0;
	s1 =	sshll.u32 s1, $0x11  }
0xbb: {  	s0 =	sor.u32 s1, s0  }
0xbc: {  	s0 =	sadd.s32 $0x8F2B, s0  }
0xbd: {  	[sflag:s0] =	ssyncadd.remote.s32 $0x1  }
0xbe: {  	_ =	sfence.sel $0xFFFF  }
0xbf: {  	[dreg:$0x0] =	wrdreg $0xFFFFFFFF;
	(pc) =	sbr.abs _section_cstart, $3  }
0xc0: {  	[dreg:$0x1] =	wrdreg $0xFFFFFFFF  }
0xc1: {  	_ =	task.clear_ibuf [dreg:s6], $0x2FFFF;
	_ =	strace $0x9FFFFFFF  }
0xc2: {  	(tm) =	ssettm $0x7FFFFFFF  }
0xc3: {  	_ =	shalt  }
tec
execute0_lowered:
.L_overlay_start_1:
0x0: {  	(tag) =	ssettag $0x1  }
0x1: {  	s0 =	rddreg [dreg:$0x0]  }
0x2: {  	s2 =	rddreg [dreg:$0x1];
	s3 =	simm.s32 $0x0  }
0x3: {  	s1 =	stileid.u32;
	s5 =	srdreg.scid;
	s29 =	simm.s32 $0xDE00  }
0x4: {  	s30 =	simm.s32 $0x2;
	s16 =	simm.s32 $0x5;
	s28 =	simm.s32 $0x6  }
0x5: {  	s15 =	simm.s32 $0x7;
	s31 =	simm.s32 $0x8;
	s17 =	simm.s32 $0x0  }
0x6: {  	[smem:$0x7FF] =	sst s3;
	s4 =	smul.u32 $0x9E0, s1;
	s7 =	sand.u32 $0x1, s5  }
0x7: {  	s5 =	sadd.s32 $0x2C00, s0;
	s11 =	smul.u32 $0xA000, s1;
	s9 =	sadd.s32 $0x5BA00, s0  }
0x8: {  	s19 =	sadd.s32 $0x47A00, s0;
	_ =	strace $0x8000004A;
	[dreg:$0x3] =	wrdreg s9  }
0x9: {  	s22 =	sadd.s32 $0x96000, s2;
	s13 =	sadd.s32 $0x15800, s0;
	[dreg:$0x4] =	wrdreg s19  }
0xa: {  	s23 =	sadd.s32 $0x9C400, s2;
	s24 =	sadd.s32 $0x9E400, s2;
	[dreg:$0x6] =	wrdreg s13  }
0xb: {  	p1 =	seq.s32 s1, $0xF;
	s8 =	ssub.s32 $0x2, s7;
	[dreg:$0x7] =	wrdreg s23  }
0xc: {  	[dreg:$0x8] =	wrdreg s24;
	p0 =	sne.s32 s7, $0x0;
	s19 =	simm.s32 $0x9  }
0xd: {  	s26 =	sshrl.u32 s22, $0x3;
	s23 =	simm.s32 $0x9E00;
	s24 =	simm.s32 $0x80  }
0xe: {  	s22 =	simm.s32 $0xFE00;
	s13 =	simm.s32 $0x9D80;
	s6 =	sadd.s32 s4, s0  }
0xf: {  	s4 =	sadd.s32 $0x34000, s0;
	s20 =	sshrl.u32 s8, $0x1;
	s9 =	sshrl.u32 s11, $0x3  }
0x10: {  	s11 =	sadd.s32 s11, s2;
	s0 =	sadd.s32 $0x46C00, s0;
	[dreg:$0xb] =	wrdreg s26  }
.Ltmp0:
0x11: {  	s26 =	simm.s32 $0x1;
	s12 =	ssub.s32 s8, s20;
	(pc) =	sbr.rel .LBB2_1-.Ltmp0, $4  }
0x12: {  	s8 =	sadd.s32 $0x20400, s6;
	s21 =	sadd.s32 s5, s9;
	[dreg:$0xa] =	wrdreg s0  }
0x13: {  	s10 =	sadd.s32 $0x2A200, s6;
	s25 =	sadd.s32 s4, s9;
	[dreg:$0x5] =	wrdreg s21  }
0x14: {  	s20 =	simm.s32 $0x4F00;
	s6 =	simm.s32 $0x4;
	[dreg:$0x9] =	wrdreg s25  }
0x15: {  	v0 =	vimm.f32 $0.0e+00;
	s18 =	smax.u32 s12, $0x1;
	s25 =	simm.s32 $0xBE00;
	s12 =	simm.s32 $0x3  }
.LBB2_17:
0x16: {  	[tilespmem:s25], [sflag:$0x2] =	stream.indirect.gather [hbm4b:s5+s24], $0x40, s7, s24, $0xb8;
	[tilespmem:$0x1BE00] =	vst v63  }
0x17: {  	s7 =	rddreg [dreg:$0x4]  }
.LBB2_18:
0x18: {  	_ =	swait.ge [sflag:s26], $0x2000  }
0x19: {  	[sflag:s26] =	ssyncset.done $0x0  }
0x1a: {  	s0 =	simm.s32 $0x9D00;
	[sflag:s26] =	ssyncadd.s32 $0xFFFFE000  }
0x1b: {  	[spmem:s2] =	stream.indirect.scatter.add.f32 [tilespmem:s23], [sflag:$0x5], $0x40, s0, s24, $0xb8;
	[tilespmem:$0x1BE00] =	vst v63  }
0x1c: {  	_ =	swait.ge [sflag:s30], $0x2000  }
0x1d: {  	[sflag:s30] =	ssyncset.done $0x0  }
0x1e: {  	[sflag:s30] =	ssyncadd.s32 $0xFFFFE000  }
0x1f: {  	[spmem:s2] =	stream.indirect.scatter.add.f32 [tilespmem:s25], [sflag:$0x6], $0x40, s13, s24, $0xb8;
	[tilespmem:$0x1BE00] =	vst v63  }
0x20: {  	_ =	swait.ge [sflag:s15], $0x2000  }
0x21: {  	[sflag:s15] =	ssyncset.done $0x0  }
0x22: {  	[sflag:s15] =	ssyncadd.s32 $0xFFFFE000  }
0x23: {  	_ =	swait.ge [sflag:s31], $0x2000  }
0x24: {  	[sflag:s31] =	ssyncset.done $0x0  }
0x25: {  	[sflag:s31] =	ssyncadd.s32 $0xFFFFE000  }
0x26: {  	_ =	swait.ge [sflag:s16], $0x2000  }
0x27: {  	[sflag:s16] =	ssyncset.done $0x0  }
0x28: {  	[sflag:s16] =	ssyncadd.s32 $0xFFFFE000  }
0x29: {  	s21 =	sshll.u32 s1, $0x6;
	_ =	swait.ge [sflag:s28], $0x2000  }
0x2a: {  	s14 =	sshrl.u32 s11, $0x3;
	s17 =	sadd.s32 $0x1, s17;
	[sflag:s28] =	ssyncset.done $0x0  }
0x2b: {  	p2 =	sne.s32 s17, s18;
	s0 =	sadd.s32 s7, s9;
	[sflag:s28] =	ssyncadd.s32 $0xFFFFE000  }
.Ltmp1:
0x2c: {  	s7 =	sor.u32 $0x1C09, s21;
	[bflag:$0x0] =	sbarrier.arrive $0xFFFF;
	(pc) =	sbr.rel @!p2 .LBB2_19-.Ltmp1, $4  }
0x2d: {  	[hbm:s0], [sflag:s7] =	dma.local [spmem:s14], $0x1400  }
0x2e: {  	_ =	swait.ge [sflag:s19], $0x1400  }
0x2f: {  	[sflag:s19] =	ssyncset.done $0x0  }
0x30: {  	[sflag:s19] =	ssyncadd.s32 $0xFFFFEC00  }
.LBB2_1:
0x31: {  	[tilespmem:s3], [sflag:$0x9] =	stream.linear.gather [hbm4b:s8+s3], $0x4F00, $0x38;
	[tilespmem:$0x1BE00] =	vst v63  }
0x32: {  	_ =	swait.ge [sflag:s19], $0x4F00  }
0x33: {  	[sflag:s19] =	ssyncset.done $0x0  }
.Ltmp2:
0x34: {  	[sflag:s19] =	ssyncadd.s32 $0xFFFFB100;
	(pc) =	sbr.rel @p0 .LBB2_10-.Ltmp2, $4  }
0x35: {  	[tilespmem:s20], [sflag:$0x9] =	stream.linear.gather [hbm4b:s10+s3], $0x4F00, $0x38;
	[tilespmem:$0x1BE00] =	vst v63  }
0x36: {  	_ =	swait.ge [sflag:s19], $0x4F00  }
0x37: {  	[sflag:s19] =	ssyncset.done $0x0  }
0x38: {  	[sflag:s19] =	ssyncadd.s32 $0xFFFFB100  }
.Ltmp3:
0x39: {  	(pc) =	sbr.rel @!p1 .LBB2_3-.Ltmp3, $1  }
0x3a: {  	_ =	sdelay $0x3  }
0x3b: {  	s0 =	rddreg [dreg:$0xa]  }
0x3c: {  	s7 =	rddreg [dreg:$0xb];
	s14 =	simm.s32 $0x1FC9  }
0x3d: {  	[spmem:s7], [sflag:s14] =	dma.local [hbm:s0], $0xC80  }
0x3e: {  	s7 =	simm.s32 $0x0  }
0x3f: {  	_ =	swait.ge [sflag:s19], $0xC80;
	s21 =	sand.u32 $0x7F00, s7  }
0x40: {  	s0 =	sand.u32 $0x30, s7;
	[sflag:s19] =	ssyncset.done $0x0;
	s14 =	sshrl.u32 s21, $0x2  }
0x41: {  	s21 =	simm.s32 $0x40;
	[sflag:s19] =	ssyncadd.s32 $0xFFFFF380;
	s14 =	sor.u32 s0, s14  }
.LBB2_8:
0x42: {  	p2 =	sne.s32 s21, $0x7FC0  }
0x43: {  	[tilespmem:s14+$0x9E00] =	vst v0;
	s7 =	sadd.s32 $0x10, s7;
	s0 =	smov.u32 s21;
	s21 =	sadd.s32 $0x40, s21  }
.Ltmp4:
0x44: {  	(pc) =	sbr.rel @p2 .LBB2_8-.Ltmp4, $4  }
0x45: {  	_ = 	snop  }
0x46: {  	s0 =	sand.u32 $0x7F00, s0  }
0x47: {  	s14 =	sand.u32 $0x30, s7;
	s0 =	sshrl.u32 s0, $0x2  }
0x48: {  	s14 =	sor.u32 s14, s0  }
0x49: {  	[tilespmem:s14+$0x9E00] =	vst v0;
	s0 =	rddreg [dreg:$0x7]  }
0x4a: {  	[spmem:s0] =	stream.linear.scatter [tilespmem:s23], [sflag:$0x9], $0x2000, $0x38;
	[tilespmem:$0x1BE00] =	vst v63  }
0x4b: {  	_ =	swait.ge [sflag:s19], $0x2000  }
0x4c: {  	[sflag:s19] =	ssyncset.done $0x0  }
.Ltmp5:
0x4d: {  	s21 =	rddreg [dreg:$0x8];
	[sflag:s19] =	ssyncadd.s32 $0xFFFFE000;
	(pc) =	sbr.rel .LBB2_4-.Ltmp5, $4  }
0x4e: {  	[spmem:s21] =	stream.linear.scatter [tilespmem:s23], [sflag:$0x9], $0x1C00, $0x38;
	[tilespmem:$0x1BE00] =	vst v63  }
0x4f: {  	_ =	swait.ge [sflag:s19], $0x1C00  }
0x50: {  	[sflag:s19] =	ssyncset.done $0x0  }
0x51: {  	[sflag:s19] =	ssyncadd.s32 $0xFFFFE400  }
.LBB2_10:
.Ltmp6:
0x52: {  	(pc) =	sbr.rel @!p1 .LBB2_11-.Ltmp6, $1  }
0x53: {  	_ =	sdelay $0x3  }
0x54: {  	s0 =	rddreg [dreg:$0x6]  }
0x55: {  	s7 =	rddreg [dreg:$0xb];
	s14 =	simm.s32 $0x1FC9  }
0x56: {  	[spmem:s7], [sflag:s14] =	dma.local [hbm:s0], $0xC80  }
0x57: {  	s7 =	simm.s32 $0x0  }
0x58: {  	_ =	swait.ge [sflag:s19], $0xC80;
	s21 =	sand.u32 $0x7F00, s7  }
0x59: {  	s14 =	sand.u32 $0x30, s7;
	[sflag:s19] =	ssyncset.done $0x0;
	s0 =	sshrl.u32 s21, $0x2  }
0x5a: {  	s21 =	simm.s32 $0x40;
	[sflag:s19] =	ssyncadd.s32 $0xFFFFF380;
	s14 =	sor.u32 s14, s0  }
.LBB2_13:
0x5b: {  	p2 =	seq.s32 s21, $0x7FC0  }
0x5c: {  	[tilespmem:s14+$0x9E00] =	vst v0;
	s7 =	sadd.s32 $0x10, s7;
	s0 =	smov.u32 s21;
	s21 =	sadd.s32 $0x40, s21  }
.Ltmp7:
0x5d: {  	(pc) =	sbr.rel @!p2 .LBB2_13-.Ltmp7, $4  }
0x5e: {  	_ = 	snop  }
0x5f: {  	s0 =	sand.u32 $0x7F00, s0  }
0x60: {  	s14 =	sand.u32 $0x30, s7;
	s0 =	sshrl.u32 s0, $0x2  }
0x61: {  	s14 =	sor.u32 s14, s0  }
0x62: {  	[tilespmem:s14+$0x9E00] =	vst v0;
	s0 =	rddreg [dreg:$0x7]  }
0x63: {  	[spmem:s0] =	stream.linear.scatter [tilespmem:s23], [sflag:$0x9], $0x2000, $0x38;
	[tilespmem:$0x1BE00] =	vst v63  }
0x64: {  	_ =	swait.ge [sflag:s19], $0x2000  }
0x65: {  	[sflag:s19] =	ssyncset.done $0x0  }
.Ltmp8:
0x66: {  	s21 =	rddreg [dreg:$0x8];
	[sflag:s19] =	ssyncadd.s32 $0xFFFFE000;
	(pc) =	sbr.rel .LBB2_15-.Ltmp8, $4  }
0x67: {  	[spmem:s21] =	stream.linear.scatter [tilespmem:s23], [sflag:$0x9], $0x1C00, $0x38;
	[tilespmem:$0x1BE00] =	vst v63  }
0x68: {  	_ =	swait.ge [sflag:s19], $0x1C00  }
0x69: {  	[sflag:s19] =	ssyncset.done $0x0  }
0x6a: {  	[sflag:s19] =	ssyncadd.s32 $0xFFFFE400  }
.LBB2_3:
0x6b: {  	s7 =	sshll.u32 s1, $0x6  }
0x6c: {  	s14 =	sshrl.u32 s11, $0x3;
	s0 =	rddreg [dreg:$0x9];
	s7 =	sor.u32 $0x1C09, s7  }
0x6d: {  	[spmem:s14], [sflag:s7] =	dma.local [hbm:s0], $0x1400  }
0x6e: {  	_ =	swait.ge [sflag:s19], $0x1400  }
0x6f: {  	[sflag:s19] =	ssyncset.done $0x0  }
0x70: {  	[sflag:s19] =	ssyncadd.s32 $0xFFFFEC00  }
.LBB2_4:
0x71: {  	[bflag:$0x0] =	sbarrier.arrive $0xFFFF;
	s0 =	simm.s32 $0x0  }
0x72: {  	[tilespmem:s23], [sflag:$0x1] =	stream.indirect.gather [hbm4b:s4+s24], $0x40, s0, s24, $0xb8;
	[tilespmem:$0x1BE00] =	vst v63  }
0x73: {  	_ = 	snop  }
0x74: {  	[tilespmem:s25], [sflag:$0x2] =	stream.indirect.gather [hbm4b:s4+s24], $0x40, s24, s24, $0xb8;
	[tilespmem:$0x1BE00] =	vst v63  }
0x75: {  	_ =	swait.ge [sflag:s26], $0x2000  }
0x76: {  	[sflag:s26] =	ssyncset.done $0x0  }
0x77: {  	[sflag:s26] =	ssyncadd.s32 $0xFFFFE000  }
0x78: {  	[spmem:s2] =	stream.indirect.scatter.add.f32 [tilespmem:s23], [sflag:$0x5], $0x40, s20, s24, $0xb8;
	[tilespmem:$0x1BE00] =	vst v63  }
0x79: {  	s14 =	simm.s32 $0x100  }
0x7a: {  	[tilespmem:s29], [sflag:$0x3] =	stream.indirect.gather [hbm4b:s4+s24], $0x40, s14, s24, $0xb8;
	[tilespmem:$0x1BE00] =	vst v63  }
0x7b: {  	_ =	swait.ge [sflag:s30], $0x2000  }
0x7c: {  	[sflag:s30] =	ssyncset.done $0x0  }
0x7d: {  	s21 =	simm.s32 $0x4F80;
	[sflag:s30] =	ssyncadd.s32 $0xFFFFE000  }
0x7e: {  	[spmem:s2] =	stream.indirect.scatter.add.f32 [tilespmem:s25], [sflag:$0x6], $0x40, s21, s24, $0xb8;
	[tilespmem:$0x1BE00] =	vst v63  }
0x7f: {  	s7 =	simm.s32 $0x180  }
0x80: {  	[tilespmem:s22], [sflag:$0x4] =	stream.indirect.gather [hbm4b:s4+s24], $0x40, s7, s24, $0xb8;
	[tilespmem:$0x1BE00] =	vst v63  }
0x81: {  	_ =	swait.ge [sflag:s12], $0x2000  }
0x82: {  	[sflag:s12] =	ssyncset.done $0x0  }
0x83: {  	s14 =	simm.s32 $0x5000;
	[sflag:s12] =	ssyncadd.s32 $0xFFFFE000  }
0x84: {  	[spmem:s2] =	stream.indirect.scatter.add.f32 [tilespmem:s29], [sflag:$0x7], $0x40, s14, s24, $0xb8;
	[tilespmem:$0x1BE00] =	vst v63  }
0x85: {  	_ =	swait.ge [sflag:s16], $0x2000  }
0x86: {  	[sflag:s16] =	ssyncset.done $0x0  }
0x87: {  	s21 =	simm.s32 $0x200;
	[sflag:s16] =	ssyncadd.s32 $0xFFFFE000  }
0x88: {  	[tilespmem:s23], [sflag:$0x1] =	stream.indirect.gather [hbm4b:s4+s24], $0x40, s21, s24, $0xb8;
	[tilespmem:$0x1BE00] =	vst v63  }
0x89: {  	_ =	swait.ge [sflag:s6], $0x2000  }
0x8a: {  	[sflag:s6] =	ssyncset.done $0x0  }
0x8b: {  	s7 =	simm.s32 $0x5080;
	[sflag:s6] =	ssyncadd.s32 $0xFFFFE000  }
0x8c: {  	[spmem:s2] =	stream.indirect.scatter.add.f32 [tilespmem:s22], [sflag:$0x8], $0x40, s7, s24, $0xb8;
	[tilespmem:$0x1BE00] =	vst v63  }
0x8d: {  	_ =	swait.ge [sflag:s28], $0x2000  }
0x8e: {  	[sflag:s28] =	ssyncset.done $0x0  }
0x8f: {  	s14 =	simm.s32 $0x280;
	[sflag:s28] =	ssyncadd.s32 $0xFFFFE000  }
0x90: {  	[tilespmem:s25], [sflag:$0x2] =	stream.indirect.gather [hbm4b:s4+s24], $0x40, s14, s24, $0xb8;
	[tilespmem:$0x1BE00] =	vst v63  }
0x91: {  	_ =	swait.ge [sflag:s26], $0x2000  }
0x92: {  	[sflag:s26] =	ssyncset.done $0x0  }
0x93: {  	s21 =	simm.s32 $0x5100;
	[sflag:s26] =	ssyncadd.s32 $0xFFFFE000  }
0x94: {  	[spmem:s2] =	stream.indirect.scatter.add.f32 [tilespmem:s23], [sflag:$0x5], $0x40, s21, s24, $0xb8;
	[tilespmem:$0x1BE00] =	vst v63  }
0x95: {  	_ =	swait.ge [sflag:s15], $0x2000  }
0x96: {  	[sflag:s15] =	ssyncset.done $0x0  }
0x97: {  	s7 =	simm.s32 $0x300;
	[sflag:s15] =	ssyncadd.s32 $0xFFFFE000  }
0x98: {  	[tilespmem:s29], [sflag:$0x3] =	stream.indirect.gather [hbm4b:s4+s24], $0x40, s7, s24, $0xb8;
	[tilespmem:$0x1BE00] =	vst v63  }
0x99: {  	_ =	swait.ge [sflag:s30], $0x2000  }
0x9a: {  	[sflag:s30] =	ssyncset.done $0x0  }
0x9b: {  	s14 =	simm.s32 $0x5180;
	[sflag:s30] =	ssyncadd.s32 $0xFFFFE000  }
0x9c: {  	[spmem:s2] =	stream.indirect.scatter.add.f32 [tilespmem:s25], [sflag:$0x6], $0x40, s14, s24, $0xb8;
	[tilespmem:$0x1BE00] =	vst v63  }
0x9d: {  	_ =	swait.ge [sflag:s31], $0x2000  }
0x9e: {  	[sflag:s31] =	ssyncset.done $0x0  }
0x9f: {  	s21 =	simm.s32 $0x380;
	[sflag:s31] =	ssyncadd.s32 $0xFFFFE000  }
0xa0: {  	[tilespmem:s22], [sflag:$0x4] =	stream.indirect.gather [hbm4b:s4+s24], $0x40, s21, s24, $0xb8;
	[tilespmem:$0x1BE00] =	vst v63  }
0xa1: {  	_ =	swait.ge [sflag:s12], $0x2000  }
0xa2: {  	[sflag:s12] =	ssyncset.done $0x0  }
0xa3: {  	s7 =	simm.s32 $0x5200;
	[sflag:s12] =	ssyncadd.s32 $0xFFFFE000  }
0xa4: {  	[spmem:s2] =	stream.indirect.scatter.add.f32 [tilespmem:s29], [sflag:$0x7], $0x40, s7, s24, $0xb8;
	[tilespmem:$0x1BE00] =	vst v63  }
0xa5: {  	_ =	swait.ge [sflag:s16], $0x2000  }
0xa6: {  	[sflag:s16] =	ssyncset.done $0x0  }
0xa7: {  	s14 =	simm.s32 $0x400;
	[sflag:s16] =	ssyncadd.s32 $0xFFFFE000  }
0xa8: {  	[tilespmem:s23], [sflag:$0x1] =	stream.indirect.gather [hbm4b:s4+s24], $0x40, s14, s24, $0xb8;
	[tilespmem:$0x1BE00] =	vst v63  }
0xa9: {  	_ =	swait.ge [sflag:s6], $0x2000  }
0xaa: {  	[sflag:s6] =	ssyncset.done $0x0  }
0xab: {  	s21 =	simm.s32 $0x5280;
	[sflag:s6] =	ssyncadd.s32 $0xFFFFE000  }
0xac: {  	[spmem:s2] =	stream.indirect.scatter.add.f32 [tilespmem:s22], [sflag:$0x8], $0x40, s21, s24, $0xb8;
	[tilespmem:$0x1BE00] =	vst v63  }
0xad: {  	_ =	swait.ge [sflag:s28], $0x2000  }
0xae: {  	[sflag:s28] =	ssyncset.done $0x0  }
0xaf: {  	s7 =	simm.s32 $0x480;
	s21 =	simm.s32 $0x800;
	[sflag:s28] =	ssyncadd.s32 $0xFFFFE000  }
.LBB2_5:
0xb0: {  	[tilespmem:s25], [sflag:$0x2] =	stream.indirect.gather [hbm4b:s4+s24], $0x40, s7, s24, $0xb8;
	[tilespmem:$0x1BE00] =	vst v63  }
0xb1: {  	s0 =	smov.u32 s21  }
0xb2: {  	p2 =	seq.s32 s21, $0x12800;
	s21 =	sadd.s32 $0x800, s21;
	_ =	swait.ge [sflag:s26], $0x2000  }
0xb3: {  	s7 =	sshra.s32 s0, $0x2;
	[sflag:s26] =	ssyncset.done $0x0  }
0xb4: {  	s0 =	sadd.s32 $0x5100, s7;
	[sflag:s26] =	ssyncadd.s32 $0xFFFFE000  }
0xb5: {  	[spmem:s2] =	stream.indirect.scatter.add.f32 [tilespmem:s23], [sflag:$0x5], $0x40, s0, s24, $0xb8;
	[tilespmem:$0x1BE00] =	vst v63  }
0xb6: {  	_ =	swait.ge [sflag:s15], $0x2000  }
0xb7: {  	[sflag:s15] =	ssyncset.done $0x0  }
0xb8: {  	s0 =	sadd.s32 $0x300, s7;
	[sflag:s15] =	ssyncadd.s32 $0xFFFFE000  }
0xb9: {  	[tilespmem:s29], [sflag:$0x3] =	stream.indirect.gather [hbm4b:s4+s24], $0x40, s0, s24, $0xb8;
	[tilespmem:$0x1BE00] =	vst v63  }
0xba: {  	_ =	swait.ge [sflag:s30], $0x2000  }
0xbb: {  	[sflag:s30] =	ssyncset.done $0x0  }
0xbc: {  	s0 =	sadd.s32 $0x5180, s7;
	[sflag:s30] =	ssyncadd.s32 $0xFFFFE000  }
0xbd: {  	[spmem:s2] =	stream.indirect.scatter.add.f32 [tilespmem:s25], [sflag:$0x6], $0x40, s0, s24, $0xb8;
	[tilespmem:$0x1BE00] =	vst v63  }
0xbe: {  	_ =	swait.ge [sflag:s31], $0x2000  }
0xbf: {  	[sflag:s31] =	ssyncset.done $0x0  }
0xc0: {  	s0 =	sadd.s32 $0x380, s7;
	[sflag:s31] =	ssyncadd.s32 $0xFFFFE000  }
0xc1: {  	[tilespmem:s22], [sflag:$0x4] =	stream.indirect.gather [hbm4b:s4+s24], $0x40, s0, s24, $0xb8;
	[tilespmem:$0x1BE00] =	vst v63  }
0xc2: {  	_ =	swait.ge [sflag:s12], $0x2000  }
0xc3: {  	[sflag:s12] =	ssyncset.done $0x0  }
0xc4: {  	s0 =	sadd.s32 $0x5200, s7;
	[sflag:s12] =	ssyncadd.s32 $0xFFFFE000  }
0xc5: {  	[spmem:s2] =	stream.indirect.scatter.add.f32 [tilespmem:s29], [sflag:$0x7], $0x40, s0, s24, $0xb8;
	[tilespmem:$0x1BE00] =	vst v63  }
0xc6: {  	_ =	swait.ge [sflag:s16], $0x2000  }
0xc7: {  	[sflag:s16] =	ssyncset.done $0x0  }
0xc8: {  	s0 =	sadd.s32 $0x400, s7;
	[sflag:s16] =	ssyncadd.s32 $0xFFFFE000  }
0xc9: {  	[tilespmem:s23], [sflag:$0x1] =	stream.indirect.gather [hbm4b:s4+s24], $0x40, s0, s24, $0xb8;
	[tilespmem:$0x1BE00] =	vst v63  }
0xca: {  	_ =	swait.ge [sflag:s6], $0x2000  }
0xcb: {  	[sflag:s6] =	ssyncset.done $0x0  }
.Ltmp9:
0xcc: {  	s0 =	sadd.s32 $0x5280, s7;
	[sflag:s6] =	ssyncadd.s32 $0xFFFFE000;
	(pc) =	sbr.rel @!p2 .LBB2_5-.Ltmp9, $4  }
0xcd: {  	[spmem:s2] =	stream.indirect.scatter.add.f32 [tilespmem:s22], [sflag:$0x8], $0x40, s0, s24, $0xb8;
	[tilespmem:$0x1BE00] =	vst v63  }
0xce: {  	_ =	swait.ge [sflag:s28], $0x2000  }
0xcf: {  	[sflag:s28] =	ssyncset.done $0x0  }
0xd0: {  	s7 =	sadd.s32 $0x480, s7;
	[sflag:s28] =	ssyncadd.s32 $0xFFFFE000  }
.Ltmp10:
0xd1: {  	(pc) =	sbr.rel .LBB2_18-.Ltmp10, $3  }
0xd2: {  	_ =	sdelay $0x1  }
0xd3: {  	[tilespmem:s25], [sflag:$0x2] =	stream.indirect.gather [hbm4b:s4+s24], $0x40, s7, s24, $0xb8;
	[tilespmem:$0x1BE00] =	vst v63  }
0xd4: {  	s7 =	rddreg [dreg:$0x3]  }
.LBB2_11:
0xd5: {  	s0 =	sshll.u32 s1, $0x6  }
0xd6: {  	s7 =	sshrl.u32 s11, $0x3;
	s14 =	rddreg [dreg:$0x5];
	s0 =	sor.u32 $0x1C09, s0  }
0xd7: {  	[spmem:s7], [sflag:s0] =	dma.local [hbm:s14], $0x1400  }
0xd8: {  	_ =	swait.ge [sflag:s19], $0x1400  }
0xd9: {  	[sflag:s19] =	ssyncset.done $0x0  }
0xda: {  	[sflag:s19] =	ssyncadd.s32 $0xFFFFEC00  }
.LBB2_15:
0xdb: {  	[bflag:$0x0] =	sbarrier.arrive $0xFFFF;
	s0 =	simm.s32 $0x0  }
0xdc: {  	[tilespmem:s23], [sflag:$0x1] =	stream.indirect.gather [hbm4b:s5+s24], $0x40, s0, s24, $0xb8;
	[tilespmem:$0x1BE00] =	vst v63  }
0xdd: {  	_ = 	snop  }
0xde: {  	[tilespmem:s25], [sflag:$0x2] =	stream.indirect.gather [hbm4b:s5+s24], $0x40, s24, s24, $0xb8;
	[tilespmem:$0x1BE00] =	vst v63  }
0xdf: {  	_ =	swait.ge [sflag:s26], $0x2000  }
0xe0: {  	[sflag:s26] =	ssyncset.done $0x0  }
0xe1: {  	[sflag:s26] =	ssyncadd.s32 $0xFFFFE000  }
0xe2: {  	[spmem:s2] =	stream.indirect.scatter.add.f32 [tilespmem:s23], [sflag:$0x5], $0x40, s20, s24, $0xb8;
	[tilespmem:$0x1BE00] =	vst v63  }
0xe3: {  	s14 =	simm.s32 $0x100  }
0xe4: {  	[tilespmem:s29], [sflag:$0x3] =	stream.indirect.gather [hbm4b:s5+s24], $0x40, s14, s24, $0xb8;
	[tilespmem:$0x1BE00] =	vst v63  }
0xe5: {  	_ =	swait.ge [sflag:s30], $0x2000  }
0xe6: {  	[sflag:s30] =	ssyncset.done $0x0  }
0xe7: {  	s21 =	simm.s32 $0x4F80;
	[sflag:s30] =	ssyncadd.s32 $0xFFFFE000  }
0xe8: {  	[spmem:s2] =	stream.indirect.scatter.add.f32 [tilespmem:s25], [sflag:$0x6], $0x40, s21, s24, $0xb8;
	[tilespmem:$0x1BE00] =	vst v63  }
0xe9: {  	s7 =	simm.s32 $0x180  }
0xea: {  	[tilespmem:s22], [sflag:$0x4] =	stream.indirect.gather [hbm4b:s5+s24], $0x40, s7, s24, $0xb8;
	[tilespmem:$0x1BE00] =	vst v63  }
0xeb: {  	_ =	swait.ge [sflag:s12], $0x2000  }
0xec: {  	[sflag:s12] =	ssyncset.done $0x0  }
0xed: {  	s14 =	simm.s32 $0x5000;
	[sflag:s12] =	ssyncadd.s32 $0xFFFFE000  }
0xee: {  	[spmem:s2] =	stream.indirect.scatter.add.f32 [tilespmem:s29], [sflag:$0x7], $0x40, s14, s24, $0xb8;
	[tilespmem:$0x1BE00] =	vst v63  }
0xef: {  	_ =	swait.ge [sflag:s16], $0x2000  }
0xf0: {  	[sflag:s16] =	ssyncset.done $0x0  }
0xf1: {  	s21 =	simm.s32 $0x200;
	[sflag:s16] =	ssyncadd.s32 $0xFFFFE000  }
0xf2: {  	[tilespmem:s23], [sflag:$0x1] =	stream.indirect.gather [hbm4b:s5+s24], $0x40, s21, s24, $0xb8;
	[tilespmem:$0x1BE00] =	vst v63  }
0xf3: {  	_ =	swait.ge [sflag:s6], $0x2000  }
0xf4: {  	[sflag:s6] =	ssyncset.done $0x0  }
0xf5: {  	s7 =	simm.s32 $0x5080;
	[sflag:s6] =	ssyncadd.s32 $0xFFFFE000  }
0xf6: {  	[spmem:s2] =	stream.indirect.scatter.add.f32 [tilespmem:s22], [sflag:$0x8], $0x40, s7, s24, $0xb8;
	[tilespmem:$0x1BE00] =	vst v63  }
0xf7: {  	_ =	swait.ge [sflag:s28], $0x2000  }
0xf8: {  	[sflag:s28] =	ssyncset.done $0x0  }
0xf9: {  	s14 =	simm.s32 $0x280;
	[sflag:s28] =	ssyncadd.s32 $0xFFFFE000  }
0xfa: {  	[tilespmem:s25], [sflag:$0x2] =	stream.indirect.gather [hbm4b:s5+s24], $0x40, s14, s24, $0xb8;
	[tilespmem:$0x1BE00] =	vst v63  }
0xfb: {  	_ =	swait.ge [sflag:s26], $0x2000  }
0xfc: {  	[sflag:s26] =	ssyncset.done $0x0  }
0xfd: {  	s21 =	simm.s32 $0x5100;
	[sflag:s26] =	ssyncadd.s32 $0xFFFFE000  }
0xfe: {  	[spmem:s2] =	stream.indirect.scatter.add.f32 [tilespmem:s23], [sflag:$0x5], $0x40, s21, s24, $0xb8;
	[tilespmem:$0x1BE00] =	vst v63  }
0xff: {  	_ =	swait.ge [sflag:s15], $0x2000  }
0x100: {  	[sflag:s15] =	ssyncset.done $0x0  }
0x101: {  	s7 =	simm.s32 $0x300;
	[sflag:s15] =	ssyncadd.s32 $0xFFFFE000  }
0x102: {  	[tilespmem:s29], [sflag:$0x3] =	stream.indirect.gather [hbm4b:s5+s24], $0x40, s7, s24, $0xb8;
	[tilespmem:$0x1BE00] =	vst v63  }
0x103: {  	_ =	swait.ge [sflag:s30], $0x2000  }
0x104: {  	[sflag:s30] =	ssyncset.done $0x0  }
0x105: {  	s14 =	simm.s32 $0x5180;
	[sflag:s30] =	ssyncadd.s32 $0xFFFFE000  }
0x106: {  	[spmem:s2] =	stream.indirect.scatter.add.f32 [tilespmem:s25], [sflag:$0x6], $0x40, s14, s24, $0xb8;
	[tilespmem:$0x1BE00] =	vst v63  }
0x107: {  	_ =	swait.ge [sflag:s31], $0x2000  }
0x108: {  	[sflag:s31] =	ssyncset.done $0x0  }
0x109: {  	s21 =	simm.s32 $0x380;
	[sflag:s31] =	ssyncadd.s32 $0xFFFFE000  }
0x10a: {  	[tilespmem:s22], [sflag:$0x4] =	stream.indirect.gather [hbm4b:s5+s24], $0x40, s21, s24, $0xb8;
	[tilespmem:$0x1BE00] =	vst v63  }
0x10b: {  	_ =	swait.ge [sflag:s12], $0x2000  }
0x10c: {  	[sflag:s12] =	ssyncset.done $0x0  }
0x10d: {  	s7 =	simm.s32 $0x5200;
	[sflag:s12] =	ssyncadd.s32 $0xFFFFE000  }
0x10e: {  	[spmem:s2] =	stream.indirect.scatter.add.f32 [tilespmem:s29], [sflag:$0x7], $0x40, s7, s24, $0xb8;
	[tilespmem:$0x1BE00] =	vst v63  }
0x10f: {  	_ =	swait.ge [sflag:s16], $0x2000  }
0x110: {  	[sflag:s16] =	ssyncset.done $0x0  }
0x111: {  	s14 =	simm.s32 $0x400;
	[sflag:s16] =	ssyncadd.s32 $0xFFFFE000  }
0x112: {  	[tilespmem:s23], [sflag:$0x1] =	stream.indirect.gather [hbm4b:s5+s24], $0x40, s14, s24, $0xb8;
	[tilespmem:$0x1BE00] =	vst v63  }
0x113: {  	_ =	swait.ge [sflag:s6], $0x2000  }
0x114: {  	[sflag:s6] =	ssyncset.done $0x0  }
0x115: {  	s21 =	simm.s32 $0x5280;
	[sflag:s6] =	ssyncadd.s32 $0xFFFFE000  }
0x116: {  	[spmem:s2] =	stream.indirect.scatter.add.f32 [tilespmem:s22], [sflag:$0x8], $0x40, s21, s24, $0xb8;
	[tilespmem:$0x1BE00] =	vst v63  }
0x117: {  	_ =	swait.ge [sflag:s28], $0x2000  }
0x118: {  	[sflag:s28] =	ssyncset.done $0x0  }
0x119: {  	s7 =	simm.s32 $0x480;
	s21 =	simm.s32 $0x800;
	[sflag:s28] =	ssyncadd.s32 $0xFFFFE000  }
.LBB2_16:
0x11a: {  	[tilespmem:s25], [sflag:$0x2] =	stream.indirect.gather [hbm4b:s5+s24], $0x40, s7, s24, $0xb8;
	[tilespmem:$0x1BE00] =	vst v63  }
0x11b: {  	s0 =	smov.u32 s21  }
0x11c: {  	p2 =	sne.s32 s21, $0x12800;
	s21 =	sadd.s32 $0x800, s21;
	_ =	swait.ge [sflag:s26], $0x2000  }
0x11d: {  	s7 =	sshra.s32 s0, $0x2;
	[sflag:s26] =	ssyncset.done $0x0  }
0x11e: {  	s0 =	sadd.s32 $0x5100, s7;
	[sflag:s26] =	ssyncadd.s32 $0xFFFFE000  }
0x11f: {  	[spmem:s2] =	stream.indirect.scatter.add.f32 [tilespmem:s23], [sflag:$0x5], $0x40, s0, s24, $0xb8;
	[tilespmem:$0x1BE00] =	vst v63  }
0x120: {  	_ =	swait.ge [sflag:s15], $0x2000  }
0x121: {  	[sflag:s15] =	ssyncset.done $0x0  }
0x122: {  	s0 =	sadd.s32 $0x300, s7;
	[sflag:s15] =	ssyncadd.s32 $0xFFFFE000  }
0x123: {  	[tilespmem:s29], [sflag:$0x3] =	stream.indirect.gather [hbm4b:s5+s24], $0x40, s0, s24, $0xb8;
	[tilespmem:$0x1BE00] =	vst v63  }
0x124: {  	_ =	swait.ge [sflag:s30], $0x2000  }
0x125: {  	[sflag:s30] =	ssyncset.done $0x0  }
0x126: {  	s0 =	sadd.s32 $0x5180, s7;
	[sflag:s30] =	ssyncadd.s32 $0xFFFFE000  }
0x127: {  	[spmem:s2] =	stream.indirect.scatter.add.f32 [tilespmem:s25], [sflag:$0x6], $0x40, s0, s24, $0xb8;
	[tilespmem:$0x1BE00] =	vst v63  }
0x128: {  	_ =	swait.ge [sflag:s31], $0x2000  }
0x129: {  	[sflag:s31] =	ssyncset.done $0x0  }
0x12a: {  	s0 =	sadd.s32 $0x380, s7;
	[sflag:s31] =	ssyncadd.s32 $0xFFFFE000  }
0x12b: {  	[tilespmem:s22], [sflag:$0x4] =	stream.indirect.gather [hbm4b:s5+s24], $0x40, s0, s24, $0xb8;
	[tilespmem:$0x1BE00] =	vst v63  }
0x12c: {  	_ =	swait.ge [sflag:s12], $0x2000  }
0x12d: {  	[sflag:s12] =	ssyncset.done $0x0  }
0x12e: {  	s0 =	sadd.s32 $0x5200, s7;
	[sflag:s12] =	ssyncadd.s32 $0xFFFFE000  }
0x12f: {  	[spmem:s2] =	stream.indirect.scatter.add.f32 [tilespmem:s29], [sflag:$0x7], $0x40, s0, s24, $0xb8;
	[tilespmem:$0x1BE00] =	vst v63  }
0x130: {  	_ =	swait.ge [sflag:s16], $0x2000  }
0x131: {  	[sflag:s16] =	ssyncset.done $0x0  }
0x132: {  	s0 =	sadd.s32 $0x400, s7;
	[sflag:s16] =	ssyncadd.s32 $0xFFFFE000  }
0x133: {  	[tilespmem:s23], [sflag:$0x1] =	stream.indirect.gather [hbm4b:s5+s24], $0x40, s0, s24, $0xb8;
	[tilespmem:$0x1BE00] =	vst v63  }
0x134: {  	_ =	swait.ge [sflag:s6], $0x2000  }
0x135: {  	[sflag:s6] =	ssyncset.done $0x0  }
.Ltmp11:
0x136: {  	s0 =	sadd.s32 $0x5280, s7;
	[sflag:s6] =	ssyncadd.s32 $0xFFFFE000;
	(pc) =	sbr.rel @p2 .LBB2_16-.Ltmp11, $4  }
0x137: {  	[spmem:s2] =	stream.indirect.scatter.add.f32 [tilespmem:s22], [sflag:$0x8], $0x40, s0, s24, $0xb8;
	[tilespmem:$0x1BE00] =	vst v63  }
0x138: {  	_ =	swait.ge [sflag:s28], $0x2000  }
0x139: {  	[sflag:s28] =	ssyncset.done $0x0  }
0x13a: {  	s7 =	sadd.s32 $0x480, s7;
	[sflag:s28] =	ssyncadd.s32 $0xFFFFE000  }
.Ltmp12:
0x13b: {  	_ = 	snop;
	(pc) =	sbr.rel .LBB2_17-.Ltmp12, $1  }
0x13c: {  	_ =	sdelay $0x3  }
.LBB2_19:
0x13d: {  	_ =	sfence.sel $0x180000  }
0x13e: {  	[bflag:$0x0] =	sbarrier.arrive $0xFFFF  }
0x13f: {  	_ =	strace $0x9000004A  }
0x140: {  	[bflag:$0x2] =	sbarrier.arrive $0xFFFF  }
0x141: {  	p0 =	sne.s32 s1, $0x0;
	s0 =	rddreg [dreg:$0x2]  }
0x142: {  	s0 =	sadd.s32 @!p0 $0x100000, s0  }
0x143: {  	[sflag:s0] =	ssyncadd.tile.s32 @!p0 $0x1;
	_ =	shalt  }
.Lfunc_end2:
_tile_overlayer_lowered:
.L_overlay_start_2:
0x144: {  	(tag) =	ssettag $0x2  }
0x145: {  	s0 =	rddreg [dreg:$0x0];
	s2 =	stileid.u32  }
0x146: {  	s1 =	rddreg [dreg:$0x1];
	p0 =	sne.s32 s2, $0x0  }
0x147: {  	s3 =	rddreg [dreg:$0x2];
	[bflag:$0x3] =	sbarrier.arrive $0xFFFF;
	s2 =	simm.s32 @!p0 $0x1C09  }
0x148: {  	[timem:s3], [sflag:s2] =	dma.local @!p0 [hbm:s0], s1  }
0x149: {  	s0 =	simm.s32 @!p0 $0x9  }
0x14a: {  	_ =	swait.ge @!p0 [sflag:s0], s1  }
0x14b: {  	s1 =	ssub.s32 @!p0 $0x0, s1;
	[sflag:s0] =	ssyncset.done @!p0 $0x0  }
0x14c: {  	[sflag:s0] =	ssyncadd.s32 @!p0 s1  }
0x14d: {  	[bflag:$0x3] =	sbarrier.arrive $0xFFFF  }
0x14e: {  	_ =	shalt  }

// kernel: kernel.14.cloned.1.call-start
scs
__scs_entry_jumppad:
0x0: {  	(pc) =	sbr.rel $0x88, $3  }
0x1: {  	(tag) =	ssettag $0x0;
	lr =	simm.s32 $0x1  }
0x2: {  	[smem:$0x3F9B] =	sst lr;
	_ =	strace $0xD0000000  }
0x3: {  	_ = 	snop  }
0x4: {  	_ = 	snop  }
0x5: {  	_ = 	snop  }
0x6: {  	_ = 	snop  }
0x7: {  	_ = 	snop  }
__scs_overlays_trampoline_lowered:
0x8: {  	[smem:$0x3FAA] =	sst s0  }
0x9: {  	[smem:$0x3FAB] =	sst s1  }
0xa: {  	[smem:$0x3FAC] =	sst s2  }
0xb: {  	[smem:$0x3FAD] =	sst s3  }
0xc: {  	[smem:$0x3FAE] =	sst s4  }
0xd: {  	[smem:$0x3FAF] =	sst s5  }
0xe: {  	[smem:$0x3FB0] =	sst s6  }
0xf: {  	[smem:$0x3FB1] =	sst s7  }
0x10: {  	[smem:$0x3FB2] =	sst s8  }
0x11: {  	[smem:$0x3FB3] =	sst s9;
	s0 =	simm.s32 @!p0 $0x0  }
0x12: {  	s1 =	sld [smem:$0x3F99];
	s0 =	simm.s32 @p0 $0x1  }
0x13: {  	[smem:$0x3FB4] =	sst s0;
	s0 =	simm.s32 @!p1 $0x0  }
0x14: {  	s2 =	sld [smem:$0x3F98];
	s0 =	simm.s32 @p1 $0x1  }
0x15: {  	[smem:$0x3FB5] =	sst s0;
	s0 =	simm.s32 @!p2 $0x0  }
0x16: {  	s3 =	sld [smem:$0x3FDB];
	s0 =	simm.s32 @p2 $0x1  }
0x17: {  	s4 =	simm.s32 $0x1BF5;
	[smem:$0x3FB7] =	sst s0  }
0x18: {  	s0 =	sld [smem:$0x3F9A];
	_ =	swait.ge [sflag:s4], $0x0  }
0x19: {  	s7 =	sld [smem:$0x3F9B]  }
0x1a: {  	s8 =	sadd.s32 $0xFFFFE003, lr  }
0x1b: {  	s9 =	sadd.s32 $0xFFFFFEF7, lr;
	s5 =	simm.s32 $0xFFFFFFFF;
	p2 =	slt.u32 s8, $0xFFFFF086  }
0x1c: {  	p1 =	slt.u32 s9, $0xF7A;
	s5 =	simm.s32 @!p2 $0x0  }
0x1d: {  	s5 =	simm.s32 @p1 $0x1;
	p0 =	seq.s32 s7, s2  }
0x1e: {  	s7 =	smul.u32 @!p0 $0xF7A, s2;
	p2 =	seq.s32 @!p0 s5, $0x0  }
0x1f: {  	s9 =	smul.u32 $0xF7A, s1;
	s8 =	simm.s32 @!p0 $0x1BF5;
	p2 =	por !p2, p0  }
0x20: {  	[sflag:s8] =	ssyncset.s32 @!p0 $0xFFFFF086;
	s6 =	sadd.s32 @!p0 s3, s7;
	s7 =	simm.s32 @!p0 $0x108  }
0x21: {  	s3 =	sadd.s32 s3, s9;
	s6 =	sadd.s32 @!p0 $0x88, s6;
	s7 =	simm.s32 @p2 $0x1082  }
0x22: {  	[simem:s7], [sflag:s8] =	dma.local @!p0 [hbm:s6], $0xF7A  }
0x23: {  	s9 =	sor.u32 $0xD0000000, s2;
	s6 =	simm.s32 $0x108;
	_ =	swait.ge @!p0 [sflag:s8], $0x0  }
0x24: {  	s3 =	sadd.s32 $0x88, s3;
	s6 =	simm.s32 @!p1 $0x1082;
	[sflag:s4] =	ssyncset.s32 $0xFFFFF086  }
0x25: {  	[simem:s6], [sflag:s4] =	dma.local [hbm:s3], $0xF7A  }
0x26: {  	[smem:$0x3F9B] =	sst s1;
	(tag) =	ssettag s2;
	_ =	strace s9  }
0x27: {  	s1 =	sld [smem:$0x3FAB]  }
0x28: {  	s2 =	sld [smem:$0x3FAC]  }
0x29: {  	s4 =	sld [smem:$0x3FAE]  }
0x2a: {  	p0 =	seq.s32 s5, $0x0;
	s5 =	sld [smem:$0x3FAF]  }
0x2b: {  	s6 =	sld [smem:$0x3FB0]  }
0x2c: {  	s7 =	sld [smem:$0x3FB1]  }
0x2d: {  	s3 =	simm.s32 $0x108;
	s8 =	sld [smem:$0x3FB2]  }
0x2e: {  	s3 =	simm.s32 @!p0 $0x1082;
	s9 =	sld [smem:$0x3FB3]  }
0x2f: {  	lr =	sadd.s32 s0, s3;
	s0 =	sld [smem:$0x3FAA]  }
0x30: {  	s3 =	sld [smem:$0x3FAD]  }
0x31: {  	[smem:$0x3FB6] =	sst s10  }
0x32: {  	s10 =	sld [smem:$0x3FB4];
	_ =	sdelay $0x3  }
0x33: {  	p0 =	seq.s32 s10, $0x1;
	s10 =	sld [smem:$0x3FB6];
	_ =	sdelay $0x3  }
0x34: {  	[smem:$0x3FB6] =	sst s10  }
0x35: {  	s10 =	sld [smem:$0x3FB5];
	_ =	sdelay $0x3  }
0x36: {  	p1 =	seq.s32 s10, $0x1;
	s10 =	sld [smem:$0x3FB6];
	_ =	sdelay $0x3  }
0x37: {  	[smem:$0x3FB6] =	sst s10  }
0x38: {  	s10 =	sld [smem:$0x3FB7]  }
0x39: {  	_ = 	snop;
	(pc) =	sbr.ind lr, $3  }
0x3a: {  	_ = 	snop  }
0x3b: {  	_ = 	snop  }
0x3c: {  	p2 =	seq.s32 s10, $0x1;
	s10 =	sld [smem:$0x3FB6]  }
0x3d: {  	_ =	shalt  }
0x3e: {  	_ =	shalt  }
0x3f: {  	_ =	shalt  }
0x40: {  	_ =	shalt  }
0x41: {  	_ =	shalt  }
0x42: {  	_ =	shalt  }
0x43: {  	_ =	shalt  }
0x44: {  	_ =	shalt  }
0x45: {  	_ =	shalt  }
0x46: {  	_ =	shalt  }
0x47: {  	_ =	shalt  }
0x48: {  	_ =	shalt  }
0x49: {  	_ =	shalt  }
0x4a: {  	_ =	shalt  }
0x4b: {  	_ =	shalt  }
0x4c: {  	_ =	shalt  }
0x4d: {  	_ =	shalt  }
0x4e: {  	_ =	shalt  }
0x4f: {  	_ =	shalt  }
0x50: {  	_ =	shalt  }
0x51: {  	_ =	shalt  }
0x52: {  	_ =	shalt  }
0x53: {  	_ =	shalt  }
0x54: {  	_ =	shalt  }
0x55: {  	_ =	shalt  }
0x56: {  	_ =	shalt  }
0x57: {  	_ =	shalt  }
0x58: {  	_ =	shalt  }
0x59: {  	_ =	shalt  }
0x5a: {  	_ =	shalt  }
0x5b: {  	_ =	shalt  }
0x5c: {  	_ =	shalt  }
0x5d: {  	_ =	shalt  }
0x5e: {  	_ =	shalt  }
0x5f: {  	_ =	shalt  }
0x60: {  	_ =	shalt  }
0x61: {  	_ =	shalt  }
0x62: {  	_ =	shalt  }
0x63: {  	_ =	shalt  }
0x64: {  	_ =	shalt  }
0x65: {  	_ =	shalt  }
0x66: {  	_ =	shalt  }
0x67: {  	_ =	shalt  }
0x68: {  	_ =	shalt  }
0x69: {  	_ =	shalt  }
0x6a: {  	_ =	shalt  }
0x6b: {  	_ =	shalt  }
0x6c: {  	_ =	shalt  }
0x6d: {  	_ =	shalt  }
0x6e: {  	_ =	shalt  }
0x6f: {  	_ =	shalt  }
0x70: {  	_ =	shalt  }
0x71: {  	_ =	shalt  }
0x72: {  	_ =	shalt  }
0x73: {  	_ =	shalt  }
0x74: {  	_ =	shalt  }
0x75: {  	_ =	shalt  }
0x76: {  	_ =	shalt  }
0x77: {  	_ =	shalt  }
0x78: {  	_ =	shalt  }
0x79: {  	_ =	shalt  }
0x7a: {  	_ =	shalt  }
0x7b: {  	_ =	shalt  }
0x7c: {  	_ =	shalt  }
0x7d: {  	_ =	shalt  }
0x7e: {  	_ =	shalt  }
0x7f: {  	_ =	shalt  }
0x80: {  	_ =	shalt  }
0x81: {  	_ =	shalt  }
0x82: {  	_ =	shalt  }
0x83: {  	_ =	shalt  }
0x84: {  	_ =	shalt  }
0x85: {  	_ =	shalt  }
0x86: {  	_ =	shalt  }
0x87: {  	_ =	shalt  }
.Lfunc_end0:
.L_simem_size_0:
called_computation.2_lowered:
.L_overlay_start_0:
0x88: {  	s2 =	sld [smem:$0x3FD9]  }
0x89: {  	s3 =	sld [smem:$0x3FFE];
	_ =	sdelay $0x1  }
0x8a: {  	s1 =	srdreg.scid  }
0x8b: {  	s0 =	sand.u32 $0x1, s1  }
0x8c: {  	s17 =	sshll.u32 s0, $0xA;
	s2 =	sadd.s32 s3, s2  }
0x8d: {  	s2 =	sadd.s32 s2, s17  }
0x8e: {  	[smem:$0x3FC2] =	sst s2  }
0x8f: {  	_ = 	snop  }
0x90: {  	s2 =	sld [smem:$0x3FD0];
	(tm) =	ssettm $0x1  }
0x91: {  	s18 =	sld [smem:$0x3FFB];
	_ =	sdelay $0x3  }
0x92: {  	_ =	strace s18  }
0x93: {  	s3 =	sld [smem:$0x3FFC];
	_ =	sdelay $0x3  }
0x94: {  	_ =	strace s3  }
0x95: {  	s3 =	sld [smem:$0x3FFD];
	_ =	sdelay $0x3  }
0x96: {  	_ =	strace s3  }
0x97: {  	_ =	strace $0x8FFFFFFF  }
0x98: {  	s19 =	sld [smem:$0x3FDB];
	_ =	sdelay $0x1  }
0x99: {  	s4 =	simm.s32 $_scs_section_size  }
0x9a: {  	s5 =	simm.s32 $_size__tile_overlayer_lowered;
	s6 =	simm.s32 $_tile_overlayer_lowered  }
0x9b: {  	s22 =	simm.s32 $0x1BFF;
	s21 =	sshll.u32 s6, $0x1;
	s3 =	sadd.s32 s4, s19  }
0x9c: {  	s7 =	simm.s32 $0x0;
	s20 =	sshll.u32 s5, $0x1;
	s5 =	sadd.s32 s21, s3  }
0x9d: {  	[timem:s7], [sflag:s22] =	dma.local [hbm:s5], s20  }
0x9e: {  	_ =	swait.ge [sflag:s22], s20  }
0x9f: {  	s4 =	ssub.s32 $0x0, s20;
	[sflag:s22] =	ssyncset.done $0x0  }
0xa0: {  	[sflag:s22] =	ssyncadd.s32 s4;
	_ =	sdelay $0x1  }
0xa1: {  	s23 =	simm.s32 $0x1B8B  }
0xa2: {  	_ =	swait.ge [sflag:s23], $0x1  }
0xa3: {  	[sflag:s23] =	ssyncset.done $0x0  }
0xa4: {  	s25 =	simm.s32 $0x1B8E;
	s24 =	sld [smem:$0x3FFE];
	[sflag:s23] =	ssyncadd.s32 $0xFFFFFFFF  }
0xa5: {  	s26 =	simm.s32 $execute0_lowered;
	[smem:$0x3FD2] =	sst s25  }
0xa6: {  	s5 =	sshll.u32 s26, $0x1;
	_ =	strace $0x8000004C;
	[dreg:$0x1] =	wrdreg $0xFFFFFFFF  }
0xa7: {  	s28 =	simm.s32 $_size_execute0_lowered;
	s3 =	sadd.s32 s3, s5;
	[dreg:$0x0] =	wrdreg $0x0  }
0xa8: {  	s5 =	sshll.u32 s28, $0x1;
	[dreg:$0x2] =	wrdreg s3  }
0xa9: {  	[dreg:$0x3] =	wrdreg s5  }
0xaa: {  	[dreg:$0x4] =	wrdreg $0xC0  }
0xab: {  	_ =	task [dreg:s7], $0x5FFFF  }
0xac: {  	[dreg:$0x1] =	wrdreg $0xFFFFFFFF  }
0xad: {  	[dreg:$0x0] =	wrdreg $0x60  }
0xae: {  	[dreg:$0x2] =	wrdreg s24  }
0xaf: {  	[dreg:$0x3] =	wrdreg s2  }
0xb0: {  	[dreg:$0x4] =	wrdreg $0x9E800  }
0xb1: {  	[dreg:$0x5] =	wrdreg $0x9  }
0xb2: {  	_ =	task.clear_ibuf [dreg:s7], $0x6FFFF;
	_ =	strace $0x9000004C  }
0xb3: {  	s29 =	simm.s32 $0x9;
	_ =	strace $0x8000004E  }
0xb4: {  	_ =	swait.ge [sflag:s29], $0x1  }
0xb5: {  	[sflag:s29] =	ssyncadd.s32 $0xFFFFFFFF  }
0xb6: {  	_ =	strace $0x9000004E  }
0xb7: {  	_ =	sfence  }
0xb8: {  	s30 =	sld [smem:$0x0];
	_ =	sdelay $0x2  }
0xb9: {  	s31 =	sshll.u32 s1, $0xD;
	s1 =	sshrl.u32 s1, $0x2  }
0xba: {  	s3 =	sand.u32 $0x4000, s31;
	s1 =	sadd.s32 s1, s30  }
0xbb: {  	s0 =	sor.u32 s3, s0;
	s1 =	sshll.u32 s1, $0x11  }
0xbc: {  	s0 =	sor.u32 s1, s0  }
0xbd: {  	s0 =	sadd.s32 $0x8F2B, s0  }
0xbe: {  	[sflag:s0] =	ssyncadd.remote.s32 $0x1  }
0xbf: {  	_ =	sfence.sel $0xFFFF  }
0xc0: {  	[dreg:$0x0] =	wrdreg $0xFFFFFFFF;
	(pc) =	sbr.abs _section_cstart, $3  }
0xc1: {  	[dreg:$0x1] =	wrdreg $0xFFFFFFFF  }
0xc2: {  	_ =	task.clear_ibuf [dreg:s7], $0x2FFFF;
	_ =	strace $0x9FFFFFFF  }
0xc3: {  	(tm) =	ssettm $0x7FFFFFFF  }
tec
execute0_lowered:
.L_overlay_start_1:
0x0: {  	(tag) =	ssettag $0x1  }
0x1: {  	s4 =	rddreg [dreg:$0x0]  }
0x2: {  	s0 =	rddreg [dreg:$0x1]  }
0x3: {  	s1 =	srdreg.scid;
	s7 =	stileid.u32  }
0x4: {  	s2 =	rddreg [dreg:$0x2];
	s10 =	simm.s32 $0x2780;
	s11 =	simm.s32 $0x4F00  }
0x5: {  	s12 =	simm.s32 $0x7680;
	s13 =	simm.s32 $0x80;
	s14 =	simm.s32 $0x400  }
0x6: {  	s15 =	simm.s32 $0x0;
	s5 =	sand.u32 $0x1, s1;
	s3 =	sshll.u32 s7, $0x1  }
0x7: {  	s1 =	rddreg [dreg:$0x3];
	s8 =	sshrl.u32 s7, $0x2;
	p0 =	sne.s32 s7, $0x0  }
0x8: {  	s6 =	sor.u32 s5, s3;
	s3 =	simm.s32 $0x0;
	s8 =	smul.u32 $0x14000, s8  }
0x9: {  	s5 =	ssub.s32 $0x2, s5;
	s9 =	sshll.u32 s6, $0x7;
	s6 =	smul.u32 $0x4F0, s6  }
0xa: {  	[smem:$0x7FF] =	sst s3;
	s31 =	sshrl.u32 s5, $0x1;
	s9 =	sand.u32 $0x380, s9  }
0xb: {  	_ =	strace $0x8000004D;
	s8 =	sor.u32 s8, s9;
	s6 =	sadd.s32 s6, s4  }
0xc: {  	s9 =	ssub.s32 s5, s31;
	s8 =	sshrl.u32 s8, $0x3;
	s5 =	sadd.s32 $0x2A200, s6  }
0xd: {  	s7 =	smax.u32 s9, $0x1;
	s9 =	simm.s32 $0x1;
	s8 =	sadd.s32 s8, s4  }
0xe: {  	v0 =	vimm.f32 $0.0e+00;
	s4 =	sadd.s32 $0x20400, s6;
	s6 =	sadd.s32 $0x2C00, s8;
	s8 =	sshrl.u32 @!p0 s2, $0x3  }
.LBB2_1:
0xf: {  	s16 =	simm.s32 @!p0 $0x1C01  }
0x10: {  	[spmem:s8], [sflag:s16] =	dma.local @!p0 [hbm:s0], $0x4F0  }
0x11: {  	s16 =	simm.s32 @!p0 $0x1  }
0x12: {  	_ =	swait.ge @!p0 [sflag:s16], $0x4F0  }
0x13: {  	[sflag:s16] =	ssyncset.done @!p0 $0x0  }
0x14: {  	[sflag:s16] =	ssyncadd.s32 @!p0 $0xFFFFFB10  }
0x15: {  	[tilespmem:s3], [sflag:$0x1] =	stream.linear.gather [hbm4b:s4+s3], $0x2780, $0x38;
	[tilespmem:$0xA0F8] =	vst v63  }
0x16: {  	_ =	swait.ge [sflag:s9], $0x2780  }
0x17: {  	[sflag:s9] =	ssyncset.done $0x0  }
0x18: {  	[sflag:s9] =	ssyncadd.s32 $0xFFFFD880  }
0x19: {  	[tilespmem:s10], [sflag:$0x1] =	stream.linear.gather [hbm4b:s5+s3], $0x2780, $0x38;
	[tilespmem:$0xA0F8] =	vst v63  }
0x1a: {  	_ =	swait.ge [sflag:s9], $0x2780  }
0x1b: {  	[sflag:s9] =	ssyncset.done $0x0  }
0x1c: {  	s17 =	simm.s32 $0x140;
	s16 =	simm.s32 $0x0;
	[sflag:s9] =	ssyncadd.s32 $0xFFFFD880  }
.LBB2_2:
0x1d: {  	p1 =	sne.s32 s17, $0x9EC0;
	[tilespmem:s16+$0x76C0] =	vst v0;
	s18 =	smov.u32 s17;
	s17 =	sadd.s32 $0x140, s17  }
.Ltmp0:
0x1e: {  	[tilespmem:s16+$0x76B0] =	vst v0;
	(pc) =	sbr.rel @p1 .LBB2_2-.Ltmp0, $4  }
0x1f: {  	[tilespmem:s16+$0x76A0] =	vst v0  }
0x20: {  	[tilespmem:s16+$0x7680] =	vst v0  }
0x21: {  	[tilespmem:s16+$0x7690] =	vst v0  }
0x22: {  	s16 =	sshra.s32 s18, $0x2  }
0x23: {  	[tilespmem:s16+$0x76C0] =	vst v0  }
0x24: {  	[tilespmem:s16+$0x76B0] =	vst v0  }
0x25: {  	[tilespmem:s16+$0x76A0] =	vst v0  }
0x26: {  	[tilespmem:s16+$0x7680] =	vst v0  }
0x27: {  	[tilespmem:s16+$0x7690] =	vst v0  }
0x28: {  	[bflag:$0x0] =	sbarrier.arrive $0xFFFF  }
0x29: {  	[tilespmem:s11], [sflag:$0x1] =	stream.linear.gather [spmem:s2], $0x2780, $0x38;
	[tilespmem:$0xA0F8] =	vst v63  }
0x2a: {  	_ =	swait.ge [sflag:s9], $0x2780  }
0x2b: {  	[sflag:s9] =	ssyncset.done $0x0  }
0x2c: {  	s16 =	simm.s32 $0x0;
	[sflag:s9] =	ssyncadd.s32 $0xFFFFD880  }
.LBB2_4:
0x2d: {  	s17 =	sshra.s32 s16, $0x2  }
0x2e: {  	v1 =	vld [tilespmem:s17+$0x0];
	_ =	sdelay $0x4  }
0x2f: {  	v2 =	vld [tilespmem:s17+$0x2780];
	_ =	sdelay $0x2  }
0x30: {  	v1 =	vld.idx.msk [tilespmem:v1+s11+$0x0], $0xffff;
	_ =	sdelay $0x4  }
0x31: {  	[tilespmem:v2+s12+$0x0] =	vst.idx.add.f32.msk $0xffff, v1  }
0x32: {  	v1 =	vld [tilespmem:s17+$0x10];
	_ =	sdelay $0x4  }
0x33: {  	v2 =	vld [tilespmem:s17+$0x2790];
	_ =	sdelay $0x2  }
0x34: {  	v1 =	vld.idx.msk [tilespmem:v1+s11+$0x0], $0xffff;
	_ =	sdelay $0x4  }
0x35: {  	[tilespmem:v2+s12+$0x0] =	vst.idx.add.f32.msk $0xffff, v1  }
0x36: {  	v1 =	vld [tilespmem:s17+$0x20];
	_ =	sdelay $0x4  }
0x37: {  	v2 =	vld [tilespmem:s17+$0x27A0];
	_ =	sdelay $0x2  }
0x38: {  	v1 =	vld.idx.msk [tilespmem:v1+s11+$0x0], $0xffff;
	_ =	sdelay $0x4  }
0x39: {  	[tilespmem:v2+s12+$0x0] =	vst.idx.add.f32.msk $0xffff, v1  }
0x3a: {  	v1 =	vld [tilespmem:s17+$0x30];
	_ =	sdelay $0x4  }
0x3b: {  	v2 =	vld [tilespmem:s17+$0x27B0];
	_ =	sdelay $0x2  }
0x3c: {  	p1 =	sne.s32 s16, $0x9D00;
	v1 =	vld.idx.msk [tilespmem:v1+s11+$0x0], $0xffff  }
.Ltmp1:
0x3d: {  	_ = 	snop;
	(pc) =	sbr.rel @p1 .LBB2_4-.Ltmp1, $2  }
0x3e: {  	_ =	sdelay $0x2  }
0x3f: {  	s16 =	sadd.s32 $0x100, s16;
	[tilespmem:v2+s12+$0x0] =	vst.idx.add.f32.msk $0xffff, v1  }
0x40: {  	s15 =	sadd.s32 $0x1, s15  }
0x41: {  	p1 =	sne.s32 s15, s7  }
.Ltmp2:
0x42: {  	_ = 	snop;
	(pc) =	sbr.rel @p1 .LBB2_1-.Ltmp2, $4  }
0x43: {  	[hbm4b:s6+s13] =	stream.strided.scatter [tilespmem:s12], [sflag:$0x1], $0x2800, s14, s13, $0x38;
	[tilespmem:$0xA0F8] =	vst v63  }
0x44: {  	_ =	swait.ge [sflag:s9], $0x2800  }
0x45: {  	[sflag:s9] =	ssyncset.done $0x0  }
0x46: {  	[sflag:s9] =	ssyncadd.s32 $0xFFFFD800  }
0x47: {  	_ =	sfence.sel $0x180000  }
0x48: {  	[bflag:$0x0] =	sbarrier.arrive $0xFFFF  }
0x49: {  	_ =	strace $0x9000004D  }
0x4a: {  	s0 =	sadd.s32 @!p0 $0x100000, s1;
	[bflag:$0x2] =	sbarrier.arrive $0xFFFF  }
0x4b: {  	[sflag:s0] =	ssyncadd.tile.s32 @!p0 $0x1;
	_ =	shalt  }
.Lfunc_end2:
_tile_overlayer_lowered:
.L_overlay_start_2:
0x4c: {  	(tag) =	ssettag $0x2  }
0x4d: {  	s0 =	rddreg [dreg:$0x0];
	s2 =	stileid.u32  }
0x4e: {  	s1 =	rddreg [dreg:$0x1];
	p0 =	sne.s32 s2, $0x0  }
0x4f: {  	s3 =	rddreg [dreg:$0x2];
	[bflag:$0x3] =	sbarrier.arrive $0xFFFF;
	s2 =	simm.s32 @!p0 $0x1C01  }
0x50: {  	[timem:s3], [sflag:s2] =	dma.local @!p0 [hbm:s0], s1  }
0x51: {  	s0 =	simm.s32 @!p0 $0x1  }
0x52: {  	_ =	swait.ge @!p0 [sflag:s0], s1  }
0x53: {  	s1 =	ssub.s32 @!p0 $0x0, s1;
	[sflag:s0] =	ssyncset.done @!p0 $0x0  }
0x54: {  	[sflag:s0] =	ssyncadd.s32 @!p0 s1  }
0x55: {  	[bflag:$0x3] =	sbarrier.arrive $0xFFFF  }
0x56: {  	_ =	shalt  }

// kernel: kernel.8.cloned.1.call-start
scs
__scs_entry_jumppad:
0x0: {  	(pc) =	sbr.rel $0x88, $3  }
0x1: {  	(tag) =	ssettag $0x0;
	lr =	simm.s32 $0x1  }
0x2: {  	[smem:$0x3F9B] =	sst lr;
	_ =	strace $0xD0000000  }
0x3: {  	_ = 	snop  }
0x4: {  	_ = 	snop  }
0x5: {  	_ = 	snop  }
0x6: {  	_ = 	snop  }
0x7: {  	_ = 	snop  }
__scs_overlays_trampoline_lowered:
0x8: {  	[smem:$0x3FAA] =	sst s0  }
0x9: {  	[smem:$0x3FAB] =	sst s1  }
0xa: {  	[smem:$0x3FAC] =	sst s2  }
0xb: {  	[smem:$0x3FAD] =	sst s3  }
0xc: {  	[smem:$0x3FAE] =	sst s4  }
0xd: {  	[smem:$0x3FAF] =	sst s5  }
0xe: {  	[smem:$0x3FB0] =	sst s6  }
0xf: {  	[smem:$0x3FB1] =	sst s7  }
0x10: {  	[smem:$0x3FB2] =	sst s8  }
0x11: {  	[smem:$0x3FB3] =	sst s9;
	s0 =	simm.s32 @!p0 $0x0  }
0x12: {  	s1 =	sld [smem:$0x3F99];
	s0 =	simm.s32 @p0 $0x1  }
0x13: {  	[smem:$0x3FB4] =	sst s0;
	s0 =	simm.s32 @!p1 $0x0  }
0x14: {  	s2 =	sld [smem:$0x3F98];
	s0 =	simm.s32 @p1 $0x1  }
0x15: {  	[smem:$0x3FB5] =	sst s0;
	s0 =	simm.s32 @!p2 $0x0  }
0x16: {  	s3 =	sld [smem:$0x3FDB];
	s0 =	simm.s32 @p2 $0x1  }
0x17: {  	s4 =	simm.s32 $0x1BF5;
	[smem:$0x3FB7] =	sst s0  }
0x18: {  	s0 =	sld [smem:$0x3F9A];
	_ =	swait.ge [sflag:s4], $0x0  }
0x19: {  	s7 =	sld [smem:$0x3F9B]  }
0x1a: {  	s8 =	sadd.s32 $0xFFFFE003, lr  }
0x1b: {  	s9 =	sadd.s32 $0xFFFFFEF7, lr;
	s5 =	simm.s32 $0xFFFFFFFF;
	p2 =	slt.u32 s8, $0xFFFFF086  }
0x1c: {  	p1 =	slt.u32 s9, $0xF7A;
	s5 =	simm.s32 @!p2 $0x0  }
0x1d: {  	s5 =	simm.s32 @p1 $0x1;
	p0 =	seq.s32 s7, s2  }
0x1e: {  	s7 =	smul.u32 @!p0 $0xF7A, s2;
	p2 =	seq.s32 @!p0 s5, $0x0  }
0x1f: {  	s9 =	smul.u32 $0xF7A, s1;
	s8 =	simm.s32 @!p0 $0x1BF5;
	p2 =	por !p2, p0  }
0x20: {  	[sflag:s8] =	ssyncset.s32 @!p0 $0xFFFFF086;
	s6 =	sadd.s32 @!p0 s3, s7;
	s7 =	simm.s32 @!p0 $0x108  }
0x21: {  	s3 =	sadd.s32 s3, s9;
	s6 =	sadd.s32 @!p0 $0x88, s6;
	s7 =	simm.s32 @p2 $0x1082  }
0x22: {  	[simem:s7], [sflag:s8] =	dma.local @!p0 [hbm:s6], $0xF7A  }
0x23: {  	s9 =	sor.u32 $0xD0000000, s2;
	s6 =	simm.s32 $0x108;
	_ =	swait.ge @!p0 [sflag:s8], $0x0  }
0x24: {  	s3 =	sadd.s32 $0x88, s3;
	s6 =	simm.s32 @!p1 $0x1082;
	[sflag:s4] =	ssyncset.s32 $0xFFFFF086  }
0x25: {  	[simem:s6], [sflag:s4] =	dma.local [hbm:s3], $0xF7A  }
0x26: {  	[smem:$0x3F9B] =	sst s1;
	(tag) =	ssettag s2;
	_ =	strace s9  }
0x27: {  	s1 =	sld [smem:$0x3FAB]  }
0x28: {  	s2 =	sld [smem:$0x3FAC]  }
0x29: {  	s4 =	sld [smem:$0x3FAE]  }
0x2a: {  	p0 =	seq.s32 s5, $0x0;
	s5 =	sld [smem:$0x3FAF]  }
0x2b: {  	s6 =	sld [smem:$0x3FB0]  }
0x2c: {  	s7 =	sld [smem:$0x3FB1]  }
0x2d: {  	s3 =	simm.s32 $0x108;
	s8 =	sld [smem:$0x3FB2]  }
0x2e: {  	s3 =	simm.s32 @!p0 $0x1082;
	s9 =	sld [smem:$0x3FB3]  }
0x2f: {  	lr =	sadd.s32 s0, s3;
	s0 =	sld [smem:$0x3FAA]  }
0x30: {  	s3 =	sld [smem:$0x3FAD]  }
0x31: {  	[smem:$0x3FB6] =	sst s10  }
0x32: {  	s10 =	sld [smem:$0x3FB4];
	_ =	sdelay $0x3  }
0x33: {  	p0 =	seq.s32 s10, $0x1;
	s10 =	sld [smem:$0x3FB6];
	_ =	sdelay $0x3  }
0x34: {  	[smem:$0x3FB6] =	sst s10  }
0x35: {  	s10 =	sld [smem:$0x3FB5];
	_ =	sdelay $0x3  }
0x36: {  	p1 =	seq.s32 s10, $0x1;
	s10 =	sld [smem:$0x3FB6];
	_ =	sdelay $0x3  }
0x37: {  	[smem:$0x3FB6] =	sst s10  }
0x38: {  	s10 =	sld [smem:$0x3FB7]  }
0x39: {  	_ = 	snop;
	(pc) =	sbr.ind lr, $3  }
0x3a: {  	_ = 	snop  }
0x3b: {  	_ = 	snop  }
0x3c: {  	p2 =	seq.s32 s10, $0x1;
	s10 =	sld [smem:$0x3FB6]  }
0x3d: {  	_ =	shalt  }
0x3e: {  	_ =	shalt  }
0x3f: {  	_ =	shalt  }
0x40: {  	_ =	shalt  }
0x41: {  	_ =	shalt  }
0x42: {  	_ =	shalt  }
0x43: {  	_ =	shalt  }
0x44: {  	_ =	shalt  }
0x45: {  	_ =	shalt  }
0x46: {  	_ =	shalt  }
0x47: {  	_ =	shalt  }
0x48: {  	_ =	shalt  }
0x49: {  	_ =	shalt  }
0x4a: {  	_ =	shalt  }
0x4b: {  	_ =	shalt  }
0x4c: {  	_ =	shalt  }
0x4d: {  	_ =	shalt  }
0x4e: {  	_ =	shalt  }
0x4f: {  	_ =	shalt  }
0x50: {  	_ =	shalt  }
0x51: {  	_ =	shalt  }
0x52: {  	_ =	shalt  }
0x53: {  	_ =	shalt  }
0x54: {  	_ =	shalt  }
0x55: {  	_ =	shalt  }
0x56: {  	_ =	shalt  }
0x57: {  	_ =	shalt  }
0x58: {  	_ =	shalt  }
0x59: {  	_ =	shalt  }
0x5a: {  	_ =	shalt  }
0x5b: {  	_ =	shalt  }
0x5c: {  	_ =	shalt  }
0x5d: {  	_ =	shalt  }
0x5e: {  	_ =	shalt  }
0x5f: {  	_ =	shalt  }
0x60: {  	_ =	shalt  }
0x61: {  	_ =	shalt  }
0x62: {  	_ =	shalt  }
0x63: {  	_ =	shalt  }
0x64: {  	_ =	shalt  }
0x65: {  	_ =	shalt  }
0x66: {  	_ =	shalt  }
0x67: {  	_ =	shalt  }
0x68: {  	_ =	shalt  }
0x69: {  	_ =	shalt  }
0x6a: {  	_ =	shalt  }
0x6b: {  	_ =	shalt  }
0x6c: {  	_ =	shalt  }
0x6d: {  	_ =	shalt  }
0x6e: {  	_ =	shalt  }
0x6f: {  	_ =	shalt  }
0x70: {  	_ =	shalt  }
0x71: {  	_ =	shalt  }
0x72: {  	_ =	shalt  }
0x73: {  	_ =	shalt  }
0x74: {  	_ =	shalt  }
0x75: {  	_ =	shalt  }
0x76: {  	_ =	shalt  }
0x77: {  	_ =	shalt  }
0x78: {  	_ =	shalt  }
0x79: {  	_ =	shalt  }
0x7a: {  	_ =	shalt  }
0x7b: {  	_ =	shalt  }
0x7c: {  	_ =	shalt  }
0x7d: {  	_ =	shalt  }
0x7e: {  	_ =	shalt  }
0x7f: {  	_ =	shalt  }
0x80: {  	_ =	shalt  }
0x81: {  	_ =	shalt  }
0x82: {  	_ =	shalt  }
0x83: {  	_ =	shalt  }
0x84: {  	_ =	shalt  }
0x85: {  	_ =	shalt  }
0x86: {  	_ =	shalt  }
0x87: {  	_ =	shalt  }
.Lfunc_end0:
.L_simem_size_0:
called_computation_lowered:
.L_overlay_start_0:
0x88: {  	s2 =	sld [smem:$0x3FD9]  }
0x89: {  	s3 =	sld [smem:$0x3FFE];
	_ =	sdelay $0x1  }
0x8a: {  	s1 =	srdreg.scid  }
0x8b: {  	s0 =	sand.u32 $0x1, s1  }
0x8c: {  	s16 =	sshll.u32 s0, $0xA;
	s2 =	sadd.s32 s3, s2  }
0x8d: {  	s2 =	sadd.s32 s2, s16  }
0x8e: {  	[smem:$0x3FC2] =	sst s2  }
0x8f: {  	_ = 	snop  }
0x90: {  	(tm) =	ssettm $0x1  }
0x91: {  	s17 =	sld [smem:$0x3FFB];
	_ =	sdelay $0x3  }
0x92: {  	_ =	strace s17  }
0x93: {  	s2 =	sld [smem:$0x3FFC];
	_ =	sdelay $0x3  }
0x94: {  	_ =	strace s2  }
0x95: {  	s2 =	sld [smem:$0x3FFD];
	_ =	sdelay $0x3  }
0x96: {  	_ =	strace s2  }
0x97: {  	_ =	strace $0x8FFFFFFF  }
0x98: {  	s18 =	sld [smem:$0x3FDB];
	_ =	sdelay $0x1  }
0x99: {  	s19 =	simm.s32 $_scs_section_size  }
0x9a: {  	s4 =	simm.s32 $_size__tile_overlayer_lowered;
	s5 =	simm.s32 $_tile_overlayer_lowered  }
0x9b: {  	s22 =	simm.s32 $0x1BFF;
	s21 =	sshll.u32 s5, $0x1;
	s2 =	sadd.s32 s19, s18  }
0x9c: {  	s6 =	simm.s32 $0x0;
	s20 =	sshll.u32 s4, $0x1;
	s4 =	sadd.s32 s21, s2  }
0x9d: {  	[timem:s6], [sflag:s22] =	dma.local [hbm:s4], s20  }
0x9e: {  	_ =	swait.ge [sflag:s22], s20  }
0x9f: {  	s3 =	ssub.s32 $0x0, s20;
	[sflag:s22] =	ssyncset.done $0x0  }
0xa0: {  	[sflag:s22] =	ssyncadd.s32 s3;
	_ =	sdelay $0x1  }
0xa1: {  	s23 =	simm.s32 $0x1B8B  }
0xa2: {  	_ =	swait.ge [sflag:s23], $0x1  }
0xa3: {  	[sflag:s23] =	ssyncset.done $0x0  }
0xa4: {  	s25 =	simm.s32 $0x1B8E;
	s24 =	sld [smem:$0x3FFE];
	[sflag:s23] =	ssyncadd.s32 $0xFFFFFFFF  }
0xa5: {  	s26 =	simm.s32 $execute0_lowered;
	[smem:$0x3FD2] =	sst s25  }
0xa6: {  	s4 =	sshll.u32 s26, $0x1;
	_ =	strace $0x80000046;
	[dreg:$0x1] =	wrdreg $0xFFFFFFFF  }
0xa7: {  	s28 =	simm.s32 $_size_execute0_lowered;
	s2 =	sadd.s32 s2, s4;
	[dreg:$0x0] =	wrdreg $0x0  }
0xa8: {  	s4 =	sshll.u32 s28, $0x1;
	[dreg:$0x2] =	wrdreg s2  }
0xa9: {  	[dreg:$0x3] =	wrdreg s4  }
0xaa: {  	[dreg:$0x4] =	wrdreg $0xC0  }
0xab: {  	_ =	task [dreg:s6], $0x5FFFF  }
0xac: {  	[dreg:$0x1] =	wrdreg $0xFFFFFFFF  }
0xad: {  	[dreg:$0x0] =	wrdreg $0x60  }
0xae: {  	[dreg:$0x2] =	wrdreg s24  }
0xaf: {  	[dreg:$0x3] =	wrdreg $0x9  }
0xb0: {  	_ =	task.clear_ibuf [dreg:s6], $0x4FFFF;
	_ =	strace $0x90000046  }
0xb1: {  	s29 =	simm.s32 $0x9;
	_ =	strace $0x80000048  }
0xb2: {  	_ =	swait.ge [sflag:s29], $0x1  }
0xb3: {  	[sflag:s29] =	ssyncadd.s32 $0xFFFFFFFF  }
0xb4: {  	_ =	strace $0x90000048  }
0xb5: {  	_ =	sfence  }
0xb6: {  	s30 =	sld [smem:$0x0];
	_ =	sdelay $0x2  }
0xb7: {  	s31 =	sshll.u32 s1, $0xD;
	s1 =	sshrl.u32 s1, $0x2  }
0xb8: {  	s3 =	sand.u32 $0x4000, s31;
	s1 =	sadd.s32 s1, s30  }
0xb9: {  	s0 =	sor.u32 s3, s0;
	s1 =	sshll.u32 s1, $0x11  }
0xba: {  	s0 =	sor.u32 s1, s0  }
0xbb: {  	s0 =	sadd.s32 $0x8F2B, s0  }
0xbc: {  	[sflag:s0] =	ssyncadd.remote.s32 $0x1  }
0xbd: {  	_ =	sfence.sel $0xFFFF  }
0xbe: {  	[dreg:$0x0] =	wrdreg $0xFFFFFFFF;
	(pc) =	sbr.abs _section_cstart, $3  }
0xbf: {  	[dreg:$0x1] =	wrdreg $0xFFFFFFFF  }
0xc0: {  	_ =	task.clear_ibuf [dreg:s6], $0x2FFFF;
	_ =	strace $0x9FFFFFFF  }
0xc1: {  	(tm) =	ssettm $0x7FFFFFFF  }
tec
execute0_lowered:
.L_overlay_start_1:
0x0: {  	(tag) =	ssettag $0x1  }
0x1: {  	s1 =	srdreg.scid  }
0x2: {  	s0 =	stileid.u32;
	s4 =	rddreg [dreg:$0x0]  }
0x3: {  	s2 =	simm.s32 $0x0;
	s15 =	simm.s32 $0x75A0;
	s16 =	simm.s32 $0x0  }
0x4: {  	s3 =	sand.u32 $0x1, s1;
	s26 =	sshll.u32 s0, $0x1;
	s1 =	rddreg [dreg:$0x1]  }
0x5: {  	[smem:$0x7FF] =	sst s2;
	s8 =	sadd.s32 $0x20400, s4;
	s6 =	sor.u32 s3, s26  }
0x6: {  	s9 =	sadd.s32 $0x2A200, s4;
	s3 =	ssub.s32 $0x2, s3;
	s5 =	smul.u32 $0x2710, s6  }
0x7: {  	_ =	strace $0x80000047;
	s28 =	sshrl.u32 s3, $0x1;
	s7 =	smul.u32 $0x70, s6  }
0x8: {  	s6 =	smul.u32 $0x2780, s6;
	s10 =	ssub.s32 s3, s28;
	s5 =	sshrl.u32 s5, $0x3  }
0x9: {  	v15 =	vlaneseq.u32;
	s11 =	sadd.s32 $0x10, s7;
	s12 =	sadd.s32 $0x20, s7;
	s13 =	sadd.s32 $0x30, s7  }
0xa: {  	v0 =	vor.u32 s7, v15;
	s14 =	sadd.s32 $0x40, s7;
	s29 =	sadd.s32 $0x50, s7;
	s7 =	sadd.s32 $0x60, s7  }
0xb: {  	v7 =	vimm.f32 $0.0e+00;
	v8 =	vimm.f32 $1.000000000e+00;
	v9 =	vor.u32 $0x2710, v15;
	s30 =	sshrl.u32 s6, $0x3;
	s10 =	smax.u32 s10, $0x1;
	s5 =	sadd.s32 s5, s4  }
0xc: {  	v10 =	vor.u32 $0x2720, v15;
	v11 =	vor.u32 $0x2730, v15;
	v6 =	vor.u32 s7, v15;
	s6 =	sadd.s32 s8, s30;
	s7 =	sadd.s32 s9, s30;
	s31 =	sadd.s32 $0x4E2, s30  }
0xd: {  	v1 =	vor.u32 s11, v15;
	v2 =	vor.u32 s12, v15;
	v3 =	vor.u32 s13, v15;
	s11 =	simm.s32 $0x1;
	s12 =	simm.s32 $0x2710;
	s13 =	simm.s32 $0x4E20  }
0xe: {  	v12 =	vor.u32 $0x2740, v15;
	v13 =	vor.u32 $0x2750, v15;
	v4 =	vor.u32 s14, v15;
	s14 =	simm.s32 $0x7530;
	s3 =	sadd.s32 $0x2C00, s5;
	s4 =	sadd.s32 $0xC840, s5  }
0xf: {  	v14 =	vor.u32 $0x2760, v15;
	v5 =	vor.u32 s29, v15;
	v15 =	vor.u32 $0x2770, v15;
	s5 =	sadd.s32 $0x16600, s5;
	s8 =	sadd.s32 s8, s31;
	s9 =	sadd.s32 s9, s31  }
.LBB2_1:
0x10: {  	[tilespmem:s2], [sflag:$0x1] =	stream.linear.gather [hbm4b:s3+s2], $0x2710, $0x38;
	[tilespmem:$0x7610] =	vst v63  }
0x11: {  	_ =	swait.ge [sflag:s11], $0x2710  }
0x12: {  	[sflag:s11] =	ssyncset.done $0x0  }
0x13: {  	[sflag:s11] =	ssyncadd.s32 $0xFFFFD8F0  }
0x14: {  	[tilespmem:s12], [sflag:$0x1] =	stream.linear.gather [hbm4b:s4+s2], $0x2710, $0x38;
	[tilespmem:$0x7610] =	vst v63  }
0x15: {  	_ =	swait.ge [sflag:s11], $0x2710  }
0x16: {  	[sflag:s11] =	ssyncset.done $0x0  }
0x17: {  	s18 =	simm.s32 $0x140;
	s17 =	simm.s32 $0x0;
	[sflag:s11] =	ssyncadd.s32 $0xFFFFD8F0  }
.LBB2_2:
0x18: {  	p0 =	sne.s32 s18, $0x9B00;
	[tilespmem:s17+$0x4E60] =	vst v7;
	s19 =	smov.u32 s18;
	s18 =	sadd.s32 $0x140, s18  }
.Ltmp0:
0x19: {  	[tilespmem:s17+$0x4E50] =	vst v7;
	(pc) =	sbr.rel @p0 .LBB2_2-.Ltmp0, $4  }
0x1a: {  	[tilespmem:s17+$0x4E40] =	vst v7  }
0x1b: {  	[tilespmem:s17+$0x4E20] =	vst v7  }
0x1c: {  	[tilespmem:s17+$0x4E30] =	vst v7  }
0x1d: {  	s17 =	sshra.s32 s19, $0x2  }
0x1e: {  	[tilespmem:s17+$0x4E60] =	vst v7  }
0x1f: {  	[tilespmem:s17+$0x4E50] =	vst v7  }
0x20: {  	[tilespmem:s17+$0x4E40] =	vst v7  }
0x21: {  	[tilespmem:s17+$0x4E20] =	vst v7  }
0x22: {  	[tilespmem:s17+$0x4E30] =	vst v7;
	s17 =	simm.s32 $0x0  }
.LBB2_4:
0x23: {  	s18 =	sshra.s32 s17, $0x2  }
0x24: {  	v16 =	vld [tilespmem:s18+$0x2710];
	_ =	sdelay $0x7  }
0x25: {  	[tilespmem:v16+s13+$0x0] =	vst.idx.add.f32.msk $0xffff, v8  }
0x26: {  	v16 =	vld [tilespmem:s18+$0x2720];
	_ =	sdelay $0x7  }
0x27: {  	[tilespmem:v16+s13+$0x0] =	vst.idx.add.f32.msk $0xffff, v8  }
0x28: {  	v16 =	vld [tilespmem:s18+$0x2730];
	_ =	sdelay $0x7  }
0x29: {  	[tilespmem:v16+s13+$0x0] =	vst.idx.add.f32.msk $0xffff, v8  }
0x2a: {  	v16 =	vld [tilespmem:s18+$0x2740];
	_ =	sdelay $0x7  }
0x2b: {  	[tilespmem:v16+s13+$0x0] =	vst.idx.add.f32.msk $0xffff, v8  }
0x2c: {  	v16 =	vld [tilespmem:s18+$0x2750];
	_ =	sdelay $0x2  }
0x2d: {  	p0 =	sne.s32 s17, $0x9B00  }
.Ltmp1:
0x2e: {  	_ = 	snop;
	(pc) =	sbr.rel @p0 .LBB2_4-.Ltmp1, $2  }
0x2f: {  	_ =	sdelay $0x2  }
0x30: {  	s17 =	sadd.s32 $0x140, s17;
	[tilespmem:v16+s13+$0x0] =	vst.idx.add.f32.msk $0xffff, v8  }
0x31: {  	[hbm4b:s5+s2] =	stream.linear.scatter [tilespmem:s13], [sflag:$0x1], $0x2710, $0x38;
	[tilespmem:$0x7610] =	vst v63  }
0x32: {  	_ =	swait.ge [sflag:s11], $0x2710  }
0x33: {  	[sflag:s11] =	ssyncset.done $0x0  }
0x34: {  	[sflag:s11] =	ssyncadd.s32 $0xFFFFD8F0  }
0x35: {  	[tilespmem:$0x7530] =	vst v0  }
0x36: {  	[tilespmem:$0x75A0] =	vst v9  }
0x37: {  	[tilespmem:$0x7540] =	vst v1  }
0x38: {  	[tilespmem:$0x75B0] =	vst v10  }
0x39: {  	[tilespmem:$0x7550] =	vst v2  }
0x3a: {  	[tilespmem:$0x75C0] =	vst v11  }
0x3b: {  	[tilespmem:$0x7560] =	vst v3  }
0x3c: {  	[tilespmem:$0x75D0] =	vst v12  }
0x3d: {  	[tilespmem:$0x7570] =	vst v4  }
0x3e: {  	[tilespmem:$0x75E0] =	vst v13  }
0x3f: {  	[tilespmem:$0x7580] =	vst v5  }
0x40: {  	[tilespmem:$0x75F0] =	vst v14  }
0x41: {  	[tilespmem:$0x7590] =	vst v6  }
0x42: {  	[tilespmem:$0x7600] =	vst v15  }
0x43: {  	[hbm4b:s6+s2] =	stream.linear.scatter [tilespmem:s2], [sflag:$0x1], $0x2710, $0x38;
	[tilespmem:$0x7610] =	vst v63  }
0x44: {  	_ =	swait.ge [sflag:s11], $0x2710  }
0x45: {  	[sflag:s11] =	ssyncset.done $0x0  }
0x46: {  	[sflag:s11] =	ssyncadd.s32 $0xFFFFD8F0  }
0x47: {  	[hbm4b:s7+s2] =	stream.linear.scatter [tilespmem:s12], [sflag:$0x1], $0x2710, $0x38;
	[tilespmem:$0x7610] =	vst v63  }
0x48: {  	_ =	swait.ge [sflag:s11], $0x2710  }
0x49: {  	[sflag:s11] =	ssyncset.done $0x0  }
0x4a: {  	[sflag:s11] =	ssyncadd.s32 $0xFFFFD8F0  }
0x4b: {  	[hbm4b:s8+s2] =	stream.linear.scatter [tilespmem:s14], [sflag:$0x1], $0x70, $0x38;
	[tilespmem:$0x7610] =	vst v63  }
0x4c: {  	s16 =	sadd.s32 $0x1, s16;
	_ =	swait.ge [sflag:s11], $0x70  }
0x4d: {  	p0 =	sne.s32 s16, s10;
	[sflag:s11] =	ssyncset.done $0x0  }
.Ltmp2:
0x4e: {  	[sflag:s11] =	ssyncadd.s32 $0xFFFFFF90;
	(pc) =	sbr.rel @p0 .LBB2_1-.Ltmp2, $4  }
0x4f: {  	[hbm4b:s9+s2] =	stream.linear.scatter [tilespmem:s15], [sflag:$0x1], $0x70, $0x38;
	[tilespmem:$0x7610] =	vst v63  }
0x50: {  	_ =	swait.ge [sflag:s11], $0x70  }
0x51: {  	[sflag:s11] =	ssyncset.done $0x0  }
0x52: {  	[sflag:s11] =	ssyncadd.s32 $0xFFFFFF90  }
0x53: {  	_ =	sfence.sel $0x180000  }
0x54: {  	[bflag:$0x0] =	sbarrier.arrive $0xFFFF  }
0x55: {  	p0 =	sne.s32 s0, $0x0;
	_ =	strace $0x90000047  }
0x56: {  	s0 =	sadd.s32 @!p0 $0x100000, s1;
	[bflag:$0x2] =	sbarrier.arrive $0xFFFF  }
0x57: {  	[sflag:s0] =	ssyncadd.tile.s32 @!p0 $0x1;
	_ =	shalt  }
.Lfunc_end2:
_tile_overlayer_lowered:
.L_overlay_start_2:
0x58: {  	(tag) =	ssettag $0x2  }
0x59: {  	s0 =	rddreg [dreg:$0x0];
	s2 =	stileid.u32  }
0x5a: {  	s1 =	rddreg [dreg:$0x1];
	p0 =	sne.s32 s2, $0x0  }
0x5b: {  	s3 =	rddreg [dreg:$0x2];
	[bflag:$0x3] =	sbarrier.arrive $0xFFFF;
	s2 =	simm.s32 @!p0 $0x1C01  }
0x5c: {  	[timem:s3], [sflag:s2] =	dma.local @!p0 [hbm:s0], s1  }
0x5d: {  	s0 =	simm.s32 @!p0 $0x1  }
0x5e: {  	_ =	swait.ge @!p0 [sflag:s0], s1  }
0x5f: {  	s1 =	ssub.s32 @!p0 $0x0, s1;
	[sflag:s0] =	ssyncset.done @!p0 $0x0  }
0x60: {  	[sflag:s0] =	ssyncadd.s32 @!p0 s1  }
0x61: {  	[bflag:$0x3] =	sbarrier.arrive $0xFFFF  }
0x62: {  	_ =	shalt  }

</sc_bundles>
